<compile_context>
chip_gen: v7x
topology: tpu7x:2x2x1
jax: 0.10.2.dev20260603
libtpu: 0.0.44.dev20260713+nightly
codegen_flags: <defaults>
</compile_context>

<pallas_src>
import functools

import jax
import jax.numpy as jnp
from jax import lax
from jax.experimental import pallas as pl
from jax.experimental.pallas import tpu as pltpu
from jax.experimental.pallas import tpu_sc as plsc

KNN = 16
EPS = 1e-5

SC_CORES = 2
SC_SUBCORES = 16
SC_WORKERS = SC_CORES * SC_SUBCORES


def _q_body(x_ref, w_ref, o_ref):
    o_ref[...] = jnp.dot(x_ref[...], w_ref[...],
                         preferred_element_type=jnp.float32)


_SORT16 = [
    (0, 1), (2, 3), (4, 5), (6, 7), (8, 9), (10, 11), (12, 13), (14, 15),
    (0, 2), (1, 3), (4, 6), (5, 7), (8, 10), (9, 11), (12, 14), (13, 15),
    (1, 2), (5, 6), (9, 10), (13, 14), (0, 4), (1, 5), (2, 6), (3, 7),
    (8, 12), (9, 13), (10, 14), (11, 15), (2, 4), (3, 5), (10, 12), (11, 13),
    (1, 2), (3, 4), (5, 6), (9, 10), (11, 12), (13, 14), (0, 8), (1, 9),
    (2, 10), (3, 11), (4, 12), (5, 13), (6, 14), (7, 15), (4, 8), (5, 9),
    (6, 10), (7, 11), (2, 4), (3, 5), (6, 8), (7, 9), (10, 12), (11, 13),
    (1, 2), (3, 4), (5, 6), (7, 8), (9, 10), (11, 12), (13, 14),
]


def _topk_body(xyz_ref, xyzt_ref, o_ref):
    x = xyz_ref[...]
    xt = xyzt_ref[...]
    n = xt.shape[1]
    tn = x.shape[0]
    nlane = 128
    ng = n // nlane
    sq_t = jnp.sum(x * x, axis=1, keepdims=True)
    sq_f = jnp.sum(xt * xt, axis=0, keepdims=True)
    dot = jnp.dot(x, xt, preferred_element_type=jnp.float32)
    d2 = jnp.maximum(sq_t + sq_f - 2.0 * dot, 0.0)

    planes = [d2[:, g * nlane:(g + 1) * nlane] for g in range(ng)]
    lane_iota = lax.broadcasted_iota(jnp.int32, (tn, nlane), 1)
    idxs = [lane_iota + (g * nlane) for g in range(ng)]
    for (a, b) in _SORT16:
        va, vb = planes[a], planes[b]
        ia, ib = idxs[a], idxs[b]
        swap = (vb < va) | ((vb == va) & (ib < ia))
        planes[a] = jnp.where(swap, vb, va)
        planes[b] = jnp.where(swap, va, vb)
        idxs[a] = jnp.where(swap, ib, ia)
        idxs[b] = jnp.where(swap, ia, ib)
    cols = []
    for r in range(KNN):
        m = jnp.min(planes[0], axis=1, keepdims=True)
        cand = jnp.where(planes[0] == m, idxs[0], n)
        i = jnp.min(cand, axis=1, keepdims=True)
        cols.append(i)
        win = cand == i
        for j in range(ng - 1 - r):
            planes[j] = jnp.where(win, planes[j + 1], planes[j])
            idxs[j] = jnp.where(win, idxs[j + 1], idxs[j])
    o_ref[...] = jnp.concatenate(cols, axis=1)


def _sc_gather(qflat, idxflat):
    rows, d = idxflat.shape[0], qflat.shape[1]
    ch = 128
    chunks = rows // (SC_WORKERS * ch)

    mesh = plsc.VectorSubcoreMesh(core_axis_name="c", subcore_axis_name="s")

    @functools.partial(
        pl.kernel,
        out_type=jax.ShapeDtypeStruct((rows, d), qflat.dtype),
        mesh=mesh,
        scratch_types=[
            pltpu.VMEM((ch,), jnp.int32),
            pltpu.VMEM((ch, d), qflat.dtype),
            pltpu.SemaphoreType.DMA,
        ],
    )
    def gk(q_hbm, idx_hbm, out_hbm, idx_v, rows_v, sem):
        c = lax.axis_index("c")
        s = lax.axis_index("s")
        wid = s * SC_CORES + c

        def body(j, carry):
            base = (wid * chunks + j) * ch
            pltpu.sync_copy(idx_hbm.at[pl.ds(base, ch)], idx_v)
            pltpu.async_copy(q_hbm.at[idx_v], rows_v, sem).wait()
            pltpu.sync_copy(rows_v, out_hbm.at[pl.ds(base, ch)])
            return carry

        lax.fori_loop(0, chunks, body, 0)

    return gk(qflat, idxflat)


def _stats1_body(g_ref, q_ref, b1_ref, o_ref):
    t = pl.program_id(0)
    tn = q_ref.shape[0]
    d = q_ref.shape[1]
    g = g_ref[...]
    qm = q_ref[...] - b1_ref[...]
    qb = jnp.broadcast_to(qm[:, None, :],
                          (tn, KNN, d)).reshape(tn * KNN, d)
    h1 = g - qb
    s = jnp.sum(h1, axis=0, keepdims=True)
    ss = jnp.sum(h1 * h1, axis=0, keepdims=True)
    upd = jnp.concatenate([s, ss], axis=0)

    @pl.when(t == 0)
    def _():
        o_ref[...] = jnp.zeros_like(o_ref)

    o_ref[...] += upd


def _main_body(nrows, g_ref, q_ref, st1_ref, b1_ref, g1_ref, be1_ref, w2_ref,
               b2_ref, mmax_ref, st2_ref):
    t = pl.program_id(0)
    tn = q_ref.shape[0]
    d = q_ref.shape[1]
    st = st1_ref[...]
    mean1 = st[0:1, :] / nrows
    var1 = st[1:2, :] / nrows - mean1 * mean1
    sc1 = g1_ref[...] * lax.rsqrt(var1 + EPS)
    c1 = be1_ref[...] - mean1 * sc1

    g = g_ref[...]
    off = (q_ref[...] - b1_ref[...]) * sc1 - c1
    offb = jnp.broadcast_to(off[:, None, :],
                            (tn, KNN, d)).reshape(tn * KNN, d)
    a = jnp.maximum(g * sc1 - offb, 0.0).astype(jnp.bfloat16)
    h2 = jnp.dot(a, w2_ref[...],
                 preferred_element_type=jnp.float32) + b2_ref[...]

    s = jnp.sum(h2, axis=0, keepdims=True)
    ss = jnp.sum(h2 * h2, axis=0, keepdims=True)

    @pl.when(t == 0)
    def _():
        st2_ref[...] = jnp.zeros_like(st2_ref)

    st2_ref[...] += jnp.concatenate([s, ss], axis=0)

    h3 = h2.reshape(tn, KNN, d)
    mmax_ref[...] = jnp.max(h3, axis=1)


def _final_body(nrows, mmax_ref, st2_ref, g2_ref, be2_ref, o_ref):
    st = st2_ref[...]
    mean2 = st[0:1, :] / nrows
    var2 = st[1:2, :] / nrows - mean2 * mean2
    sc2 = jnp.abs(g2_ref[...]) * lax.rsqrt(var2 + EPS)
    o_ref[...] = jnp.maximum((mmax_ref[...] - mean2) * sc2 + be2_ref[...],
                             0.0)


def kernel(xyz, features, W1, b1, g1, be1, W2, b2, g2, be2):
    B, N, _ = xyz.shape
    D = W1.shape[1]
    R = B * N * KNN
    BN = B * N
    RB = N * KNN

    x_cat = jnp.concatenate([xyz, features], axis=2).reshape(BN, D)
    b1r = b1.reshape(1, D)
    g1r = g1.reshape(1, D)
    be1r = be1.reshape(1, D)
    b2r = b2.reshape(1, D)
    g2r = g2.reshape(1, D)
    be2r = be2.reshape(1, D)
    s2 = jnp.sign(g2)
    w2bf = (W2 * s2[None, :]).astype(jnp.bfloat16)
    b2r = b2r * s2.reshape(1, D)

    TQ = 1024
    q = pl.pallas_call(
        _q_body,
        grid=(BN // TQ,),
        in_specs=[
            pl.BlockSpec((TQ, D), lambda t: (t, 0)),
            pl.BlockSpec((D, D), lambda t: (0, 0)),
        ],
        out_specs=pl.BlockSpec((TQ, D), lambda t: (t, 0)),
        out_shape=jax.ShapeDtypeStruct((BN, D), jnp.float32),
    )(x_cat, W1)
    q = q.reshape(B, N, D)

    TN = 256
    xyzt = xyz.transpose(0, 2, 1)
    topk_call = pl.pallas_call(
        _topk_body,
        grid=(N // TN,),
        in_specs=[
            pl.BlockSpec((TN, 3), lambda t: (t, 0)),
            pl.BlockSpec((3, N), lambda t: (0, 0)),
        ],
        out_specs=pl.BlockSpec((TN, KNN), lambda t: (t, 0)),
        out_shape=jax.ShapeDtypeStruct((N, KNN), jnp.int32),
    )
    g_rows = []
    for b in range(B):
        idx_b = topk_call(xyz[b], xyzt[b])
        g_rows.append(_sc_gather(q[b], idx_b.reshape(RB)))

    TS = 256
    stats_call = pl.pallas_call(
        _stats1_body,
        grid=(N // TS,),
        in_specs=[
            pl.BlockSpec((TS * KNN, D), lambda t: (t, 0)),
            pl.BlockSpec((TS, D), lambda t: (t, 0)),
            pl.BlockSpec((1, D), lambda t: (0, 0)),
        ],
        out_specs=pl.BlockSpec((2, D), lambda t: (0, 0)),
        out_shape=jax.ShapeDtypeStruct((2, D), jnp.float32),
    )
    stats1 = sum(stats_call(g_rows[b], q[b], b1r) for b in range(B))

    TM = 256
    main_call = pl.pallas_call(
        functools.partial(_main_body, float(R)),
        grid=(N // TM,),
        in_specs=[
            pl.BlockSpec((TM * KNN, D), lambda t: (t, 0)),
            pl.BlockSpec((TM, D), lambda t: (t, 0)),
            pl.BlockSpec((2, D), lambda t: (0, 0)),
            pl.BlockSpec((1, D), lambda t: (0, 0)),
            pl.BlockSpec((1, D), lambda t: (0, 0)),
            pl.BlockSpec((1, D), lambda t: (0, 0)),
            pl.BlockSpec((D, D), lambda t: (0, 0)),
            pl.BlockSpec((1, D), lambda t: (0, 0)),
        ],
        out_specs=[
            pl.BlockSpec((TM, D), lambda t: (t, 0)),
            pl.BlockSpec((2, D), lambda t: (0, 0)),
        ],
        out_shape=[
            jax.ShapeDtypeStruct((N, D), jnp.float32),
            jax.ShapeDtypeStruct((2, D), jnp.float32),
        ],
    )
    mmax, st2 = [], []
    for b in range(B):
        a_, c_ = main_call(g_rows[b], q[b], stats1, b1r, g1r, be1r,
                           w2bf, b2r)
        mmax.append(a_)
        st2.append(c_)
    stats2 = sum(st2)

    TF = 512
    final_call = pl.pallas_call(
        functools.partial(_final_body, float(R)),
        grid=(N // TF,),
        in_specs=[
            pl.BlockSpec((TF, D), lambda t: (t, 0)),
            pl.BlockSpec((2, D), lambda t: (0, 0)),
            pl.BlockSpec((1, D), lambda t: (0, 0)),
            pl.BlockSpec((1, D), lambda t: (0, 0)),
        ],
        out_specs=pl.BlockSpec((TF, D), lambda t: (t, 0)),
        out_shape=jax.ShapeDtypeStruct((N, D), jnp.float32),
    )
    out = [final_call(mmax[b], stats2, g2r, be2r) for b in range(B)]
    return jnp.stack(out, axis=0)

# --- scband reference (transcript-rebuilt; emitter-appended) ---
"""Pipeline reference for scband-neighborhood-embedding-5360119186123 (READ-ONLY COPY).

The authoritative reference and input builder live on the scoring server;
editing this copy changes nothing except your own understanding.
"""

import jax, jax.numpy as jnp
import numpy as np

K = 16
EPS = 1e-5

def setup_inputs(seed: int = 0) -> dict:
    key = jax.random.key(seed)
    ks = jax.random.split(key, 8)
    B, N, C = 4, 2048, 253
    IN2, OUT = 256, 256
    xyz = jax.random.normal(ks[0], (B, N, 3), dtype=jnp.float32)
    features = jax.random.normal(ks[1], (B, N, C), dtype=jnp.float32)
    W1 = jax.random.normal(ks[2], (IN2, OUT), dtype=jnp.float32) * (1.0 / np.sqrt(IN2))
    b1 = jax.random.normal(ks[3], (OUT,), dtype=jnp.float32) * 0.01
    g1 = jnp.ones((OUT,), dtype=jnp.float32)
    be1 = jnp.zeros((OUT,), dtype=jnp.float32)
    W2 = jax.random.normal(ks[4], (OUT, OUT), dtype=jnp.float32) * (1.0 / np.sqrt(OUT))
    b2 = jax.random.normal(ks[5], (OUT,), dtype=jnp.float32) * 0.01
    g2 = jnp.ones((OUT,), dtype=jnp.float32)
    be2 = jnp.zeros((OUT,), dtype=jnp.float32)
    return {"xyz": xyz, "features": features, "W1": W1, "b1": b1, "g1": g1, "be1": be1,
            "W2": W2, "b2": b2, "g2": g2, "be2": be2}

def _batchnorm(x, g, b):
    m = jnp.mean(x, axis=0)
    v = jnp.var(x, axis=0)
    return (x - m) / jnp.sqrt(v + EPS) * g + b

def reference(xyz, features, W1, b1, g1, be1, W2, b2, g2, be2):
    B, N, _ = xyz.shape
    # pairwise squared distances (same ordering as torch.cdist for topk purposes)
    sq = jnp.sum(xyz * xyz, axis=-1)
    d2 = sq[:, :, None] + sq[:, None, :] - 2.0 * jnp.einsum('bnd,bmd->bnm', xyz, xyz)
    d2 = jnp.maximum(d2, 0.0)
    _, knn_idx = jax.lax.top_k(-d2, K)  # smallest distances -> (B, N, K)
    gather = jax.vmap(lambda a, i: a[i])
    knn_xyz = gather(xyz, knn_idx)          # (B, N, K, 3)
    knn_feat = gather(features, knn_idx)    # (B, N, K, C)
    rel_xyz = knn_xyz - xyz[:, :, None, :]
    rel_feat = knn_feat - features[:, :, None, :]
    combined = jnp.concatenate([rel_xyz, rel_feat], axis=-1)
    combined = combined.reshape(B * N * K, -1)
    h = combined @ W1 + b1
    h = _batchnorm(h, g1, be1)
    h = jax.nn.relu(h)
    h = h @ W2 + b2
    h = _batchnorm(h, g2, be2)
    h = jax.nn.relu(h)
    h = h.reshape(B, N, K, -1)
    return jnp.max(h, axis=2)

if __name__ == "__main__":
    import jax
    _d = setup_inputs()
    print(jax.jit(kernel)(*tuple(_d.values())))

</pallas_src>

<mosaic_0001>
#map = affine_map<(d0, d1) -> (0, 0)>
#map1 = affine_map<(d0, d1) -> (0)>
module attributes {stable_mosaic.version = 14 : i64} {
  func.func @gk(%arg0: i32, %arg1: i32, %arg2: memref<2048x256xf32, #tpu.memory_space<hbm>>, %arg3: memref<32768xi32, #tpu.memory_space<hbm>>, %arg4: memref<32768x256xf32, #tpu.memory_space<hbm>>, %arg5: memref<128xi32, #tpu.memory_space<vmem>>, %arg6: memref<128x256xf32, #tpu.memory_space<vmem>>, %arg7: memref<!tpu.dma_semaphore, #tpu.memory_space<semaphore_mem>>) attributes {dimension_semantics = [#tpu.dimension_semantics<core_parallel>, #tpu.dimension_semantics<subcore_parallel>], iteration_bounds = array<i64: 2, 16>, scalar_prefetch = 0 : i64, scratch_operands = 3 : i64, tpu.core_type = #tpu.core_type<sc_vector_subcore>, window_params = [{transform_indices = #map}, {transform_indices = #map1}, {transform_indices = #map}]} {
    %mul3A = arith.constant 2 : i32
    %mul3A_0 = arith.muli %arg1, %mul3A : i32
    %add3A = arith.addi %mul3A_0, %arg0 : i32
    %scan3A = arith.constant 0 : i32
    %scan3A_1 = arith.constant 0 : i32
    %scan3A_2 = arith.constant 8 : i32
    %scan3A_3 = arith.addi %scan3A_1, %scan3A_2 : i32
    %scan3A_4 = arith.constant 1 : i32
    scf.for %scan3A_6 = %scan3A_1 to %scan3A_3 step %scan3A_4  : i32 {
      %mul3A_7 = arith.constant 8 : i32
      %mul3A_8 = arith.muli %add3A, %mul3A_7 : i32
      %add3A_9 = arith.addi %mul3A_8, %scan3A_6 : i32
      %mul3A_10 = arith.constant 128 : i32
      %mul3A_11 = arith.muli %add3A_9, %mul3A_10 : i32
      "tpu.region"() ({
        %run_scoped3A = tpu.sem_alloc : memref<!tpu.dma_semaphore, #tpu.memory_space<semaphore_mem>>
        %dma_start3A_16 = tpu.memref_slice %arg3[%mul3A_11] : memref<32768xi32, #tpu.memory_space<hbm>> -> memref<128xi32, #tpu.memory_space<hbm>>
        %dma_start3A_17 = tpu.memref_slice %arg3[%mul3A_11] : memref<32768xi32, #tpu.memory_space<hbm>> -> memref<128xi32, #tpu.memory_space<hbm>>
        tpu.enqueue_dma source(%dma_start3A_17 : memref<128xi32, #tpu.memory_space<hbm>>) target(%arg5 : memref<128xi32, #tpu.memory_space<vmem>>) target_semaphore(%run_scoped3A : memref<!tpu.dma_semaphore, #tpu.memory_space<semaphore_mem>>)
        %dma_wait3A_18 = tpu.memref_slice %arg3[%mul3A_11] : memref<32768xi32, #tpu.memory_space<hbm>> -> memref<128xi32, #tpu.memory_space<hbm>>
        %dma_wait3A_19 = tpu.memref_slice %arg3[%mul3A_11] : memref<32768xi32, #tpu.memory_space<hbm>> -> memref<128xi32, #tpu.memory_space<hbm>>
        tpu.wait_dma2 semaphore(%run_scoped3A : memref<!tpu.dma_semaphore, #tpu.memory_space<semaphore_mem>>) src(%dma_wait3A_19 : memref<128xi32, #tpu.memory_space<hbm>>) dst(%arg5 : memref<128xi32, #tpu.memory_space<vmem>>)
        tpu.yield
      }) : () -> ()
      %dma_start3A = arith.constant 0 : i32
      %dma_start3A_12 = arith.constant 0 : i32
      %dma_start3A_13 = tpu.memref_slice %arg2[%dma_start3A, %dma_start3A_12] : memref<2048x256xf32, #tpu.memory_space<hbm>> -> memref<2048x256xf32, #tpu.memory_space<hbm>>
      tpu.enqueue_indirect_dma source(%dma_start3A_13 : memref<2048x256xf32, #tpu.memory_space<hbm>>) target(%arg6 : memref<128x256xf32, #tpu.memory_space<vmem>>) offsets(%arg5 : memref<128xi32, #tpu.memory_space<vmem>>) semaphore(%arg7 : memref<!tpu.dma_semaphore, #tpu.memory_space<semaphore_mem>>)
      %dma_wait3A = arith.constant 0 : i32
      %dma_wait3A_14 = arith.constant 0 : i32
      %dma_wait3A_15 = tpu.memref_slice %arg2[%dma_wait3A, %dma_wait3A_14] : memref<2048x256xf32, #tpu.memory_space<hbm>> -> memref<2048x256xf32, #tpu.memory_space<hbm>>
      tpu.wait_indirect_dma semaphore(%arg7 : memref<!tpu.dma_semaphore, #tpu.memory_space<semaphore_mem>>) src(%dma_wait3A_15 : memref<2048x256xf32, #tpu.memory_space<hbm>>) dst(%arg6 : memref<128x256xf32, #tpu.memory_space<vmem>>)
      "tpu.region"() ({
        %run_scoped3A = tpu.sem_alloc : memref<!tpu.dma_semaphore, #tpu.memory_space<semaphore_mem>>
        %dma_start3A_16 = arith.constant 0 : i32
        %dma_start3A_17 = tpu.memref_slice %arg4[%mul3A_11, %dma_start3A_16] : memref<32768x256xf32, #tpu.memory_space<hbm>> -> memref<128x256xf32, #tpu.memory_space<hbm>>
        %dma_start3A_18 = arith.constant 0 : i32
        %dma_start3A_19 = tpu.memref_slice %arg4[%mul3A_11, %dma_start3A_18] : memref<32768x256xf32, #tpu.memory_space<hbm>> -> memref<128x256xf32, #tpu.memory_space<hbm>>
        tpu.enqueue_dma source(%arg6 : memref<128x256xf32, #tpu.memory_space<vmem>>) target(%dma_start3A_19 : memref<128x256xf32, #tpu.memory_space<hbm>>) target_semaphore(%run_scoped3A : memref<!tpu.dma_semaphore, #tpu.memory_space<semaphore_mem>>)
        %dma_wait3A_20 = arith.constant 0 : i32
        %dma_wait3A_21 = tpu.memref_slice %arg4[%mul3A_11, %dma_wait3A_20] : memref<32768x256xf32, #tpu.memory_space<hbm>> -> memref<128x256xf32, #tpu.memory_space<hbm>>
        %dma_wait3A_22 = arith.constant 0 : i32
        %dma_wait3A_23 = tpu.memref_slice %arg4[%mul3A_11, %dma_wait3A_22] : memref<32768x256xf32, #tpu.memory_space<hbm>> -> memref<128x256xf32, #tpu.memory_space<hbm>>
        tpu.wait_dma2 semaphore(%run_scoped3A : memref<!tpu.dma_semaphore, #tpu.memory_space<semaphore_mem>>) src(%arg6 : memref<128x256xf32, #tpu.memory_space<vmem>>) dst(%dma_wait3A_23 : memref<128x256xf32, #tpu.memory_space<hbm>>)
        tpu.yield
      }) : () -> ()
    }
    %scan3A_5 = arith.constant 8 : i32
    return
  }
}

#map = affine_map<(d0, d1) -> (0, 0)>
#map1 = affine_map<(d0, d1) -> (0)>
module attributes {stable_mosaic.version = 14 : i64} {
  func.func @gk(%arg0: i32, %arg1: i32, %arg2: memref<2048x256xf32, #tpu.memory_space<hbm>>, %arg3: memref<32768xi32, #tpu.memory_space<hbm>>, %arg4: memref<32768x256xf32, #tpu.memory_space<hbm>>, %arg5: memref<128xi32, #tpu.memory_space<vmem>>, %arg6: memref<128x256xf32, #tpu.memory_space<vmem>>, %arg7: memref<!tpu.dma_semaphore, #tpu.memory_space<semaphore_mem>>) attributes {dimension_semantics = [#tpu.dimension_semantics<core_parallel>, #tpu.dimension_semantics<subcore_parallel>], iteration_bounds = array<i64: 2, 16>, scalar_prefetch = 0 : i64, scratch_operands = 3 : i64, tpu.core_type = #tpu.core_type<sc_vector_subcore>, window_params = [{transform_indices = #map}, {transform_indices = #map1}, {transform_indices = #map}]} {
    %mul3A = arith.constant 2 : i32
    %mul3A_0 = arith.muli %arg1, %mul3A : i32
    %add3A = arith.addi %mul3A_0, %arg0 : i32
    %scan3A = arith.constant 0 : i32
    %scan3A_1 = arith.constant 0 : i32
    %scan3A_2 = arith.constant 8 : i32
    %scan3A_3 = arith.addi %scan3A_1, %scan3A_2 : i32
    %scan3A_4 = arith.constant 1 : i32
    scf.for %scan3A_6 = %scan3A_1 to %scan3A_3 step %scan3A_4  : i32 {
      %mul3A_7 = arith.constant 8 : i32
      %mul3A_8 = arith.muli %add3A, %mul3A_7 : i32
      %add3A_9 = arith.addi %mul3A_8, %scan3A_6 : i32
      %mul3A_10 = arith.constant 128 : i32
      %mul3A_11 = arith.muli %add3A_9, %mul3A_10 : i32
      "tpu.region"() ({
        %run_scoped3A = tpu.sem_alloc : memref<!tpu.dma_semaphore, #tpu.memory_space<semaphore_mem>>
        %dma_start3A_16 = tpu.memref_slice %arg3[%mul3A_11] : memref<32768xi32, #tpu.memory_space<hbm>> -> memref<128xi32, #tpu.memory_space<hbm>>
        %dma_start3A_17 = tpu.memref_slice %arg3[%mul3A_11] : memref<32768xi32, #tpu.memory_space<hbm>> -> memref<128xi32, #tpu.memory_space<hbm>>
        tpu.enqueue_dma source(%dma_start3A_17 : memref<128xi32, #tpu.memory_space<hbm>>) target(%arg5 : memref<128xi32, #tpu.memory_space<vmem>>) target_semaphore(%run_scoped3A : memref<!tpu.dma_semaphore, #tpu.memory_space<semaphore_mem>>)
        %dma_wait3A_18 = tpu.memref_slice %arg3[%mul3A_11] : memref<32768xi32, #tpu.memory_space<hbm>> -> memref<128xi32, #tpu.memory_space<hbm>>
        %dma_wait3A_19 = tpu.memref_slice %arg3[%mul3A_11] : memref<32768xi32, #tpu.memory_space<hbm>> -> memref<128xi32, #tpu.memory_space<hbm>>
        tpu.wait_dma2 semaphore(%run_scoped3A : memref<!tpu.dma_semaphore, #tpu.memory_space<semaphore_mem>>) src(%dma_wait3A_19 : memref<128xi32, #tpu.memory_space<hbm>>) dst(%arg5 : memref<128xi32, #tpu.memory_space<vmem>>)
        tpu.yield
      }) : () -> ()
      %dma_start3A = arith.constant 0 : i32
      %dma_start3A_12 = arith.constant 0 : i32
      %dma_start3A_13 = tpu.memref_slice %arg2[%dma_start3A, %dma_start3A_12] : memref<2048x256xf32, #tpu.memory_space<hbm>> -> memref<2048x256xf32, #tpu.memory_space<hbm>>
      tpu.enqueue_indirect_dma source(%dma_start3A_13 : memref<2048x256xf32, #tpu.memory_space<hbm>>) target(%arg6 : memref<128x256xf32, #tpu.memory_space<vmem>>) offsets(%arg5 : memref<128xi32, #tpu.memory_space<vmem>>) semaphore(%arg7 : memref<!tpu.dma_semaphore, #tpu.memory_space<semaphore_mem>>)
      %dma_wait3A = arith.constant 0 : i32
      %dma_wait3A_14 = arith.constant 0 : i32
      %dma_wait3A_15 = tpu.memref_slice %arg2[%dma_wait3A, %dma_wait3A_14] : memref<2048x256xf32, #tpu.memory_space<hbm>> -> memref<2048x256xf32, #tpu.memory_space<hbm>>
      tpu.wait_indirect_dma semaphore(%arg7 : memref<!tpu.dma_semaphore, #tpu.memory_space<semaphore_mem>>) src(%dma_wait3A_15 : memref<2048x256xf32, #tpu.memory_space<hbm>>) dst(%arg6 : memref<128x256xf32, #tpu.memory_space<vmem>>)
      "tpu.region"() ({
        %run_scoped3A = tpu.sem_alloc : memref<!tpu.dma_semaphore, #tpu.memory_space<semaphore_mem>>
        %dma_start3A_16 = arith.constant 0 : i32
        %dma_start3A_17 = tpu.memref_slice %arg4[%mul3A_11, %dma_start3A_16] : memref<32768x256xf32, #tpu.memory_space<hbm>> -> memref<128x256xf32, #tpu.memory_space<hbm>>
        %dma_start3A_18 = arith.constant 0 : i32
        %dma_start3A_19 = tpu.memref_slice %arg4[%mul3A_11, %dma_start3A_18] : memref<32768x256xf32, #tpu.memory_space<hbm>> -> memref<128x256xf32, #tpu.memory_space<hbm>>
        tpu.enqueue_dma source(%arg6 : memref<128x256xf32, #tpu.memory_space<vmem>>) target(%dma_start3A_19 : memref<128x256xf32, #tpu.memory_space<hbm>>) target_semaphore(%run_scoped3A : memref<!tpu.dma_semaphore, #tpu.memory_space<semaphore_mem>>)
        %dma_wait3A_20 = arith.constant 0 : i32
        %dma_wait3A_21 = tpu.memref_slice %arg4[%mul3A_11, %dma_wait3A_20] : memref<32768x256xf32, #tpu.memory_space<hbm>> -> memref<128x256xf32, #tpu.memory_space<hbm>>
        %dma_wait3A_22 = arith.constant 0 : i32
        %dma_wait3A_23 = tpu.memref_slice %arg4[%mul3A_11, %dma_wait3A_22] : memref<32768x256xf32, #tpu.memory_space<hbm>> -> memref<128x256xf32, #tpu.memory_space<hbm>>
        tpu.wait_dma2 semaphore(%run_scoped3A : memref<!tpu.dma_semaphore, #tpu.memory_space<semaphore_mem>>) src(%arg6 : memref<128x256xf32, #tpu.memory_space<vmem>>) dst(%dma_wait3A_23 : memref<128x256xf32, #tpu.memory_space<hbm>>)
        tpu.yield
      }) : () -> ()
    }
    %scan3A_5 = arith.constant 8 : i32
    return
  }
}

#map = affine_map<(d0, d1) -> (0, 0)>
#map1 = affine_map<(d0, d1) -> (0)>
module attributes {stable_mosaic.version = 14 : i64} {
  func.func @gk(%arg0: i32, %arg1: i32, %arg2: memref<2048x256xf32, #tpu.memory_space<hbm>>, %arg3: memref<32768xi32, #tpu.memory_space<hbm>>, %arg4: memref<32768x256xf32, #tpu.memory_space<hbm>>, %arg5: memref<128xi32, #tpu.memory_space<vmem>>, %arg6: memref<128x256xf32, #tpu.memory_space<vmem>>, %arg7: memref<!tpu.dma_semaphore, #tpu.memory_space<semaphore_mem>>) attributes {dimension_semantics = [#tpu.dimension_semantics<core_parallel>, #tpu.dimension_semantics<subcore_parallel>], iteration_bounds = array<i64: 2, 16>, scalar_prefetch = 0 : i64, scratch_operands = 3 : i64, tpu.core_type = #tpu.core_type<sc_vector_subcore>, window_params = [{transform_indices = #map}, {transform_indices = #map1}, {transform_indices = #map}]} {
    %mul3A = arith.constant 2 : i32
    %mul3A_0 = arith.muli %arg1, %mul3A : i32
    %add3A = arith.addi %mul3A_0, %arg0 : i32
    %scan3A = arith.constant 0 : i32
    %scan3A_1 = arith.constant 0 : i32
    %scan3A_2 = arith.constant 8 : i32
    %scan3A_3 = arith.addi %scan3A_1, %scan3A_2 : i32
    %scan3A_4 = arith.constant 1 : i32
    scf.for %scan3A_6 = %scan3A_1 to %scan3A_3 step %scan3A_4  : i32 {
      %mul3A_7 = arith.constant 8 : i32
      %mul3A_8 = arith.muli %add3A, %mul3A_7 : i32
      %add3A_9 = arith.addi %mul3A_8, %scan3A_6 : i32
      %mul3A_10 = arith.constant 128 : i32
      %mul3A_11 = arith.muli %add3A_9, %mul3A_10 : i32
      "tpu.region"() ({
        %run_scoped3A = tpu.sem_alloc : memref<!tpu.dma_semaphore, #tpu.memory_space<semaphore_mem>>
        %dma_start3A_16 = tpu.memref_slice %arg3[%mul3A_11] : memref<32768xi32, #tpu.memory_space<hbm>> -> memref<128xi32, #tpu.memory_space<hbm>>
        %dma_start3A_17 = tpu.memref_slice %arg3[%mul3A_11] : memref<32768xi32, #tpu.memory_space<hbm>> -> memref<128xi32, #tpu.memory_space<hbm>>
        tpu.enqueue_dma source(%dma_start3A_17 : memref<128xi32, #tpu.memory_space<hbm>>) target(%arg5 : memref<128xi32, #tpu.memory_space<vmem>>) target_semaphore(%run_scoped3A : memref<!tpu.dma_semaphore, #tpu.memory_space<semaphore_mem>>)
        %dma_wait3A_18 = tpu.memref_slice %arg3[%mul3A_11] : memref<32768xi32, #tpu.memory_space<hbm>> -> memref<128xi32, #tpu.memory_space<hbm>>
        %dma_wait3A_19 = tpu.memref_slice %arg3[%mul3A_11] : memref<32768xi32, #tpu.memory_space<hbm>> -> memref<128xi32, #tpu.memory_space<hbm>>
        tpu.wait_dma2 semaphore(%run_scoped3A : memref<!tpu.dma_semaphore, #tpu.memory_space<semaphore_mem>>) src(%dma_wait3A_19 : memref<128xi32, #tpu.memory_space<hbm>>) dst(%arg5 : memref<128xi32, #tpu.memory_space<vmem>>)
        tpu.yield
      }) : () -> ()
      %dma_start3A = arith.constant 0 : i32
      %dma_start3A_12 = arith.constant 0 : i32
      %dma_start3A_13 = tpu.memref_slice %arg2[%dma_start3A, %dma_start3A_12] : memref<2048x256xf32, #tpu.memory_space<hbm>> -> memref<2048x256xf32, #tpu.memory_space<hbm>>
      tpu.enqueue_indirect_dma source(%dma_start3A_13 : memref<2048x256xf32, #tpu.memory_space<hbm>>) target(%arg6 : memref<128x256xf32, #tpu.memory_space<vmem>>) offsets(%arg5 : memref<128xi32, #tpu.memory_space<vmem>>) semaphore(%arg7 : memref<!tpu.dma_semaphore, #tpu.memory_space<semaphore_mem>>)
      %dma_wait3A = arith.constant 0 : i32
      %dma_wait3A_14 = arith.constant 0 : i32
      %dma_wait3A_15 = tpu.memref_slice %arg2[%dma_wait3A, %dma_wait3A_14] : memref<2048x256xf32, #tpu.memory_space<hbm>> -> memref<2048x256xf32, #tpu.memory_space<hbm>>
      tpu.wait_indirect_dma semaphore(%arg7 : memref<!tpu.dma_semaphore, #tpu.memory_space<semaphore_mem>>) src(%dma_wait3A_15 : memref<2048x256xf32, #tpu.memory_space<hbm>>) dst(%arg6 : memref<128x256xf32, #tpu.memory_space<vmem>>)
      "tpu.region"() ({
        %run_scoped3A = tpu.sem_alloc : memref<!tpu.dma_semaphore, #tpu.memory_space<semaphore_mem>>
        %dma_start3A_16 = arith.constant 0 : i32
        %dma_start3A_17 = tpu.memref_slice %arg4[%mul3A_11, %dma_start3A_16] : memref<32768x256xf32, #tpu.memory_space<hbm>> -> memref<128x256xf32, #tpu.memory_space<hbm>>
        %dma_start3A_18 = arith.constant 0 : i32
        %dma_start3A_19 = tpu.memref_slice %arg4[%mul3A_11, %dma_start3A_18] : memref<32768x256xf32, #tpu.memory_space<hbm>> -> memref<128x256xf32, #tpu.memory_space<hbm>>
        tpu.enqueue_dma source(%arg6 : memref<128x256xf32, #tpu.memory_space<vmem>>) target(%dma_start3A_19 : memref<128x256xf32, #tpu.memory_space<hbm>>) target_semaphore(%run_scoped3A : memref<!tpu.dma_semaphore, #tpu.memory_space<semaphore_mem>>)
        %dma_wait3A_20 = arith.constant 0 : i32
        %dma_wait3A_21 = tpu.memref_slice %arg4[%mul3A_11, %dma_wait3A_20] : memref<32768x256xf32, #tpu.memory_space<hbm>> -> memref<128x256xf32, #tpu.memory_space<hbm>>
        %dma_wait3A_22 = arith.constant 0 : i32
        %dma_wait3A_23 = tpu.memref_slice %arg4[%mul3A_11, %dma_wait3A_22] : memref<32768x256xf32, #tpu.memory_space<hbm>> -> memref<128x256xf32, #tpu.memory_space<hbm>>
        tpu.wait_dma2 semaphore(%run_scoped3A : memref<!tpu.dma_semaphore, #tpu.memory_space<semaphore_mem>>) src(%arg6 : memref<128x256xf32, #tpu.memory_space<vmem>>) dst(%dma_wait3A_23 : memref<128x256xf32, #tpu.memory_space<hbm>>)
        tpu.yield
      }) : () -> ()
    }
    %scan3A_5 = arith.constant 8 : i32
    return
  }
}

#map = affine_map<(d0, d1) -> (0, 0)>
#map1 = affine_map<(d0, d1) -> (0)>
module attributes {stable_mosaic.version = 14 : i64} {
  func.func @gk(%arg0: i32, %arg1: i32, %arg2: memref<2048x256xf32, #tpu.memory_space<hbm>>, %arg3: memref<32768xi32, #tpu.memory_space<hbm>>, %arg4: memref<32768x256xf32, #tpu.memory_space<hbm>>, %arg5: memref<128xi32, #tpu.memory_space<vmem>>, %arg6: memref<128x256xf32, #tpu.memory_space<vmem>>, %arg7: memref<!tpu.dma_semaphore, #tpu.memory_space<semaphore_mem>>) attributes {dimension_semantics = [#tpu.dimension_semantics<core_parallel>, #tpu.dimension_semantics<subcore_parallel>], iteration_bounds = array<i64: 2, 16>, scalar_prefetch = 0 : i64, scratch_operands = 3 : i64, tpu.core_type = #tpu.core_type<sc_vector_subcore>, window_params = [{transform_indices = #map}, {transform_indices = #map1}, {transform_indices = #map}]} {
    %mul3A = arith.constant 2 : i32
    %mul3A_0 = arith.muli %arg1, %mul3A : i32
    %add3A = arith.addi %mul3A_0, %arg0 : i32
    %scan3A = arith.constant 0 : i32
    %scan3A_1 = arith.constant 0 : i32
    %scan3A_2 = arith.constant 8 : i32
    %scan3A_3 = arith.addi %scan3A_1, %scan3A_2 : i32
    %scan3A_4 = arith.constant 1 : i32
    scf.for %scan3A_6 = %scan3A_1 to %scan3A_3 step %scan3A_4  : i32 {
      %mul3A_7 = arith.constant 8 : i32
      %mul3A_8 = arith.muli %add3A, %mul3A_7 : i32
      %add3A_9 = arith.addi %mul3A_8, %scan3A_6 : i32
      %mul3A_10 = arith.constant 128 : i32
      %mul3A_11 = arith.muli %add3A_9, %mul3A_10 : i32
      "tpu.region"() ({
        %run_scoped3A = tpu.sem_alloc : memref<!tpu.dma_semaphore, #tpu.memory_space<semaphore_mem>>
        %dma_start3A_16 = tpu.memref_slice %arg3[%mul3A_11] : memref<32768xi32, #tpu.memory_space<hbm>> -> memref<128xi32, #tpu.memory_space<hbm>>
        %dma_start3A_17 = tpu.memref_slice %arg3[%mul3A_11] : memref<32768xi32, #tpu.memory_space<hbm>> -> memref<128xi32, #tpu.memory_space<hbm>>
        tpu.enqueue_dma source(%dma_start3A_17 : memref<128xi32, #tpu.memory_space<hbm>>) target(%arg5 : memref<128xi32, #tpu.memory_space<vmem>>) target_semaphore(%run_scoped3A : memref<!tpu.dma_semaphore, #tpu.memory_space<semaphore_mem>>)
        %dma_wait3A_18 = tpu.memref_slice %arg3[%mul3A_11] : memref<32768xi32, #tpu.memory_space<hbm>> -> memref<128xi32, #tpu.memory_space<hbm>>
        %dma_wait3A_19 = tpu.memref_slice %arg3[%mul3A_11] : memref<32768xi32, #tpu.memory_space<hbm>> -> memref<128xi32, #tpu.memory_space<hbm>>
        tpu.wait_dma2 semaphore(%run_scoped3A : memref<!tpu.dma_semaphore, #tpu.memory_space<semaphore_mem>>) src(%dma_wait3A_19 : memref<128xi32, #tpu.memory_space<hbm>>) dst(%arg5 : memref<128xi32, #tpu.memory_space<vmem>>)
        tpu.yield
      }) : () -> ()
      %dma_start3A = arith.constant 0 : i32
      %dma_start3A_12 = arith.constant 0 : i32
      %dma_start3A_13 = tpu.memref_slice %arg2[%dma_start3A, %dma_start3A_12] : memref<2048x256xf32, #tpu.memory_space<hbm>> -> memref<2048x256xf32, #tpu.memory_space<hbm>>
      tpu.enqueue_indirect_dma source(%dma_start3A_13 : memref<2048x256xf32, #tpu.memory_space<hbm>>) target(%arg6 : memref<128x256xf32, #tpu.memory_space<vmem>>) offsets(%arg5 : memref<128xi32, #tpu.memory_space<vmem>>) semaphore(%arg7 : memref<!tpu.dma_semaphore, #tpu.memory_space<semaphore_mem>>)
      %dma_wait3A = arith.constant 0 : i32
      %dma_wait3A_14 = arith.constant 0 : i32
      %dma_wait3A_15 = tpu.memref_slice %arg2[%dma_wait3A, %dma_wait3A_14] : memref<2048x256xf32, #tpu.memory_space<hbm>> -> memref<2048x256xf32, #tpu.memory_space<hbm>>
      tpu.wait_indirect_dma semaphore(%arg7 : memref<!tpu.dma_semaphore, #tpu.memory_space<semaphore_mem>>) src(%dma_wait3A_15 : memref<2048x256xf32, #tpu.memory_space<hbm>>) dst(%arg6 : memref<128x256xf32, #tpu.memory_space<vmem>>)
      "tpu.region"() ({
        %run_scoped3A = tpu.sem_alloc : memref<!tpu.dma_semaphore, #tpu.memory_space<semaphore_mem>>
        %dma_start3A_16 = arith.constant 0 : i32
        %dma_start3A_17 = tpu.memref_slice %arg4[%mul3A_11, %dma_start3A_16] : memref<32768x256xf32, #tpu.memory_space<hbm>> -> memref<128x256xf32, #tpu.memory_space<hbm>>
        %dma_start3A_18 = arith.constant 0 : i32
        %dma_start3A_19 = tpu.memref_slice %arg4[%mul3A_11, %dma_start3A_18] : memref<32768x256xf32, #tpu.memory_space<hbm>> -> memref<128x256xf32, #tpu.memory_space<hbm>>
        tpu.enqueue_dma source(%arg6 : memref<128x256xf32, #tpu.memory_space<vmem>>) target(%dma_start3A_19 : memref<128x256xf32, #tpu.memory_space<hbm>>) target_semaphore(%run_scoped3A : memref<!tpu.dma_semaphore, #tpu.memory_space<semaphore_mem>>)
        %dma_wait3A_20 = arith.constant 0 : i32
        %dma_wait3A_21 = tpu.memref_slice %arg4[%mul3A_11, %dma_wait3A_20] : memref<32768x256xf32, #tpu.memory_space<hbm>> -> memref<128x256xf32, #tpu.memory_space<hbm>>
        %dma_wait3A_22 = arith.constant 0 : i32
        %dma_wait3A_23 = tpu.memref_slice %arg4[%mul3A_11, %dma_wait3A_22] : memref<32768x256xf32, #tpu.memory_space<hbm>> -> memref<128x256xf32, #tpu.memory_space<hbm>>
        tpu.wait_dma2 semaphore(%run_scoped3A : memref<!tpu.dma_semaphore, #tpu.memory_space<semaphore_mem>>) src(%arg6 : memref<128x256xf32, #tpu.memory_space<vmem>>) dst(%dma_wait3A_23 : memref<128x256xf32, #tpu.memory_space<hbm>>)
        tpu.yield
      }) : () -> ()
    }
    %scan3A_5 = arith.constant 8 : i32
    return
  }
}

module attributes {stable_mosaic.version = 14 : i64} {
  func.func @_topk_body(%arg0: i32, %arg1: memref<256x3xf32, #tpu.memory_space<vmem>>, %arg2: memref<3x2048xf32, #tpu.memory_space<vmem>>, %arg3: memref<256x16xi32, #tpu.memory_space<vmem>>) attributes {dimension_semantics = [#tpu.dimension_semantics<arbitrary>], iteration_bounds = array<i64: 8>, scalar_prefetch = 0 : i64, scratch_operands = 0 : i64, tpu.core_type = #tpu.core_type<tc>, window_params = [{transform_indices = @transform_0, window_bounds = array<i64: 256, 3>}, {pipeline_mode = #tpu.pipeline_mode<synchronous>, transform_indices = @transform_1, window_bounds = array<i64: 3, 2048>}, {transform_indices = @transform_2, window_bounds = array<i64: 256, 16>}]} {
    %get3A = arith.constant 0 : index
    %get3A_0 = arith.constant 0 : index
    %get3A_1 = vector.load %arg1[%get3A, %get3A_0] : memref<256x3xf32, #tpu.memory_space<vmem>>, vector<256x3xf32>
    %get3A_2 = arith.constant 0 : index
    %get3A_3 = arith.constant 0 : index
    %get3A_4 = vector.load %arg2[%get3A_2, %get3A_3] : memref<3x2048xf32, #tpu.memory_space<vmem>>, vector<3x2048xf32>
    %mul3A = arith.mulf %get3A_1, %get3A_1 : vector<256x3xf32>
    %reduce_sum3A = arith.constant dense<0.000000e+00> : vector<256xf32>
    %reduce_sum3A_5 = vector.multi_reduction <add>, %mul3A, %reduce_sum3A [1] : vector<256x3xf32> to vector<256xf32>
    %broadcast_in_dim3A = vector.shape_cast %reduce_sum3A_5 : vector<256xf32> to vector<256x1xf32>
    %mul3A_6 = arith.mulf %get3A_4, %get3A_4 : vector<3x2048xf32>
    %reduce_sum3A_7 = arith.constant dense<0.000000e+00> : vector<2048xf32>
    %reduce_sum3A_8 = vector.multi_reduction <add>, %mul3A_6, %reduce_sum3A_7 [0] : vector<3x2048xf32> to vector<2048xf32>
    %broadcast_in_dim3A_9 = vector.shape_cast %reduce_sum3A_8 : vector<2048xf32> to vector<1x2048xf32>
    %dot_general3A = arith.constant dense<0.000000e+00> : vector<256x2048xf32>
    %dot_general3A_10 = tpu.matmul %get3A_1, %get3A_4, %dot_general3A {dimension_numbers = #tpu.dot_dimension_numbers<[1], [0], [0], [1], [0, 0, 1, 1], [], []>, transpose_lhs_hint = false} : vector<256x3xf32>, vector<3x2048xf32>, vector<256x2048xf32> -> vector<256x2048xf32>
    %add3A = vector.broadcast %broadcast_in_dim3A : vector<256x1xf32> to vector<256x2048xf32>
    %add3A_11 = vector.broadcast %broadcast_in_dim3A_9 : vector<1x2048xf32> to vector<256x2048xf32>
    %add3A_12 = arith.addf %add3A, %add3A_11 : vector<256x2048xf32>
    %mul3A_13 = arith.constant 2.000000e+00 : f32
    %mul3A_14 = vector.broadcast %mul3A_13 : f32 to vector<256x2048xf32>
    %mul3A_15 = arith.mulf %mul3A_14, %dot_general3A_10 : vector<256x2048xf32>
    %sub3A = arith.subf %add3A_12, %mul3A_15 : vector<256x2048xf32>
    %max3A = arith.constant 0.000000e+00 : f32
    %max3A_16 = vector.broadcast %max3A : f32 to vector<256x2048xf32>
    %max3A_17 = arith.maximumf %sub3A, %max3A_16 : vector<256x2048xf32>
    %slice3A = vector.extract_strided_slice %max3A_17 {offsets = [0, 0], sizes = [256, 128], strides = [1, 1]} : vector<256x2048xf32> to vector<256x128xf32>
    %slice3A_18 = vector.extract_strided_slice %max3A_17 {offsets = [0, 128], sizes = [256, 128], strides = [1, 1]} : vector<256x2048xf32> to vector<256x128xf32>
    %slice3A_19 = vector.extract_strided_slice %max3A_17 {offsets = [0, 256], sizes = [256, 128], strides = [1, 1]} : vector<256x2048xf32> to vector<256x128xf32>
    %slice3A_20 = vector.extract_strided_slice %max3A_17 {offsets = [0, 384], sizes = [256, 128], strides = [1, 1]} : vector<256x2048xf32> to vector<256x128xf32>
    %slice3A_21 = vector.extract_strided_slice %max3A_17 {offsets = [0, 512], sizes = [256, 128], strides = [1, 1]} : vector<256x2048xf32> to vector<256x128xf32>
    %slice3A_22 = vector.extract_strided_slice %max3A_17 {offsets = [0, 640], sizes = [256, 128], strides = [1, 1]} : vector<256x2048xf32> to vector<256x128xf32>
    %slice3A_23 = vector.extract_strided_slice %max3A_17 {offsets = [0, 768], sizes = [256, 128], strides = [1, 1]} : vector<256x2048xf32> to vector<256x128xf32>
    %slice3A_24 = vector.extract_strided_slice %max3A_17 {offsets = [0, 896], sizes = [256, 128], strides = [1, 1]} : vector<256x2048xf32> to vector<256x128xf32>
    %slice3A_25 = vector.extract_strided_slice %max3A_17 {offsets = [0, 1024], sizes = [256, 128], strides = [1, 1]} : vector<256x2048xf32> to vector<256x128xf32>
    %slice3A_26 = vector.extract_strided_slice %max3A_17 {offsets = [0, 1152], sizes = [256, 128], strides = [1, 1]} : vector<256x2048xf32> to vector<256x128xf32>
    %slice3A_27 = vector.extract_strided_slice %max3A_17 {offsets = [0, 1280], sizes = [256, 128], strides = [1, 1]} : vector<256x2048xf32> to vector<256x128xf32>
    %slice3A_28 = vector.extract_strided_slice %max3A_17 {offsets = [0, 1408], sizes = [256, 128], strides = [1, 1]} : vector<256x2048xf32> to vector<256x128xf32>
    %slice3A_29 = vector.extract_strided_slice %max3A_17 {offsets = [0, 1536], sizes = [256, 128], strides = [1, 1]} : vector<256x2048xf32> to vector<256x128xf32>
    %slice3A_30 = vector.extract_strided_slice %max3A_17 {offsets = [0, 1664], sizes = [256, 128], strides = [1, 1]} : vector<256x2048xf32> to vector<256x128xf32>
    %slice3A_31 = vector.extract_strided_slice %max3A_17 {offsets = [0, 1792], sizes = [256, 128], strides = [1, 1]} : vector<256x2048xf32> to vector<256x128xf32>
    %slice3A_32 = vector.extract_strided_slice %max3A_17 {offsets = [0, 1920], sizes = [256, 128], strides = [1, 1]} : vector<256x2048xf32> to vector<256x128xf32>
    %iota3A = tpu.iota {dimensions = array<i32: 1>} : vector<256x128xi32>
    %add3A_33 = arith.constant 0 : i32
    %add3A_34 = vector.broadcast %add3A_33 : i32 to vector<256x128xi32>
    %add3A_35 = arith.addi %iota3A, %add3A_34 : vector<256x128xi32>
    %add3A_36 = arith.constant 128 : i32
    %add3A_37 = vector.broadcast %add3A_36 : i32 to vector<256x128xi32>
    %add3A_38 = arith.addi %iota3A, %add3A_37 : vector<256x128xi32>
    %add3A_39 = arith.constant 256 : i32
    %add3A_40 = vector.broadcast %add3A_39 : i32 to vector<256x128xi32>
    %add3A_41 = arith.addi %iota3A, %add3A_40 : vector<256x128xi32>
    %add3A_42 = arith.constant 384 : i32
    %add3A_43 = vector.broadcast %add3A_42 : i32 to vector<256x128xi32>
    %add3A_44 = arith.addi %iota3A, %add3A_43 : vector<256x128xi32>
    %add3A_45 = arith.constant 512 : i32
    %add3A_46 = vector.broadcast %add3A_45 : i32 to vector<256x128xi32>
    %add3A_47 = arith.addi %iota3A, %add3A_46 : vector<256x128xi32>
    %add3A_48 = arith.constant 640 : i32
    %add3A_49 = vector.broadcast %add3A_48 : i32 to vector<256x128xi32>
    %add3A_50 = arith.addi %iota3A, %add3A_49 : vector<256x128xi32>
    %add3A_51 = arith.constant 768 : i32
    %add3A_52 = vector.broadcast %add3A_51 : i32 to vector<256x128xi32>
    %add3A_53 = arith.addi %iota3A, %add3A_52 : vector<256x128xi32>
    %add3A_54 = arith.constant 896 : i32
    %add3A_55 = vector.broadcast %add3A_54 : i32 to vector<256x128xi32>
    %add3A_56 = arith.addi %iota3A, %add3A_55 : vector<256x128xi32>
    %add3A_57 = arith.constant 1024 : i32
    %add3A_58 = vector.broadcast %add3A_57 : i32 to vector<256x128xi32>
    %add3A_59 = arith.addi %iota3A, %add3A_58 : vector<256x128xi32>
    %add3A_60 = arith.constant 1152 : i32
    %add3A_61 = vector.broadcast %add3A_60 : i32 to vector<256x128xi32>
    %add3A_62 = arith.addi %iota3A, %add3A_61 : vector<256x128xi32>
    %add3A_63 = arith.constant 1280 : i32
    %add3A_64 = vector.broadcast %add3A_63 : i32 to vector<256x128xi32>
    %add3A_65 = arith.addi %iota3A, %add3A_64 : vector<256x128xi32>
    %add3A_66 = arith.constant 1408 : i32
    %add3A_67 = vector.broadcast %add3A_66 : i32 to vector<256x128xi32>
    %add3A_68 = arith.addi %iota3A, %add3A_67 : vector<256x128xi32>
    %add3A_69 = arith.constant 1536 : i32
    %add3A_70 = vector.broadcast %add3A_69 : i32 to vector<256x128xi32>
    %add3A_71 = arith.addi %iota3A, %add3A_70 : vector<256x128xi32>
    %add3A_72 = arith.constant 1664 : i32
    %add3A_73 = vector.broadcast %add3A_72 : i32 to vector<256x128xi32>
    %add3A_74 = arith.addi %iota3A, %add3A_73 : vector<256x128xi32>
    %add3A_75 = arith.constant 1792 : i32
    %add3A_76 = vector.broadcast %add3A_75 : i32 to vector<256x128xi32>
    %add3A_77 = arith.addi %iota3A, %add3A_76 : vector<256x128xi32>
    %add3A_78 = arith.constant 1920 : i32
    %add3A_79 = vector.broadcast %add3A_78 : i32 to vector<256x128xi32>
    %add3A_80 = arith.addi %iota3A, %add3A_79 : vector<256x128xi32>
    %lt3A = arith.cmpf olt, %slice3A_18, %slice3A : vector<256x128xf32>
    %eq3A = arith.cmpf oeq, %slice3A_18, %slice3A : vector<256x128xf32>
    %lt3A_81 = arith.cmpi slt, %add3A_38, %add3A_35 : vector<256x128xi32>
    %and3A = arith.andi %eq3A, %lt3A_81 : vector<256x128xi1>
    %or3A = arith.ori %lt3A, %and3A : vector<256x128xi1>
    %select_n3A = arith.select %or3A, %slice3A_18, %slice3A : vector<256x128xi1>, vector<256x128xf32>
    %select_n3A_82 = arith.select %or3A, %slice3A, %slice3A_18 : vector<256x128xi1>, vector<256x128xf32>
    %select_n3A_83 = arith.select %or3A, %add3A_38, %add3A_35 : vector<256x128xi1>, vector<256x128xi32>
    %select_n3A_84 = arith.select %or3A, %add3A_35, %add3A_38 : vector<256x128xi1>, vector<256x128xi32>
    %lt3A_85 = arith.cmpf olt, %slice3A_20, %slice3A_19 : vector<256x128xf32>
    %eq3A_86 = arith.cmpf oeq, %slice3A_20, %slice3A_19 : vector<256x128xf32>
    %lt3A_87 = arith.cmpi slt, %add3A_44, %add3A_41 : vector<256x128xi32>
    %and3A_88 = arith.andi %eq3A_86, %lt3A_87 : vector<256x128xi1>
    %or3A_89 = arith.ori %lt3A_85, %and3A_88 : vector<256x128xi1>
    %select_n3A_90 = arith.select %or3A_89, %slice3A_20, %slice3A_19 : vector<256x128xi1>, vector<256x128xf32>
    %select_n3A_91 = arith.select %or3A_89, %slice3A_19, %slice3A_20 : vector<256x128xi1>, vector<256x128xf32>
    %select_n3A_92 = arith.select %or3A_89, %add3A_44, %add3A_41 : vector<256x128xi1>, vector<256x128xi32>
    %select_n3A_93 = arith.select %or3A_89, %add3A_41, %add3A_44 : vector<256x128xi1>, vector<256x128xi32>
    %lt3A_94 = arith.cmpf olt, %slice3A_22, %slice3A_21 : vector<256x128xf32>
    %eq3A_95 = arith.cmpf oeq, %slice3A_22, %slice3A_21 : vector<256x128xf32>
    %lt3A_96 = arith.cmpi slt, %add3A_50, %add3A_47 : vector<256x128xi32>
    %and3A_97 = arith.andi %eq3A_95, %lt3A_96 : vector<256x128xi1>
    %or3A_98 = arith.ori %lt3A_94, %and3A_97 : vector<256x128xi1>
    %select_n3A_99 = arith.select %or3A_98, %slice3A_22, %slice3A_21 : vector<256x128xi1>, vector<256x128xf32>
    %select_n3A_100 = arith.select %or3A_98, %slice3A_21, %slice3A_22 : vector<256x128xi1>, vector<256x128xf32>
    %select_n3A_101 = arith.select %or3A_98, %add3A_50, %add3A_47 : vector<256x128xi1>, vector<256x128xi32>
    %select_n3A_102 = arith.select %or3A_98, %add3A_47, %add3A_50 : vector<256x128xi1>, vector<256x128xi32>
    %lt3A_103 = arith.cmpf olt, %slice3A_24, %slice3A_23 : vector<256x128xf32>
    %eq3A_104 = arith.cmpf oeq, %slice3A_24, %slice3A_23 : vector<256x128xf32>
    %lt3A_105 = arith.cmpi slt, %add3A_56, %add3A_53 : vector<256x128xi32>
    %and3A_106 = arith.andi %eq3A_104, %lt3A_105 : vector<256x128xi1>
    %or3A_107 = arith.ori %lt3A_103, %and3A_106 : vector<256x128xi1>
    %select_n3A_108 = arith.select %or3A_107, %slice3A_24, %slice3A_23 : vector<256x128xi1>, vector<256x128xf32>
    %select_n3A_109 = arith.select %or3A_107, %slice3A_23, %slice3A_24 : vector<256x128xi1>, vector<256x128xf32>
    %select_n3A_110 = arith.select %or3A_107, %add3A_56, %add3A_53 : vector<256x128xi1>, vector<256x128xi32>
    %select_n3A_111 = arith.select %or3A_107, %add3A_53, %add3A_56 : vector<256x128xi1>, vector<256x128xi32>
    %lt3A_112 = arith.cmpf olt, %slice3A_26, %slice3A_25 : vector<256x128xf32>
    %eq3A_113 = arith.cmpf oeq, %slice3A_26, %slice3A_25 : vector<256x128xf32>
    %lt3A_114 = arith.cmpi slt, %add3A_62, %add3A_59 : vector<256x128xi32>
    %and3A_115 = arith.andi %eq3A_113, %lt3A_114 : vector<256x128xi1>
    %or3A_116 = arith.ori %lt3A_112, %and3A_115 : vector<256x128xi1>
    %select_n3A_117 = arith.select %or3A_116, %slice3A_26, %slice3A_25 : vector<256x128xi1>, vector<256x128xf32>
    %select_n3A_118 = arith.select %or3A_116, %slice3A_25, %slice3A_26 : vector<256x128xi1>, vector<256x128xf32>
    %select_n3A_119 = arith.select %or3A_116, %add3A_62, %add3A_59 : vector<256x128xi1>, vector<256x128xi32>
    %select_n3A_120 = arith.select %or3A_116, %add3A_59, %add3A_62 : vector<256x128xi1>, vector<256x128xi32>
    %lt3A_121 = arith.cmpf olt, %slice3A_28, %slice3A_27 : vector<256x128xf32>
    %eq3A_122 = arith.cmpf oeq, %slice3A_28, %slice3A_27 : vector<256x128xf32>
    %lt3A_123 = arith.cmpi slt, %add3A_68, %add3A_65 : vector<256x128xi32>
    %and3A_124 = arith.andi %eq3A_122, %lt3A_123 : vector<256x128xi1>
    %or3A_125 = arith.ori %lt3A_121, %and3A_124 : vector<256x128xi1>
    %select_n3A_126 = arith.select %or3A_125, %slice3A_28, %slice3A_27 : vector<256x128xi1>, vector<256x128xf32>
    %select_n3A_127 = arith.select %or3A_125, %slice3A_27, %slice3A_28 : vector<256x128xi1>, vector<256x128xf32>
    %select_n3A_128 = arith.select %or3A_125, %add3A_68, %add3A_65 : vector<256x128xi1>, vector<256x128xi32>
    %select_n3A_129 = arith.select %or3A_125, %add3A_65, %add3A_68 : vector<256x128xi1>, vector<256x128xi32>
    %lt3A_130 = arith.cmpf olt, %slice3A_30, %slice3A_29 : vector<256x128xf32>
    %eq3A_131 = arith.cmpf oeq, %slice3A_30, %slice3A_29 : vector<256x128xf32>
    %lt3A_132 = arith.cmpi slt, %add3A_74, %add3A_71 : vector<256x128xi32>
    %and3A_133 = arith.andi %eq3A_131, %lt3A_132 : vector<256x128xi1>
    %or3A_134 = arith.ori %lt3A_130, %and3A_133 : vector<256x128xi1>
    %select_n3A_135 = arith.select %or3A_134, %slice3A_30, %slice3A_29 : vector<256x128xi1>, vector<256x128xf32>
    %select_n3A_136 = arith.select %or3A_134, %slice3A_29, %slice3A_30 : vector<256x128xi1>, vector<256x128xf32>
    %select_n3A_137 = arith.select %or3A_134, %add3A_74, %add3A_71 : vector<256x128xi1>, vector<256x128xi32>
    %select_n3A_138 = arith.select %or3A_134, %add3A_71, %add3A_74 : vector<256x128xi1>, vector<256x128xi32>
    %lt3A_139 = arith.cmpf olt, %slice3A_32, %slice3A_31 : vector<256x128xf32>
    %eq3A_140 = arith.cmpf oeq, %slice3A_32, %slice3A_31 : vector<256x128xf32>
    %lt3A_141 = arith.cmpi slt, %add3A_80, %add3A_77 : vector<256x128xi32>
    %and3A_142 = arith.andi %eq3A_140, %lt3A_141 : vector<256x128xi1>
    %or3A_143 = arith.ori %lt3A_139, %and3A_142 : vector<256x128xi1>
    %select_n3A_144 = arith.select %or3A_143, %slice3A_32, %slice3A_31 : vector<256x128xi1>, vector<256x128xf32>
    %select_n3A_145 = arith.select %or3A_143, %slice3A_31, %slice3A_32 : vector<256x128xi1>, vector<256x128xf32>
    %select_n3A_146 = arith.select %or3A_143, %add3A_80, %add3A_77 : vector<256x128xi1>, vector<256x128xi32>
    %select_n3A_147 = arith.select %or3A_143, %add3A_77, %add3A_80 : vector<256x128xi1>, vector<256x128xi32>
    %lt3A_148 = arith.cmpf olt, %select_n3A_90, %select_n3A : vector<256x128xf32>
    %eq3A_149 = arith.cmpf oeq, %select_n3A_90, %select_n3A : vector<256x128xf32>
    %lt3A_150 = arith.cmpi slt, %select_n3A_92, %select_n3A_83 : vector<256x128xi32>
    %and3A_151 = arith.andi %eq3A_149, %lt3A_150 : vector<256x128xi1>
    %or3A_152 = arith.ori %lt3A_148, %and3A_151 : vector<256x128xi1>
    %select_n3A_153 = arith.select %or3A_152, %select_n3A_90, %select_n3A : vector<256x128xi1>, vector<256x128xf32>
    %select_n3A_154 = arith.select %or3A_152, %select_n3A, %select_n3A_90 : vector<256x128xi1>, vector<256x128xf32>
    %select_n3A_155 = arith.select %or3A_152, %select_n3A_92, %select_n3A_83 : vector<256x128xi1>, vector<256x128xi32>
    %select_n3A_156 = arith.select %or3A_152, %select_n3A_83, %select_n3A_92 : vector<256x128xi1>, vector<256x128xi32>
    %lt3A_157 = arith.cmpf olt, %select_n3A_91, %select_n3A_82 : vector<256x128xf32>
    %eq3A_158 = arith.cmpf oeq, %select_n3A_91, %select_n3A_82 : vector<256x128xf32>
    %lt3A_159 = arith.cmpi slt, %select_n3A_93, %select_n3A_84 : vector<256x128xi32>
    %and3A_160 = arith.andi %eq3A_158, %lt3A_159 : vector<256x128xi1>
    %or3A_161 = arith.ori %lt3A_157, %and3A_160 : vector<256x128xi1>
    %select_n3A_162 = arith.select %or3A_161, %select_n3A_91, %select_n3A_82 : vector<256x128xi1>, vector<256x128xf32>
    %select_n3A_163 = arith.select %or3A_161, %select_n3A_82, %select_n3A_91 : vector<256x128xi1>, vector<256x128xf32>
    %select_n3A_164 = arith.select %or3A_161, %select_n3A_93, %select_n3A_84 : vector<256x128xi1>, vector<256x128xi32>
    %select_n3A_165 = arith.select %or3A_161, %select_n3A_84, %select_n3A_93 : vector<256x128xi1>, vector<256x128xi32>
    %lt3A_166 = arith.cmpf olt, %select_n3A_108, %select_n3A_99 : vector<256x128xf32>
    %eq3A_167 = arith.cmpf oeq, %select_n3A_108, %select_n3A_99 : vector<256x128xf32>
    %lt3A_168 = arith.cmpi slt, %select_n3A_110, %select_n3A_101 : vector<256x128xi32>
    %and3A_169 = arith.andi %eq3A_167, %lt3A_168 : vector<256x128xi1>
    %or3A_170 = arith.ori %lt3A_166, %and3A_169 : vector<256x128xi1>
    %select_n3A_171 = arith.select %or3A_170, %select_n3A_108, %select_n3A_99 : vector<256x128xi1>, vector<256x128xf32>
    %select_n3A_172 = arith.select %or3A_170, %select_n3A_99, %select_n3A_108 : vector<256x128xi1>, vector<256x128xf32>
    %select_n3A_173 = arith.select %or3A_170, %select_n3A_110, %select_n3A_101 : vector<256x128xi1>, vector<256x128xi32>
    %select_n3A_174 = arith.select %or3A_170, %select_n3A_101, %select_n3A_110 : vector<256x128xi1>, vector<256x128xi32>
    %lt3A_175 = arith.cmpf olt, %select_n3A_109, %select_n3A_100 : vector<256x128xf32>
    %eq3A_176 = arith.cmpf oeq, %select_n3A_109, %select_n3A_100 : vector<256x128xf32>
    %lt3A_177 = arith.cmpi slt, %select_n3A_111, %select_n3A_102 : vector<256x128xi32>
    %and3A_178 = arith.andi %eq3A_176, %lt3A_177 : vector<256x128xi1>
    %or3A_179 = arith.ori %lt3A_175, %and3A_178 : vector<256x128xi1>
    %select_n3A_180 = arith.select %or3A_179, %select_n3A_109, %select_n3A_100 : vector<256x128xi1>, vector<256x128xf32>
    %select_n3A_181 = arith.select %or3A_179, %select_n3A_100, %select_n3A_109 : vector<256x128xi1>, vector<256x128xf32>
    %select_n3A_182 = arith.select %or3A_179, %select_n3A_111, %select_n3A_102 : vector<256x128xi1>, vector<256x128xi32>
    %select_n3A_183 = arith.select %or3A_179, %select_n3A_102, %select_n3A_111 : vector<256x128xi1>, vector<256x128xi32>
    %lt3A_184 = arith.cmpf olt, %select_n3A_126, %select_n3A_117 : vector<256x128xf32>
    %eq3A_185 = arith.cmpf oeq, %select_n3A_126, %select_n3A_117 : vector<256x128xf32>
    %lt3A_186 = arith.cmpi slt, %select_n3A_128, %select_n3A_119 : vector<256x128xi32>
    %and3A_187 = arith.andi %eq3A_185, %lt3A_186 : vector<256x128xi1>
    %or3A_188 = arith.ori %lt3A_184, %and3A_187 : vector<256x128xi1>
    %select_n3A_189 = arith.select %or3A_188, %select_n3A_126, %select_n3A_117 : vector<256x128xi1>, vector<256x128xf32>
    %select_n3A_190 = arith.select %or3A_188, %select_n3A_117, %select_n3A_126 : vector<256x128xi1>, vector<256x128xf32>
    %select_n3A_191 = arith.select %or3A_188, %select_n3A_128, %select_n3A_119 : vector<256x128xi1>, vector<256x128xi32>
    %select_n3A_192 = arith.select %or3A_188, %select_n3A_119, %select_n3A_128 : vector<256x128xi1>, vector<256x128xi32>
    %lt3A_193 = arith.cmpf olt, %select_n3A_127, %select_n3A_118 : vector<256x128xf32>
    %eq3A_194 = arith.cmpf oeq, %select_n3A_127, %select_n3A_118 : vector<256x128xf32>
    %lt3A_195 = arith.cmpi slt, %select_n3A_129, %select_n3A_120 : vector<256x128xi32>
    %and3A_196 = arith.andi %eq3A_194, %lt3A_195 : vector<256x128xi1>
    %or3A_197 = arith.ori %lt3A_193, %and3A_196 : vector<256x128xi1>
    %select_n3A_198 = arith.select %or3A_197, %select_n3A_127, %select_n3A_118 : vector<256x128xi1>, vector<256x128xf32>
    %select_n3A_199 = arith.select %or3A_197, %select_n3A_118, %select_n3A_127 : vector<256x128xi1>, vector<256x128xf32>
    %select_n3A_200 = arith.select %or3A_197, %select_n3A_129, %select_n3A_120 : vector<256x128xi1>, vector<256x128xi32>
    %select_n3A_201 = arith.select %or3A_197, %select_n3A_120, %select_n3A_129 : vector<256x128xi1>, vector<256x128xi32>
    %lt3A_202 = arith.cmpf olt, %select_n3A_144, %select_n3A_135 : vector<256x128xf32>
    %eq3A_203 = arith.cmpf oeq, %select_n3A_144, %select_n3A_135 : vector<256x128xf32>
    %lt3A_204 = arith.cmpi slt, %select_n3A_146, %select_n3A_137 : vector<256x128xi32>
    %and3A_205 = arith.andi %eq3A_203, %lt3A_204 : vector<256x128xi1>
    %or3A_206 = arith.ori %lt3A_202, %and3A_205 : vector<256x128xi1>
    %select_n3A_207 = arith.select %or3A_206, %select_n3A_144, %select_n3A_135 : vector<256x128xi1>, vector<256x128xf32>
    %select_n3A_208 = arith.select %or3A_206, %select_n3A_135, %select_n3A_144 : vector<256x128xi1>, vector<256x128xf32>
    %select_n3A_209 = arith.select %or3A_206, %select_n3A_146, %select_n3A_137 : vector<256x128xi1>, vector<256x128xi32>
    %select_n3A_210 = arith.select %or3A_206, %select_n3A_137, %select_n3A_146 : vector<256x128xi1>, vector<256x128xi32>
    %lt3A_211 = arith.cmpf olt, %select_n3A_145, %select_n3A_136 : vector<256x128xf32>
    %eq3A_212 = arith.cmpf oeq, %select_n3A_145, %select_n3A_136 : vector<256x128xf32>
    %lt3A_213 = arith.cmpi slt, %select_n3A_147, %select_n3A_138 : vector<256x128xi32>
    %and3A_214 = arith.andi %eq3A_212, %lt3A_213 : vector<256x128xi1>
    %or3A_215 = arith.ori %lt3A_211, %and3A_214 : vector<256x128xi1>
    %select_n3A_216 = arith.select %or3A_215, %select_n3A_145, %select_n3A_136 : vector<256x128xi1>, vector<256x128xf32>
    %select_n3A_217 = arith.select %or3A_215, %select_n3A_136, %select_n3A_145 : vector<256x128xi1>, vector<256x128xf32>
    %select_n3A_218 = arith.select %or3A_215, %select_n3A_147, %select_n3A_138 : vector<256x128xi1>, vector<256x128xi32>
    %select_n3A_219 = arith.select %or3A_215, %select_n3A_138, %select_n3A_147 : vector<256x128xi1>, vector<256x128xi32>
    %lt3A_220 = arith.cmpf olt, %select_n3A_154, %select_n3A_162 : vector<256x128xf32>
    %eq3A_221 = arith.cmpf oeq, %select_n3A_154, %select_n3A_162 : vector<256x128xf32>
    %lt3A_222 = arith.cmpi slt, %select_n3A_156, %select_n3A_164 : vector<256x128xi32>
    %and3A_223 = arith.andi %eq3A_221, %lt3A_222 : vector<256x128xi1>
    %or3A_224 = arith.ori %lt3A_220, %and3A_223 : vector<256x128xi1>
    %select_n3A_225 = arith.select %or3A_224, %select_n3A_154, %select_n3A_162 : vector<256x128xi1>, vector<256x128xf32>
    %select_n3A_226 = arith.select %or3A_224, %select_n3A_162, %select_n3A_154 : vector<256x128xi1>, vector<256x128xf32>
    %select_n3A_227 = arith.select %or3A_224, %select_n3A_156, %select_n3A_164 : vector<256x128xi1>, vector<256x128xi32>
    %select_n3A_228 = arith.select %or3A_224, %select_n3A_164, %select_n3A_156 : vector<256x128xi1>, vector<256x128xi32>
    %lt3A_229 = arith.cmpf olt, %select_n3A_172, %select_n3A_180 : vector<256x128xf32>
    %eq3A_230 = arith.cmpf oeq, %select_n3A_172, %select_n3A_180 : vector<256x128xf32>
    %lt3A_231 = arith.cmpi slt, %select_n3A_174, %select_n3A_182 : vector<256x128xi32>
    %and3A_232 = arith.andi %eq3A_230, %lt3A_231 : vector<256x128xi1>
    %or3A_233 = arith.ori %lt3A_229, %and3A_232 : vector<256x128xi1>
    %select_n3A_234 = arith.select %or3A_233, %select_n3A_172, %select_n3A_180 : vector<256x128xi1>, vector<256x128xf32>
    %select_n3A_235 = arith.select %or3A_233, %select_n3A_180, %select_n3A_172 : vector<256x128xi1>, vector<256x128xf32>
    %select_n3A_236 = arith.select %or3A_233, %select_n3A_174, %select_n3A_182 : vector<256x128xi1>, vector<256x128xi32>
    %select_n3A_237 = arith.select %or3A_233, %select_n3A_182, %select_n3A_174 : vector<256x128xi1>, vector<256x128xi32>
    %lt3A_238 = arith.cmpf olt, %select_n3A_190, %select_n3A_198 : vector<256x128xf32>
    %eq3A_239 = arith.cmpf oeq, %select_n3A_190, %select_n3A_198 : vector<256x128xf32>
    %lt3A_240 = arith.cmpi slt, %select_n3A_192, %select_n3A_200 : vector<256x128xi32>
    %and3A_241 = arith.andi %eq3A_239, %lt3A_240 : vector<256x128xi1>
    %or3A_242 = arith.ori %lt3A_238, %and3A_241 : vector<256x128xi1>
    %select_n3A_243 = arith.select %or3A_242, %select_n3A_190, %select_n3A_198 : vector<256x128xi1>, vector<256x128xf32>
    %select_n3A_244 = arith.select %or3A_242, %select_n3A_198, %select_n3A_190 : vector<256x128xi1>, vector<256x128xf32>
    %select_n3A_245 = arith.select %or3A_242, %select_n3A_192, %select_n3A_200 : vector<256x128xi1>, vector<256x128xi32>
    %select_n3A_246 = arith.select %or3A_242, %select_n3A_200, %select_n3A_192 : vector<256x128xi1>, vector<256x128xi32>
    %lt3A_247 = arith.cmpf olt, %select_n3A_208, %select_n3A_216 : vector<256x128xf32>
    %eq3A_248 = arith.cmpf oeq, %select_n3A_208, %select_n3A_216 : vector<256x128xf32>
    %lt3A_249 = arith.cmpi slt, %select_n3A_210, %select_n3A_218 : vector<256x128xi32>
    %and3A_250 = arith.andi %eq3A_248, %lt3A_249 : vector<256x128xi1>
    %or3A_251 = arith.ori %lt3A_247, %and3A_250 : vector<256x128xi1>
    %select_n3A_252 = arith.select %or3A_251, %select_n3A_208, %select_n3A_216 : vector<256x128xi1>, vector<256x128xf32>
    %select_n3A_253 = arith.select %or3A_251, %select_n3A_216, %select_n3A_208 : vector<256x128xi1>, vector<256x128xf32>
    %select_n3A_254 = arith.select %or3A_251, %select_n3A_210, %select_n3A_218 : vector<256x128xi1>, vector<256x128xi32>
    %select_n3A_255 = arith.select %or3A_251, %select_n3A_218, %select_n3A_210 : vector<256x128xi1>, vector<256x128xi32>
    %lt3A_256 = arith.cmpf olt, %select_n3A_171, %select_n3A_153 : vector<256x128xf32>
    %eq3A_257 = arith.cmpf oeq, %select_n3A_171, %select_n3A_153 : vector<256x128xf32>
    %lt3A_258 = arith.cmpi slt, %select_n3A_173, %select_n3A_155 : vector<256x128xi32>
    %and3A_259 = arith.andi %eq3A_257, %lt3A_258 : vector<256x128xi1>
    %or3A_260 = arith.ori %lt3A_256, %and3A_259 : vector<256x128xi1>
    %select_n3A_261 = arith.select %or3A_260, %select_n3A_171, %select_n3A_153 : vector<256x128xi1>, vector<256x128xf32>
    %select_n3A_262 = arith.select %or3A_260, %select_n3A_153, %select_n3A_171 : vector<256x128xi1>, vector<256x128xf32>
    %select_n3A_263 = arith.select %or3A_260, %select_n3A_173, %select_n3A_155 : vector<256x128xi1>, vector<256x128xi32>
    %select_n3A_264 = arith.select %or3A_260, %select_n3A_155, %select_n3A_173 : vector<256x128xi1>, vector<256x128xi32>
    %lt3A_265 = arith.cmpf olt, %select_n3A_234, %select_n3A_225 : vector<256x128xf32>
    %eq3A_266 = arith.cmpf oeq, %select_n3A_234, %select_n3A_225 : vector<256x128xf32>
    %lt3A_267 = arith.cmpi slt, %select_n3A_236, %select_n3A_227 : vector<256x128xi32>
    %and3A_268 = arith.andi %eq3A_266, %lt3A_267 : vector<256x128xi1>
    %or3A_269 = arith.ori %lt3A_265, %and3A_268 : vector<256x128xi1>
    %select_n3A_270 = arith.select %or3A_269, %select_n3A_234, %select_n3A_225 : vector<256x128xi1>, vector<256x128xf32>
    %select_n3A_271 = arith.select %or3A_269, %select_n3A_225, %select_n3A_234 : vector<256x128xi1>, vector<256x128xf32>
    %select_n3A_272 = arith.select %or3A_269, %select_n3A_236, %select_n3A_227 : vector<256x128xi1>, vector<256x128xi32>
    %select_n3A_273 = arith.select %or3A_269, %select_n3A_227, %select_n3A_236 : vector<256x128xi1>, vector<256x128xi32>
    %lt3A_274 = arith.cmpf olt, %select_n3A_235, %select_n3A_226 : vector<256x128xf32>
    %eq3A_275 = arith.cmpf oeq, %select_n3A_235, %select_n3A_226 : vector<256x128xf32>
    %lt3A_276 = arith.cmpi slt, %select_n3A_237, %select_n3A_228 : vector<256x128xi32>
    %and3A_277 = arith.andi %eq3A_275, %lt3A_276 : vector<256x128xi1>
    %or3A_278 = arith.ori %lt3A_274, %and3A_277 : vector<256x128xi1>
    %select_n3A_279 = arith.select %or3A_278, %select_n3A_235, %select_n3A_226 : vector<256x128xi1>, vector<256x128xf32>
    %select_n3A_280 = arith.select %or3A_278, %select_n3A_226, %select_n3A_235 : vector<256x128xi1>, vector<256x128xf32>
    %select_n3A_281 = arith.select %or3A_278, %select_n3A_237, %select_n3A_228 : vector<256x128xi1>, vector<256x128xi32>
    %select_n3A_282 = arith.select %or3A_278, %select_n3A_228, %select_n3A_237 : vector<256x128xi1>, vector<256x128xi32>
    %lt3A_283 = arith.cmpf olt, %select_n3A_181, %select_n3A_163 : vector<256x128xf32>
    %eq3A_284 = arith.cmpf oeq, %select_n3A_181, %select_n3A_163 : vector<256x128xf32>
    %lt3A_285 = arith.cmpi slt, %select_n3A_183, %select_n3A_165 : vector<256x128xi32>
    %and3A_286 = arith.andi %eq3A_284, %lt3A_285 : vector<256x128xi1>
    %or3A_287 = arith.ori %lt3A_283, %and3A_286 : vector<256x128xi1>
    %select_n3A_288 = arith.select %or3A_287, %select_n3A_181, %select_n3A_163 : vector<256x128xi1>, vector<256x128xf32>
    %select_n3A_289 = arith.select %or3A_287, %select_n3A_163, %select_n3A_181 : vector<256x128xi1>, vector<256x128xf32>
    %select_n3A_290 = arith.select %or3A_287, %select_n3A_183, %select_n3A_165 : vector<256x128xi1>, vector<256x128xi32>
    %select_n3A_291 = arith.select %or3A_287, %select_n3A_165, %select_n3A_183 : vector<256x128xi1>, vector<256x128xi32>
    %lt3A_292 = arith.cmpf olt, %select_n3A_207, %select_n3A_189 : vector<256x128xf32>
    %eq3A_293 = arith.cmpf oeq, %select_n3A_207, %select_n3A_189 : vector<256x128xf32>
    %lt3A_294 = arith.cmpi slt, %select_n3A_209, %select_n3A_191 : vector<256x128xi32>
    %and3A_295 = arith.andi %eq3A_293, %lt3A_294 : vector<256x128xi1>
    %or3A_296 = arith.ori %lt3A_292, %and3A_295 : vector<256x128xi1>
    %select_n3A_297 = arith.select %or3A_296, %select_n3A_207, %select_n3A_189 : vector<256x128xi1>, vector<256x128xf32>
    %select_n3A_298 = arith.select %or3A_296, %select_n3A_189, %select_n3A_207 : vector<256x128xi1>, vector<256x128xf32>
    %select_n3A_299 = arith.select %or3A_296, %select_n3A_209, %select_n3A_191 : vector<256x128xi1>, vector<256x128xi32>
    %select_n3A_300 = arith.select %or3A_296, %select_n3A_191, %select_n3A_209 : vector<256x128xi1>, vector<256x128xi32>
    %lt3A_301 = arith.cmpf olt, %select_n3A_252, %select_n3A_243 : vector<256x128xf32>
    %eq3A_302 = arith.cmpf oeq, %select_n3A_252, %select_n3A_243 : vector<256x128xf32>
    %lt3A_303 = arith.cmpi slt, %select_n3A_254, %select_n3A_245 : vector<256x128xi32>
    %and3A_304 = arith.andi %eq3A_302, %lt3A_303 : vector<256x128xi1>
    %or3A_305 = arith.ori %lt3A_301, %and3A_304 : vector<256x128xi1>
    %select_n3A_306 = arith.select %or3A_305, %select_n3A_252, %select_n3A_243 : vector<256x128xi1>, vector<256x128xf32>
    %select_n3A_307 = arith.select %or3A_305, %select_n3A_243, %select_n3A_252 : vector<256x128xi1>, vector<256x128xf32>
    %select_n3A_308 = arith.select %or3A_305, %select_n3A_254, %select_n3A_245 : vector<256x128xi1>, vector<256x128xi32>
    %select_n3A_309 = arith.select %or3A_305, %select_n3A_245, %select_n3A_254 : vector<256x128xi1>, vector<256x128xi32>
    %lt3A_310 = arith.cmpf olt, %select_n3A_253, %select_n3A_244 : vector<256x128xf32>
    %eq3A_311 = arith.cmpf oeq, %select_n3A_253, %select_n3A_244 : vector<256x128xf32>
    %lt3A_312 = arith.cmpi slt, %select_n3A_255, %select_n3A_246 : vector<256x128xi32>
    %and3A_313 = arith.andi %eq3A_311, %lt3A_312 : vector<256x128xi1>
    %or3A_314 = arith.ori %lt3A_310, %and3A_313 : vector<256x128xi1>
    %select_n3A_315 = arith.select %or3A_314, %select_n3A_253, %select_n3A_244 : vector<256x128xi1>, vector<256x128xf32>
    %select_n3A_316 = arith.select %or3A_314, %select_n3A_244, %select_n3A_253 : vector<256x128xi1>, vector<256x128xf32>
    %select_n3A_317 = arith.select %or3A_314, %select_n3A_255, %select_n3A_246 : vector<256x128xi1>, vector<256x128xi32>
    %select_n3A_318 = arith.select %or3A_314, %select_n3A_246, %select_n3A_255 : vector<256x128xi1>, vector<256x128xi32>
    %lt3A_319 = arith.cmpf olt, %select_n3A_217, %select_n3A_199 : vector<256x128xf32>
    %eq3A_320 = arith.cmpf oeq, %select_n3A_217, %select_n3A_199 : vector<256x128xf32>
    %lt3A_321 = arith.cmpi slt, %select_n3A_219, %select_n3A_201 : vector<256x128xi32>
    %and3A_322 = arith.andi %eq3A_320, %lt3A_321 : vector<256x128xi1>
    %or3A_323 = arith.ori %lt3A_319, %and3A_322 : vector<256x128xi1>
    %select_n3A_324 = arith.select %or3A_323, %select_n3A_217, %select_n3A_199 : vector<256x128xi1>, vector<256x128xf32>
    %select_n3A_325 = arith.select %or3A_323, %select_n3A_199, %select_n3A_217 : vector<256x128xi1>, vector<256x128xf32>
    %select_n3A_326 = arith.select %or3A_323, %select_n3A_219, %select_n3A_201 : vector<256x128xi1>, vector<256x128xi32>
    %select_n3A_327 = arith.select %or3A_323, %select_n3A_201, %select_n3A_219 : vector<256x128xi1>, vector<256x128xi32>
    %lt3A_328 = arith.cmpf olt, %select_n3A_262, %select_n3A_279 : vector<256x128xf32>
    %eq3A_329 = arith.cmpf oeq, %select_n3A_262, %select_n3A_279 : vector<256x128xf32>
    %lt3A_330 = arith.cmpi slt, %select_n3A_264, %select_n3A_281 : vector<256x128xi32>
    %and3A_331 = arith.andi %eq3A_329, %lt3A_330 : vector<256x128xi1>
    %or3A_332 = arith.ori %lt3A_328, %and3A_331 : vector<256x128xi1>
    %select_n3A_333 = arith.select %or3A_332, %select_n3A_262, %select_n3A_279 : vector<256x128xi1>, vector<256x128xf32>
    %select_n3A_334 = arith.select %or3A_332, %select_n3A_279, %select_n3A_262 : vector<256x128xi1>, vector<256x128xf32>
    %select_n3A_335 = arith.select %or3A_332, %select_n3A_264, %select_n3A_281 : vector<256x128xi1>, vector<256x128xi32>
    %select_n3A_336 = arith.select %or3A_332, %select_n3A_281, %select_n3A_264 : vector<256x128xi1>, vector<256x128xi32>
    %lt3A_337 = arith.cmpf olt, %select_n3A_271, %select_n3A_288 : vector<256x128xf32>
    %eq3A_338 = arith.cmpf oeq, %select_n3A_271, %select_n3A_288 : vector<256x128xf32>
    %lt3A_339 = arith.cmpi slt, %select_n3A_273, %select_n3A_290 : vector<256x128xi32>
    %and3A_340 = arith.andi %eq3A_338, %lt3A_339 : vector<256x128xi1>
    %or3A_341 = arith.ori %lt3A_337, %and3A_340 : vector<256x128xi1>
    %select_n3A_342 = arith.select %or3A_341, %select_n3A_271, %select_n3A_288 : vector<256x128xi1>, vector<256x128xf32>
    %select_n3A_343 = arith.select %or3A_341, %select_n3A_288, %select_n3A_271 : vector<256x128xi1>, vector<256x128xf32>
    %select_n3A_344 = arith.select %or3A_341, %select_n3A_273, %select_n3A_290 : vector<256x128xi1>, vector<256x128xi32>
    %select_n3A_345 = arith.select %or3A_341, %select_n3A_290, %select_n3A_273 : vector<256x128xi1>, vector<256x128xi32>
    %lt3A_346 = arith.cmpf olt, %select_n3A_298, %select_n3A_315 : vector<256x128xf32>
    %eq3A_347 = arith.cmpf oeq, %select_n3A_298, %select_n3A_315 : vector<256x128xf32>
    %lt3A_348 = arith.cmpi slt, %select_n3A_300, %select_n3A_317 : vector<256x128xi32>
    %and3A_349 = arith.andi %eq3A_347, %lt3A_348 : vector<256x128xi1>
    %or3A_350 = arith.ori %lt3A_346, %and3A_349 : vector<256x128xi1>
    %select_n3A_351 = arith.select %or3A_350, %select_n3A_298, %select_n3A_315 : vector<256x128xi1>, vector<256x128xf32>
    %select_n3A_352 = arith.select %or3A_350, %select_n3A_315, %select_n3A_298 : vector<256x128xi1>, vector<256x128xf32>
    %select_n3A_353 = arith.select %or3A_350, %select_n3A_300, %select_n3A_317 : vector<256x128xi1>, vector<256x128xi32>
    %select_n3A_354 = arith.select %or3A_350, %select_n3A_317, %select_n3A_300 : vector<256x128xi1>, vector<256x128xi32>
    %lt3A_355 = arith.cmpf olt, %select_n3A_307, %select_n3A_324 : vector<256x128xf32>
    %eq3A_356 = arith.cmpf oeq, %select_n3A_307, %select_n3A_324 : vector<256x128xf32>
    %lt3A_357 = arith.cmpi slt, %select_n3A_309, %select_n3A_326 : vector<256x128xi32>
    %and3A_358 = arith.andi %eq3A_356, %lt3A_357 : vector<256x128xi1>
    %or3A_359 = arith.ori %lt3A_355, %and3A_358 : vector<256x128xi1>
    %select_n3A_360 = arith.select %or3A_359, %select_n3A_307, %select_n3A_324 : vector<256x128xi1>, vector<256x128xf32>
    %select_n3A_361 = arith.select %or3A_359, %select_n3A_324, %select_n3A_307 : vector<256x128xi1>, vector<256x128xf32>
    %select_n3A_362 = arith.select %or3A_359, %select_n3A_309, %select_n3A_326 : vector<256x128xi1>, vector<256x128xi32>
    %select_n3A_363 = arith.select %or3A_359, %select_n3A_326, %select_n3A_309 : vector<256x128xi1>, vector<256x128xi32>
    %lt3A_364 = arith.cmpf olt, %select_n3A_333, %select_n3A_270 : vector<256x128xf32>
    %eq3A_365 = arith.cmpf oeq, %select_n3A_333, %select_n3A_270 : vector<256x128xf32>
    %lt3A_366 = arith.cmpi slt, %select_n3A_335, %select_n3A_272 : vector<256x128xi32>
    %and3A_367 = arith.andi %eq3A_365, %lt3A_366 : vector<256x128xi1>
    %or3A_368 = arith.ori %lt3A_364, %and3A_367 : vector<256x128xi1>
    %select_n3A_369 = arith.select %or3A_368, %select_n3A_333, %select_n3A_270 : vector<256x128xi1>, vector<256x128xf32>
    %select_n3A_370 = arith.select %or3A_368, %select_n3A_270, %select_n3A_333 : vector<256x128xi1>, vector<256x128xf32>
    %select_n3A_371 = arith.select %or3A_368, %select_n3A_335, %select_n3A_272 : vector<256x128xi1>, vector<256x128xi32>
    %select_n3A_372 = arith.select %or3A_368, %select_n3A_272, %select_n3A_335 : vector<256x128xi1>, vector<256x128xi32>
    %lt3A_373 = arith.cmpf olt, %select_n3A_334, %select_n3A_342 : vector<256x128xf32>
    %eq3A_374 = arith.cmpf oeq, %select_n3A_334, %select_n3A_342 : vector<256x128xf32>
    %lt3A_375 = arith.cmpi slt, %select_n3A_336, %select_n3A_344 : vector<256x128xi32>
    %and3A_376 = arith.andi %eq3A_374, %lt3A_375 : vector<256x128xi1>
    %or3A_377 = arith.ori %lt3A_373, %and3A_376 : vector<256x128xi1>
    %select_n3A_378 = arith.select %or3A_377, %select_n3A_334, %select_n3A_342 : vector<256x128xi1>, vector<256x128xf32>
    %select_n3A_379 = arith.select %or3A_377, %select_n3A_342, %select_n3A_334 : vector<256x128xi1>, vector<256x128xf32>
    %select_n3A_380 = arith.select %or3A_377, %select_n3A_336, %select_n3A_344 : vector<256x128xi1>, vector<256x128xi32>
    %select_n3A_381 = arith.select %or3A_377, %select_n3A_344, %select_n3A_336 : vector<256x128xi1>, vector<256x128xi32>
    %lt3A_382 = arith.cmpf olt, %select_n3A_280, %select_n3A_343 : vector<256x128xf32>
    %eq3A_383 = arith.cmpf oeq, %select_n3A_280, %select_n3A_343 : vector<256x128xf32>
    %lt3A_384 = arith.cmpi slt, %select_n3A_282, %select_n3A_345 : vector<256x128xi32>
    %and3A_385 = arith.andi %eq3A_383, %lt3A_384 : vector<256x128xi1>
    %or3A_386 = arith.ori %lt3A_382, %and3A_385 : vector<256x128xi1>
    %select_n3A_387 = arith.select %or3A_386, %select_n3A_280, %select_n3A_343 : vector<256x128xi1>, vector<256x128xf32>
    %select_n3A_388 = arith.select %or3A_386, %select_n3A_343, %select_n3A_280 : vector<256x128xi1>, vector<256x128xf32>
    %select_n3A_389 = arith.select %or3A_386, %select_n3A_282, %select_n3A_345 : vector<256x128xi1>, vector<256x128xi32>
    %select_n3A_390 = arith.select %or3A_386, %select_n3A_345, %select_n3A_282 : vector<256x128xi1>, vector<256x128xi32>
    %lt3A_391 = arith.cmpf olt, %select_n3A_351, %select_n3A_306 : vector<256x128xf32>
    %eq3A_392 = arith.cmpf oeq, %select_n3A_351, %select_n3A_306 : vector<256x128xf32>
    %lt3A_393 = arith.cmpi slt, %select_n3A_353, %select_n3A_308 : vector<256x128xi32>
    %and3A_394 = arith.andi %eq3A_392, %lt3A_393 : vector<256x128xi1>
    %or3A_395 = arith.ori %lt3A_391, %and3A_394 : vector<256x128xi1>
    %select_n3A_396 = arith.select %or3A_395, %select_n3A_351, %select_n3A_306 : vector<256x128xi1>, vector<256x128xf32>
    %select_n3A_397 = arith.select %or3A_395, %select_n3A_306, %select_n3A_351 : vector<256x128xi1>, vector<256x128xf32>
    %select_n3A_398 = arith.select %or3A_395, %select_n3A_353, %select_n3A_308 : vector<256x128xi1>, vector<256x128xi32>
    %select_n3A_399 = arith.select %or3A_395, %select_n3A_308, %select_n3A_353 : vector<256x128xi1>, vector<256x128xi32>
    %lt3A_400 = arith.cmpf olt, %select_n3A_352, %select_n3A_360 : vector<256x128xf32>
    %eq3A_401 = arith.cmpf oeq, %select_n3A_352, %select_n3A_360 : vector<256x128xf32>
    %lt3A_402 = arith.cmpi slt, %select_n3A_354, %select_n3A_362 : vector<256x128xi32>
    %and3A_403 = arith.andi %eq3A_401, %lt3A_402 : vector<256x128xi1>
    %or3A_404 = arith.ori %lt3A_400, %and3A_403 : vector<256x128xi1>
    %select_n3A_405 = arith.select %or3A_404, %select_n3A_352, %select_n3A_360 : vector<256x128xi1>, vector<256x128xf32>
    %select_n3A_406 = arith.select %or3A_404, %select_n3A_360, %select_n3A_352 : vector<256x128xi1>, vector<256x128xf32>
    %select_n3A_407 = arith.select %or3A_404, %select_n3A_354, %select_n3A_362 : vector<256x128xi1>, vector<256x128xi32>
    %select_n3A_408 = arith.select %or3A_404, %select_n3A_362, %select_n3A_354 : vector<256x128xi1>, vector<256x128xi32>
    %lt3A_409 = arith.cmpf olt, %select_n3A_316, %select_n3A_361 : vector<256x128xf32>
    %eq3A_410 = arith.cmpf oeq, %select_n3A_316, %select_n3A_361 : vector<256x128xf32>
    %lt3A_411 = arith.cmpi slt, %select_n3A_318, %select_n3A_363 : vector<256x128xi32>
    %and3A_412 = arith.andi %eq3A_410, %lt3A_411 : vector<256x128xi1>
    %or3A_413 = arith.ori %lt3A_409, %and3A_412 : vector<256x128xi1>
    %select_n3A_414 = arith.select %or3A_413, %select_n3A_316, %select_n3A_361 : vector<256x128xi1>, vector<256x128xf32>
    %select_n3A_415 = arith.select %or3A_413, %select_n3A_361, %select_n3A_316 : vector<256x128xi1>, vector<256x128xf32>
    %select_n3A_416 = arith.select %or3A_413, %select_n3A_318, %select_n3A_363 : vector<256x128xi1>, vector<256x128xi32>
    %select_n3A_417 = arith.select %or3A_413, %select_n3A_363, %select_n3A_318 : vector<256x128xi1>, vector<256x128xi32>
    %lt3A_418 = arith.cmpf olt, %select_n3A_297, %select_n3A_261 : vector<256x128xf32>
    %eq3A_419 = arith.cmpf oeq, %select_n3A_297, %select_n3A_261 : vector<256x128xf32>
    %lt3A_420 = arith.cmpi slt, %select_n3A_299, %select_n3A_263 : vector<256x128xi32>
    %and3A_421 = arith.andi %eq3A_419, %lt3A_420 : vector<256x128xi1>
    %or3A_422 = arith.ori %lt3A_418, %and3A_421 : vector<256x128xi1>
    %select_n3A_423 = arith.select %or3A_422, %select_n3A_297, %select_n3A_261 : vector<256x128xi1>, vector<256x128xf32>
    %select_n3A_424 = arith.select %or3A_422, %select_n3A_261, %select_n3A_297 : vector<256x128xi1>, vector<256x128xf32>
    %select_n3A_425 = arith.select %or3A_422, %select_n3A_299, %select_n3A_263 : vector<256x128xi1>, vector<256x128xi32>
    %select_n3A_426 = arith.select %or3A_422, %select_n3A_263, %select_n3A_299 : vector<256x128xi1>, vector<256x128xi32>
    %lt3A_427 = arith.cmpf olt, %select_n3A_396, %select_n3A_369 : vector<256x128xf32>
    %eq3A_428 = arith.cmpf oeq, %select_n3A_396, %select_n3A_369 : vector<256x128xf32>
    %lt3A_429 = arith.cmpi slt, %select_n3A_398, %select_n3A_371 : vector<256x128xi32>
    %and3A_430 = arith.andi %eq3A_428, %lt3A_429 : vector<256x128xi1>
    %or3A_431 = arith.ori %lt3A_427, %and3A_430 : vector<256x128xi1>
    %select_n3A_432 = arith.select %or3A_431, %select_n3A_396, %select_n3A_369 : vector<256x128xi1>, vector<256x128xf32>
    %select_n3A_433 = arith.select %or3A_431, %select_n3A_369, %select_n3A_396 : vector<256x128xi1>, vector<256x128xf32>
    %select_n3A_434 = arith.select %or3A_431, %select_n3A_398, %select_n3A_371 : vector<256x128xi1>, vector<256x128xi32>
    %select_n3A_435 = arith.select %or3A_431, %select_n3A_371, %select_n3A_398 : vector<256x128xi1>, vector<256x128xi32>
    %lt3A_436 = arith.cmpf olt, %select_n3A_397, %select_n3A_370 : vector<256x128xf32>
    %eq3A_437 = arith.cmpf oeq, %select_n3A_397, %select_n3A_370 : vector<256x128xf32>
    %lt3A_438 = arith.cmpi slt, %select_n3A_399, %select_n3A_372 : vector<256x128xi32>
    %and3A_439 = arith.andi %eq3A_437, %lt3A_438 : vector<256x128xi1>
    %or3A_440 = arith.ori %lt3A_436, %and3A_439 : vector<256x128xi1>
    %select_n3A_441 = arith.select %or3A_440, %select_n3A_397, %select_n3A_370 : vector<256x128xi1>, vector<256x128xf32>
    %select_n3A_442 = arith.select %or3A_440, %select_n3A_370, %select_n3A_397 : vector<256x128xi1>, vector<256x128xf32>
    %select_n3A_443 = arith.select %or3A_440, %select_n3A_399, %select_n3A_372 : vector<256x128xi1>, vector<256x128xi32>
    %select_n3A_444 = arith.select %or3A_440, %select_n3A_372, %select_n3A_399 : vector<256x128xi1>, vector<256x128xi32>
    %lt3A_445 = arith.cmpf olt, %select_n3A_405, %select_n3A_378 : vector<256x128xf32>
    %eq3A_446 = arith.cmpf oeq, %select_n3A_405, %select_n3A_378 : vector<256x128xf32>
    %lt3A_447 = arith.cmpi slt, %select_n3A_407, %select_n3A_380 : vector<256x128xi32>
    %and3A_448 = arith.andi %eq3A_446, %lt3A_447 : vector<256x128xi1>
    %or3A_449 = arith.ori %lt3A_445, %and3A_448 : vector<256x128xi1>
    %select_n3A_450 = arith.select %or3A_449, %select_n3A_405, %select_n3A_378 : vector<256x128xi1>, vector<256x128xf32>
    %select_n3A_451 = arith.select %or3A_449, %select_n3A_378, %select_n3A_405 : vector<256x128xi1>, vector<256x128xf32>
    %select_n3A_452 = arith.select %or3A_449, %select_n3A_407, %select_n3A_380 : vector<256x128xi1>, vector<256x128xi32>
    %select_n3A_453 = arith.select %or3A_449, %select_n3A_380, %select_n3A_407 : vector<256x128xi1>, vector<256x128xi32>
    %lt3A_454 = arith.cmpf olt, %select_n3A_406, %select_n3A_379 : vector<256x128xf32>
    %eq3A_455 = arith.cmpf oeq, %select_n3A_406, %select_n3A_379 : vector<256x128xf32>
    %lt3A_456 = arith.cmpi slt, %select_n3A_408, %select_n3A_381 : vector<256x128xi32>
    %and3A_457 = arith.andi %eq3A_455, %lt3A_456 : vector<256x128xi1>
    %or3A_458 = arith.ori %lt3A_454, %and3A_457 : vector<256x128xi1>
    %select_n3A_459 = arith.select %or3A_458, %select_n3A_406, %select_n3A_379 : vector<256x128xi1>, vector<256x128xf32>
    %select_n3A_460 = arith.select %or3A_458, %select_n3A_379, %select_n3A_406 : vector<256x128xi1>, vector<256x128xf32>
    %select_n3A_461 = arith.select %or3A_458, %select_n3A_408, %select_n3A_381 : vector<256x128xi1>, vector<256x128xi32>
    %select_n3A_462 = arith.select %or3A_458, %select_n3A_381, %select_n3A_408 : vector<256x128xi1>, vector<256x128xi32>
    %lt3A_463 = arith.cmpf olt, %select_n3A_414, %select_n3A_387 : vector<256x128xf32>
    %eq3A_464 = arith.cmpf oeq, %select_n3A_414, %select_n3A_387 : vector<256x128xf32>
    %lt3A_465 = arith.cmpi slt, %select_n3A_416, %select_n3A_389 : vector<256x128xi32>
    %and3A_466 = arith.andi %eq3A_464, %lt3A_465 : vector<256x128xi1>
    %or3A_467 = arith.ori %lt3A_463, %and3A_466 : vector<256x128xi1>
    %select_n3A_468 = arith.select %or3A_467, %select_n3A_414, %select_n3A_387 : vector<256x128xi1>, vector<256x128xf32>
    %select_n3A_469 = arith.select %or3A_467, %select_n3A_387, %select_n3A_414 : vector<256x128xi1>, vector<256x128xf32>
    %select_n3A_470 = arith.select %or3A_467, %select_n3A_416, %select_n3A_389 : vector<256x128xi1>, vector<256x128xi32>
    %select_n3A_471 = arith.select %or3A_467, %select_n3A_389, %select_n3A_416 : vector<256x128xi1>, vector<256x128xi32>
    %lt3A_472 = arith.cmpf olt, %select_n3A_415, %select_n3A_388 : vector<256x128xf32>
    %eq3A_473 = arith.cmpf oeq, %select_n3A_415, %select_n3A_388 : vector<256x128xf32>
    %lt3A_474 = arith.cmpi slt, %select_n3A_417, %select_n3A_390 : vector<256x128xi32>
    %and3A_475 = arith.andi %eq3A_473, %lt3A_474 : vector<256x128xi1>
    %or3A_476 = arith.ori %lt3A_472, %and3A_475 : vector<256x128xi1>
    %select_n3A_477 = arith.select %or3A_476, %select_n3A_415, %select_n3A_388 : vector<256x128xi1>, vector<256x128xf32>
    %select_n3A_478 = arith.select %or3A_476, %select_n3A_388, %select_n3A_415 : vector<256x128xi1>, vector<256x128xf32>
    %select_n3A_479 = arith.select %or3A_476, %select_n3A_417, %select_n3A_390 : vector<256x128xi1>, vector<256x128xi32>
    %select_n3A_480 = arith.select %or3A_476, %select_n3A_390, %select_n3A_417 : vector<256x128xi1>, vector<256x128xi32>
    %lt3A_481 = arith.cmpf olt, %select_n3A_325, %select_n3A_289 : vector<256x128xf32>
    %eq3A_482 = arith.cmpf oeq, %select_n3A_325, %select_n3A_289 : vector<256x128xf32>
    %lt3A_483 = arith.cmpi slt, %select_n3A_327, %select_n3A_291 : vector<256x128xi32>
    %and3A_484 = arith.andi %eq3A_482, %lt3A_483 : vector<256x128xi1>
    %or3A_485 = arith.ori %lt3A_481, %and3A_484 : vector<256x128xi1>
    %select_n3A_486 = arith.select %or3A_485, %select_n3A_325, %select_n3A_289 : vector<256x128xi1>, vector<256x128xf32>
    %select_n3A_487 = arith.select %or3A_485, %select_n3A_289, %select_n3A_325 : vector<256x128xi1>, vector<256x128xf32>
    %select_n3A_488 = arith.select %or3A_485, %select_n3A_327, %select_n3A_291 : vector<256x128xi1>, vector<256x128xi32>
    %select_n3A_489 = arith.select %or3A_485, %select_n3A_291, %select_n3A_327 : vector<256x128xi1>, vector<256x128xi32>
    %lt3A_490 = arith.cmpf olt, %select_n3A_424, %select_n3A_459 : vector<256x128xf32>
    %eq3A_491 = arith.cmpf oeq, %select_n3A_424, %select_n3A_459 : vector<256x128xf32>
    %lt3A_492 = arith.cmpi slt, %select_n3A_426, %select_n3A_461 : vector<256x128xi32>
    %and3A_493 = arith.andi %eq3A_491, %lt3A_492 : vector<256x128xi1>
    %or3A_494 = arith.ori %lt3A_490, %and3A_493 : vector<256x128xi1>
    %select_n3A_495 = arith.select %or3A_494, %select_n3A_424, %select_n3A_459 : vector<256x128xi1>, vector<256x128xf32>
    %select_n3A_496 = arith.select %or3A_494, %select_n3A_459, %select_n3A_424 : vector<256x128xi1>, vector<256x128xf32>
    %select_n3A_497 = arith.select %or3A_494, %select_n3A_426, %select_n3A_461 : vector<256x128xi1>, vector<256x128xi32>
    %select_n3A_498 = arith.select %or3A_494, %select_n3A_461, %select_n3A_426 : vector<256x128xi1>, vector<256x128xi32>
    %lt3A_499 = arith.cmpf olt, %select_n3A_433, %select_n3A_468 : vector<256x128xf32>
    %eq3A_500 = arith.cmpf oeq, %select_n3A_433, %select_n3A_468 : vector<256x128xf32>
    %lt3A_501 = arith.cmpi slt, %select_n3A_435, %select_n3A_470 : vector<256x128xi32>
    %and3A_502 = arith.andi %eq3A_500, %lt3A_501 : vector<256x128xi1>
    %or3A_503 = arith.ori %lt3A_499, %and3A_502 : vector<256x128xi1>
    %select_n3A_504 = arith.select %or3A_503, %select_n3A_433, %select_n3A_468 : vector<256x128xi1>, vector<256x128xf32>
    %select_n3A_505 = arith.select %or3A_503, %select_n3A_468, %select_n3A_433 : vector<256x128xi1>, vector<256x128xf32>
    %select_n3A_506 = arith.select %or3A_503, %select_n3A_435, %select_n3A_470 : vector<256x128xi1>, vector<256x128xi32>
    %select_n3A_507 = arith.select %or3A_503, %select_n3A_470, %select_n3A_435 : vector<256x128xi1>, vector<256x128xi32>
    %lt3A_508 = arith.cmpf olt, %select_n3A_442, %select_n3A_477 : vector<256x128xf32>
    %eq3A_509 = arith.cmpf oeq, %select_n3A_442, %select_n3A_477 : vector<256x128xf32>
    %lt3A_510 = arith.cmpi slt, %select_n3A_444, %select_n3A_479 : vector<256x128xi32>
    %and3A_511 = arith.andi %eq3A_509, %lt3A_510 : vector<256x128xi1>
    %or3A_512 = arith.ori %lt3A_508, %and3A_511 : vector<256x128xi1>
    %select_n3A_513 = arith.select %or3A_512, %select_n3A_442, %select_n3A_477 : vector<256x128xi1>, vector<256x128xf32>
    %select_n3A_514 = arith.select %or3A_512, %select_n3A_477, %select_n3A_442 : vector<256x128xi1>, vector<256x128xf32>
    %select_n3A_515 = arith.select %or3A_512, %select_n3A_444, %select_n3A_479 : vector<256x128xi1>, vector<256x128xi32>
    %select_n3A_516 = arith.select %or3A_512, %select_n3A_479, %select_n3A_444 : vector<256x128xi1>, vector<256x128xi32>
    %lt3A_517 = arith.cmpf olt, %select_n3A_451, %select_n3A_486 : vector<256x128xf32>
    %eq3A_518 = arith.cmpf oeq, %select_n3A_451, %select_n3A_486 : vector<256x128xf32>
    %lt3A_519 = arith.cmpi slt, %select_n3A_453, %select_n3A_488 : vector<256x128xi32>
    %and3A_520 = arith.andi %eq3A_518, %lt3A_519 : vector<256x128xi1>
    %or3A_521 = arith.ori %lt3A_517, %and3A_520 : vector<256x128xi1>
    %select_n3A_522 = arith.select %or3A_521, %select_n3A_451, %select_n3A_486 : vector<256x128xi1>, vector<256x128xf32>
    %select_n3A_523 = arith.select %or3A_521, %select_n3A_486, %select_n3A_451 : vector<256x128xi1>, vector<256x128xf32>
    %select_n3A_524 = arith.select %or3A_521, %select_n3A_453, %select_n3A_488 : vector<256x128xi1>, vector<256x128xi32>
    %select_n3A_525 = arith.select %or3A_521, %select_n3A_488, %select_n3A_453 : vector<256x128xi1>, vector<256x128xi32>
    %lt3A_526 = arith.cmpf olt, %select_n3A_495, %select_n3A_441 : vector<256x128xf32>
    %eq3A_527 = arith.cmpf oeq, %select_n3A_495, %select_n3A_441 : vector<256x128xf32>
    %lt3A_528 = arith.cmpi slt, %select_n3A_497, %select_n3A_443 : vector<256x128xi32>
    %and3A_529 = arith.andi %eq3A_527, %lt3A_528 : vector<256x128xi1>
    %or3A_530 = arith.ori %lt3A_526, %and3A_529 : vector<256x128xi1>
    %select_n3A_531 = arith.select %or3A_530, %select_n3A_495, %select_n3A_441 : vector<256x128xi1>, vector<256x128xf32>
    %select_n3A_532 = arith.select %or3A_530, %select_n3A_441, %select_n3A_495 : vector<256x128xi1>, vector<256x128xf32>
    %select_n3A_533 = arith.select %or3A_530, %select_n3A_497, %select_n3A_443 : vector<256x128xi1>, vector<256x128xi32>
    %select_n3A_534 = arith.select %or3A_530, %select_n3A_443, %select_n3A_497 : vector<256x128xi1>, vector<256x128xi32>
    %lt3A_535 = arith.cmpf olt, %select_n3A_504, %select_n3A_450 : vector<256x128xf32>
    %eq3A_536 = arith.cmpf oeq, %select_n3A_504, %select_n3A_450 : vector<256x128xf32>
    %lt3A_537 = arith.cmpi slt, %select_n3A_506, %select_n3A_452 : vector<256x128xi32>
    %and3A_538 = arith.andi %eq3A_536, %lt3A_537 : vector<256x128xi1>
    %or3A_539 = arith.ori %lt3A_535, %and3A_538 : vector<256x128xi1>
    %select_n3A_540 = arith.select %or3A_539, %select_n3A_504, %select_n3A_450 : vector<256x128xi1>, vector<256x128xf32>
    %select_n3A_541 = arith.select %or3A_539, %select_n3A_450, %select_n3A_504 : vector<256x128xi1>, vector<256x128xf32>
    %select_n3A_542 = arith.select %or3A_539, %select_n3A_506, %select_n3A_452 : vector<256x128xi1>, vector<256x128xi32>
    %select_n3A_543 = arith.select %or3A_539, %select_n3A_452, %select_n3A_506 : vector<256x128xi1>, vector<256x128xi32>
    %lt3A_544 = arith.cmpf olt, %select_n3A_496, %select_n3A_513 : vector<256x128xf32>
    %eq3A_545 = arith.cmpf oeq, %select_n3A_496, %select_n3A_513 : vector<256x128xf32>
    %lt3A_546 = arith.cmpi slt, %select_n3A_498, %select_n3A_515 : vector<256x128xi32>
    %and3A_547 = arith.andi %eq3A_545, %lt3A_546 : vector<256x128xi1>
    %or3A_548 = arith.ori %lt3A_544, %and3A_547 : vector<256x128xi1>
    %select_n3A_549 = arith.select %or3A_548, %select_n3A_496, %select_n3A_513 : vector<256x128xi1>, vector<256x128xf32>
    %select_n3A_550 = arith.select %or3A_548, %select_n3A_513, %select_n3A_496 : vector<256x128xi1>, vector<256x128xf32>
    %select_n3A_551 = arith.select %or3A_548, %select_n3A_498, %select_n3A_515 : vector<256x128xi1>, vector<256x128xi32>
    %select_n3A_552 = arith.select %or3A_548, %select_n3A_515, %select_n3A_498 : vector<256x128xi1>, vector<256x128xi32>
    %lt3A_553 = arith.cmpf olt, %select_n3A_505, %select_n3A_522 : vector<256x128xf32>
    %eq3A_554 = arith.cmpf oeq, %select_n3A_505, %select_n3A_522 : vector<256x128xf32>
    %lt3A_555 = arith.cmpi slt, %select_n3A_507, %select_n3A_524 : vector<256x128xi32>
    %and3A_556 = arith.andi %eq3A_554, %lt3A_555 : vector<256x128xi1>
    %or3A_557 = arith.ori %lt3A_553, %and3A_556 : vector<256x128xi1>
    %select_n3A_558 = arith.select %or3A_557, %select_n3A_505, %select_n3A_522 : vector<256x128xi1>, vector<256x128xf32>
    %select_n3A_559 = arith.select %or3A_557, %select_n3A_522, %select_n3A_505 : vector<256x128xi1>, vector<256x128xf32>
    %select_n3A_560 = arith.select %or3A_557, %select_n3A_507, %select_n3A_524 : vector<256x128xi1>, vector<256x128xi32>
    %select_n3A_561 = arith.select %or3A_557, %select_n3A_524, %select_n3A_507 : vector<256x128xi1>, vector<256x128xi32>
    %lt3A_562 = arith.cmpf olt, %select_n3A_460, %select_n3A_514 : vector<256x128xf32>
    %eq3A_563 = arith.cmpf oeq, %select_n3A_460, %select_n3A_514 : vector<256x128xf32>
    %lt3A_564 = arith.cmpi slt, %select_n3A_462, %select_n3A_516 : vector<256x128xi32>
    %and3A_565 = arith.andi %eq3A_563, %lt3A_564 : vector<256x128xi1>
    %or3A_566 = arith.ori %lt3A_562, %and3A_565 : vector<256x128xi1>
    %select_n3A_567 = arith.select %or3A_566, %select_n3A_460, %select_n3A_514 : vector<256x128xi1>, vector<256x128xf32>
    %select_n3A_568 = arith.select %or3A_566, %select_n3A_514, %select_n3A_460 : vector<256x128xi1>, vector<256x128xf32>
    %select_n3A_569 = arith.select %or3A_566, %select_n3A_462, %select_n3A_516 : vector<256x128xi1>, vector<256x128xi32>
    %select_n3A_570 = arith.select %or3A_566, %select_n3A_516, %select_n3A_462 : vector<256x128xi1>, vector<256x128xi32>
    %lt3A_571 = arith.cmpf olt, %select_n3A_469, %select_n3A_523 : vector<256x128xf32>
    %eq3A_572 = arith.cmpf oeq, %select_n3A_469, %select_n3A_523 : vector<256x128xf32>
    %lt3A_573 = arith.cmpi slt, %select_n3A_471, %select_n3A_525 : vector<256x128xi32>
    %and3A_574 = arith.andi %eq3A_572, %lt3A_573 : vector<256x128xi1>
    %or3A_575 = arith.ori %lt3A_571, %and3A_574 : vector<256x128xi1>
    %select_n3A_576 = arith.select %or3A_575, %select_n3A_469, %select_n3A_523 : vector<256x128xi1>, vector<256x128xf32>
    %select_n3A_577 = arith.select %or3A_575, %select_n3A_523, %select_n3A_469 : vector<256x128xi1>, vector<256x128xf32>
    %select_n3A_578 = arith.select %or3A_575, %select_n3A_471, %select_n3A_525 : vector<256x128xi1>, vector<256x128xi32>
    %select_n3A_579 = arith.select %or3A_575, %select_n3A_525, %select_n3A_471 : vector<256x128xi1>, vector<256x128xi32>
    %lt3A_580 = arith.cmpf olt, %select_n3A_531, %select_n3A_432 : vector<256x128xf32>
    %eq3A_581 = arith.cmpf oeq, %select_n3A_531, %select_n3A_432 : vector<256x128xf32>
    %lt3A_582 = arith.cmpi slt, %select_n3A_533, %select_n3A_434 : vector<256x128xi32>
    %and3A_583 = arith.andi %eq3A_581, %lt3A_582 : vector<256x128xi1>
    %or3A_584 = arith.ori %lt3A_580, %and3A_583 : vector<256x128xi1>
    %select_n3A_585 = arith.select %or3A_584, %select_n3A_531, %select_n3A_432 : vector<256x128xi1>, vector<256x128xf32>
    %select_n3A_586 = arith.select %or3A_584, %select_n3A_432, %select_n3A_531 : vector<256x128xi1>, vector<256x128xf32>
    %select_n3A_587 = arith.select %or3A_584, %select_n3A_533, %select_n3A_434 : vector<256x128xi1>, vector<256x128xi32>
    %select_n3A_588 = arith.select %or3A_584, %select_n3A_434, %select_n3A_533 : vector<256x128xi1>, vector<256x128xi32>
    %lt3A_589 = arith.cmpf olt, %select_n3A_532, %select_n3A_540 : vector<256x128xf32>
    %eq3A_590 = arith.cmpf oeq, %select_n3A_532, %select_n3A_540 : vector<256x128xf32>
    %lt3A_591 = arith.cmpi slt, %select_n3A_534, %select_n3A_542 : vector<256x128xi32>
    %and3A_592 = arith.andi %eq3A_590, %lt3A_591 : vector<256x128xi1>
    %or3A_593 = arith.ori %lt3A_589, %and3A_592 : vector<256x128xi1>
    %select_n3A_594 = arith.select %or3A_593, %select_n3A_532, %select_n3A_540 : vector<256x128xi1>, vector<256x128xf32>
    %select_n3A_595 = arith.select %or3A_593, %select_n3A_540, %select_n3A_532 : vector<256x128xi1>, vector<256x128xf32>
    %select_n3A_596 = arith.select %or3A_593, %select_n3A_534, %select_n3A_542 : vector<256x128xi1>, vector<256x128xi32>
    %select_n3A_597 = arith.select %or3A_593, %select_n3A_542, %select_n3A_534 : vector<256x128xi1>, vector<256x128xi32>
    %lt3A_598 = arith.cmpf olt, %select_n3A_549, %select_n3A_541 : vector<256x128xf32>
    %eq3A_599 = arith.cmpf oeq, %select_n3A_549, %select_n3A_541 : vector<256x128xf32>
    %lt3A_600 = arith.cmpi slt, %select_n3A_551, %select_n3A_543 : vector<256x128xi32>
    %and3A_601 = arith.andi %eq3A_599, %lt3A_600 : vector<256x128xi1>
    %or3A_602 = arith.ori %lt3A_598, %and3A_601 : vector<256x128xi1>
    %select_n3A_603 = arith.select %or3A_602, %select_n3A_549, %select_n3A_541 : vector<256x128xi1>, vector<256x128xf32>
    %select_n3A_604 = arith.select %or3A_602, %select_n3A_541, %select_n3A_549 : vector<256x128xi1>, vector<256x128xf32>
    %select_n3A_605 = arith.select %or3A_602, %select_n3A_551, %select_n3A_543 : vector<256x128xi1>, vector<256x128xi32>
    %select_n3A_606 = arith.select %or3A_602, %select_n3A_543, %select_n3A_551 : vector<256x128xi1>, vector<256x128xi32>
    %lt3A_607 = arith.cmpf olt, %select_n3A_550, %select_n3A_558 : vector<256x128xf32>
    %eq3A_608 = arith.cmpf oeq, %select_n3A_550, %select_n3A_558 : vector<256x128xf32>
    %lt3A_609 = arith.cmpi slt, %select_n3A_552, %select_n3A_560 : vector<256x128xi32>
    %and3A_610 = arith.andi %eq3A_608, %lt3A_609 : vector<256x128xi1>
    %or3A_611 = arith.ori %lt3A_607, %and3A_610 : vector<256x128xi1>
    %select_n3A_612 = arith.select %or3A_611, %select_n3A_550, %select_n3A_558 : vector<256x128xi1>, vector<256x128xf32>
    %select_n3A_613 = arith.select %or3A_611, %select_n3A_558, %select_n3A_550 : vector<256x128xi1>, vector<256x128xf32>
    %select_n3A_614 = arith.select %or3A_611, %select_n3A_552, %select_n3A_560 : vector<256x128xi1>, vector<256x128xi32>
    %select_n3A_615 = arith.select %or3A_611, %select_n3A_560, %select_n3A_552 : vector<256x128xi1>, vector<256x128xi32>
    %lt3A_616 = arith.cmpf olt, %select_n3A_567, %select_n3A_559 : vector<256x128xf32>
    %eq3A_617 = arith.cmpf oeq, %select_n3A_567, %select_n3A_559 : vector<256x128xf32>
    %lt3A_618 = arith.cmpi slt, %select_n3A_569, %select_n3A_561 : vector<256x128xi32>
    %and3A_619 = arith.andi %eq3A_617, %lt3A_618 : vector<256x128xi1>
    %or3A_620 = arith.ori %lt3A_616, %and3A_619 : vector<256x128xi1>
    %select_n3A_621 = arith.select %or3A_620, %select_n3A_567, %select_n3A_559 : vector<256x128xi1>, vector<256x128xf32>
    %select_n3A_622 = arith.select %or3A_620, %select_n3A_559, %select_n3A_567 : vector<256x128xi1>, vector<256x128xf32>
    %select_n3A_623 = arith.select %or3A_620, %select_n3A_569, %select_n3A_561 : vector<256x128xi1>, vector<256x128xi32>
    %select_n3A_624 = arith.select %or3A_620, %select_n3A_561, %select_n3A_569 : vector<256x128xi1>, vector<256x128xi32>
    %lt3A_625 = arith.cmpf olt, %select_n3A_568, %select_n3A_576 : vector<256x128xf32>
    %eq3A_626 = arith.cmpf oeq, %select_n3A_568, %select_n3A_576 : vector<256x128xf32>
    %lt3A_627 = arith.cmpi slt, %select_n3A_570, %select_n3A_578 : vector<256x128xi32>
    %and3A_628 = arith.andi %eq3A_626, %lt3A_627 : vector<256x128xi1>
    %or3A_629 = arith.ori %lt3A_625, %and3A_628 : vector<256x128xi1>
    %select_n3A_630 = arith.select %or3A_629, %select_n3A_568, %select_n3A_576 : vector<256x128xi1>, vector<256x128xf32>
    %select_n3A_631 = arith.select %or3A_629, %select_n3A_576, %select_n3A_568 : vector<256x128xi1>, vector<256x128xf32>
    %select_n3A_632 = arith.select %or3A_629, %select_n3A_570, %select_n3A_578 : vector<256x128xi1>, vector<256x128xi32>
    %select_n3A_633 = arith.select %or3A_629, %select_n3A_578, %select_n3A_570 : vector<256x128xi1>, vector<256x128xi32>
    %lt3A_634 = arith.cmpf olt, %select_n3A_478, %select_n3A_577 : vector<256x128xf32>
    %eq3A_635 = arith.cmpf oeq, %select_n3A_478, %select_n3A_577 : vector<256x128xf32>
    %lt3A_636 = arith.cmpi slt, %select_n3A_480, %select_n3A_579 : vector<256x128xi32>
    %and3A_637 = arith.andi %eq3A_635, %lt3A_636 : vector<256x128xi1>
    %or3A_638 = arith.ori %lt3A_634, %and3A_637 : vector<256x128xi1>
    %select_n3A_639 = arith.select %or3A_638, %select_n3A_478, %select_n3A_577 : vector<256x128xi1>, vector<256x128xf32>
    %select_n3A_640 = arith.select %or3A_638, %select_n3A_577, %select_n3A_478 : vector<256x128xi1>, vector<256x128xf32>
    %select_n3A_641 = arith.select %or3A_638, %select_n3A_480, %select_n3A_579 : vector<256x128xi1>, vector<256x128xi32>
    %select_n3A_642 = arith.select %or3A_638, %select_n3A_579, %select_n3A_480 : vector<256x128xi1>, vector<256x128xi32>
    %reduce_min3A = arith.constant dense<0x7F800000> : vector<256xf32>
    %reduce_min3A_643 = vector.multi_reduction <minimumf>, %select_n3A_423, %reduce_min3A [1] : vector<256x128xf32> to vector<256xf32>
    %broadcast_in_dim3A_644 = vector.shape_cast %reduce_min3A_643 : vector<256xf32> to vector<256x1xf32>
    %eq3A_645 = vector.broadcast %broadcast_in_dim3A_644 : vector<256x1xf32> to vector<256x128xf32>
    %eq3A_646 = arith.cmpf oeq, %select_n3A_423, %eq3A_645 : vector<256x128xf32>
    %jit3A = arith.constant 2048 : i32
    %broadcast_in_dim3A_647 = vector.broadcast %jit3A : i32 to vector<256x128xi32>
    %select_n3A_648 = arith.select %eq3A_646, %select_n3A_425, %broadcast_in_dim3A_647 : vector<256x128xi1>, vector<256x128xi32>
    %reduce_min3A_649 = arith.constant dense<2147483647> : vector<256xi32>
    %reduce_min3A_650 = vector.multi_reduction <minsi>, %select_n3A_648, %reduce_min3A_649 [1] : vector<256x128xi32> to vector<256xi32>
    %broadcast_in_dim3A_651 = vector.shape_cast %reduce_min3A_650 : vector<256xi32> to vector<256x1xi32>
    %eq3A_652 = vector.broadcast %broadcast_in_dim3A_651 : vector<256x1xi32> to vector<256x128xi32>
    %eq3A_653 = arith.cmpi eq, %select_n3A_648, %eq3A_652 : vector<256x128xi32>
    %select_n3A_654 = arith.select %eq3A_653, %select_n3A_585, %select_n3A_423 : vector<256x128xi1>, vector<256x128xf32>
    %select_n3A_655 = arith.select %eq3A_653, %select_n3A_587, %select_n3A_425 : vector<256x128xi1>, vector<256x128xi32>
    %select_n3A_656 = arith.select %eq3A_653, %select_n3A_586, %select_n3A_585 : vector<256x128xi1>, vector<256x128xf32>
    %select_n3A_657 = arith.select %eq3A_653, %select_n3A_588, %select_n3A_587 : vector<256x128xi1>, vector<256x128xi32>
    %select_n3A_658 = arith.select %eq3A_653, %select_n3A_594, %select_n3A_586 : vector<256x128xi1>, vector<256x128xf32>
    %select_n3A_659 = arith.select %eq3A_653, %select_n3A_596, %select_n3A_588 : vector<256x128xi1>, vector<256x128xi32>
    %select_n3A_660 = arith.select %eq3A_653, %select_n3A_595, %select_n3A_594 : vector<256x128xi1>, vector<256x128xf32>
    %select_n3A_661 = arith.select %eq3A_653, %select_n3A_597, %select_n3A_596 : vector<256x128xi1>, vector<256x128xi32>
    %select_n3A_662 = arith.select %eq3A_653, %select_n3A_603, %select_n3A_595 : vector<256x128xi1>, vector<256x128xf32>
    %select_n3A_663 = arith.select %eq3A_653, %select_n3A_605, %select_n3A_597 : vector<256x128xi1>, vector<256x128xi32>
    %select_n3A_664 = arith.select %eq3A_653, %select_n3A_604, %select_n3A_603 : vector<256x128xi1>, vector<256x128xf32>
    %select_n3A_665 = arith.select %eq3A_653, %select_n3A_606, %select_n3A_605 : vector<256x128xi1>, vector<256x128xi32>
    %select_n3A_666 = arith.select %eq3A_653, %select_n3A_612, %select_n3A_604 : vector<256x128xi1>, vector<256x128xf32>
    %select_n3A_667 = arith.select %eq3A_653, %select_n3A_614, %select_n3A_606 : vector<256x128xi1>, vector<256x128xi32>
    %select_n3A_668 = arith.select %eq3A_653, %select_n3A_613, %select_n3A_612 : vector<256x128xi1>, vector<256x128xf32>
    %select_n3A_669 = arith.select %eq3A_653, %select_n3A_615, %select_n3A_614 : vector<256x128xi1>, vector<256x128xi32>
    %select_n3A_670 = arith.select %eq3A_653, %select_n3A_621, %select_n3A_613 : vector<256x128xi1>, vector<256x128xf32>
    %select_n3A_671 = arith.select %eq3A_653, %select_n3A_623, %select_n3A_615 : vector<256x128xi1>, vector<256x128xi32>
    %select_n3A_672 = arith.select %eq3A_653, %select_n3A_622, %select_n3A_621 : vector<256x128xi1>, vector<256x128xf32>
    %select_n3A_673 = arith.select %eq3A_653, %select_n3A_624, %select_n3A_623 : vector<256x128xi1>, vector<256x128xi32>
    %select_n3A_674 = arith.select %eq3A_653, %select_n3A_630, %select_n3A_622 : vector<256x128xi1>, vector<256x128xf32>
    %select_n3A_675 = arith.select %eq3A_653, %select_n3A_632, %select_n3A_624 : vector<256x128xi1>, vector<256x128xi32>
    %select_n3A_676 = arith.select %eq3A_653, %select_n3A_631, %select_n3A_630 : vector<256x128xi1>, vector<256x128xf32>
    %select_n3A_677 = arith.select %eq3A_653, %select_n3A_633, %select_n3A_632 : vector<256x128xi1>, vector<256x128xi32>
    %select_n3A_678 = arith.select %eq3A_653, %select_n3A_639, %select_n3A_631 : vector<256x128xi1>, vector<256x128xf32>
    %select_n3A_679 = arith.select %eq3A_653, %select_n3A_641, %select_n3A_633 : vector<256x128xi1>, vector<256x128xi32>
    %select_n3A_680 = arith.select %eq3A_653, %select_n3A_640, %select_n3A_639 : vector<256x128xi1>, vector<256x128xf32>
    %select_n3A_681 = arith.select %eq3A_653, %select_n3A_642, %select_n3A_641 : vector<256x128xi1>, vector<256x128xi32>
    %select_n3A_682 = arith.select %eq3A_653, %select_n3A_487, %select_n3A_640 : vector<256x128xi1>, vector<256x128xf32>
    %select_n3A_683 = arith.select %eq3A_653, %select_n3A_489, %select_n3A_642 : vector<256x128xi1>, vector<256x128xi32>
    %reduce_min3A_684 = arith.constant dense<0x7F800000> : vector<256xf32>
    %reduce_min3A_685 = vector.multi_reduction <minimumf>, %select_n3A_654, %reduce_min3A_684 [1] : vector<256x128xf32> to vector<256xf32>
    %broadcast_in_dim3A_686 = vector.shape_cast %reduce_min3A_685 : vector<256xf32> to vector<256x1xf32>
    %eq3A_687 = vector.broadcast %broadcast_in_dim3A_686 : vector<256x1xf32> to vector<256x128xf32>
    %eq3A_688 = arith.cmpf oeq, %select_n3A_654, %eq3A_687 : vector<256x128xf32>
    %jit3A_689 = arith.constant 2048 : i32
    %broadcast_in_dim3A_690 = vector.broadcast %jit3A_689 : i32 to vector<256x128xi32>
    %select_n3A_691 = arith.select %eq3A_688, %select_n3A_655, %broadcast_in_dim3A_690 : vector<256x128xi1>, vector<256x128xi32>
    %reduce_min3A_692 = arith.constant dense<2147483647> : vector<256xi32>
    %reduce_min3A_693 = vector.multi_reduction <minsi>, %select_n3A_691, %reduce_min3A_692 [1] : vector<256x128xi32> to vector<256xi32>
    %broadcast_in_dim3A_694 = vector.shape_cast %reduce_min3A_693 : vector<256xi32> to vector<256x1xi32>
    %eq3A_695 = vector.broadcast %broadcast_in_dim3A_694 : vector<256x1xi32> to vector<256x128xi32>
    %eq3A_696 = arith.cmpi eq, %select_n3A_691, %eq3A_695 : vector<256x128xi32>
    %select_n3A_697 = arith.select %eq3A_696, %select_n3A_656, %select_n3A_654 : vector<256x128xi1>, vector<256x128xf32>
    %select_n3A_698 = arith.select %eq3A_696, %select_n3A_657, %select_n3A_655 : vector<256x128xi1>, vector<256x128xi32>
    %select_n3A_699 = arith.select %eq3A_696, %select_n3A_658, %select_n3A_656 : vector<256x128xi1>, vector<256x128xf32>
    %select_n3A_700 = arith.select %eq3A_696, %select_n3A_659, %select_n3A_657 : vector<256x128xi1>, vector<256x128xi32>
    %select_n3A_701 = arith.select %eq3A_696, %select_n3A_660, %select_n3A_658 : vector<256x128xi1>, vector<256x128xf32>
    %select_n3A_702 = arith.select %eq3A_696, %select_n3A_661, %select_n3A_659 : vector<256x128xi1>, vector<256x128xi32>
    %select_n3A_703 = arith.select %eq3A_696, %select_n3A_662, %select_n3A_660 : vector<256x128xi1>, vector<256x128xf32>
    %select_n3A_704 = arith.select %eq3A_696, %select_n3A_663, %select_n3A_661 : vector<256x128xi1>, vector<256x128xi32>
    %select_n3A_705 = arith.select %eq3A_696, %select_n3A_664, %select_n3A_662 : vector<256x128xi1>, vector<256x128xf32>
    %select_n3A_706 = arith.select %eq3A_696, %select_n3A_665, %select_n3A_663 : vector<256x128xi1>, vector<256x128xi32>
    %select_n3A_707 = arith.select %eq3A_696, %select_n3A_666, %select_n3A_664 : vector<256x128xi1>, vector<256x128xf32>
    %select_n3A_708 = arith.select %eq3A_696, %select_n3A_667, %select_n3A_665 : vector<256x128xi1>, vector<256x128xi32>
    %select_n3A_709 = arith.select %eq3A_696, %select_n3A_668, %select_n3A_666 : vector<256x128xi1>, vector<256x128xf32>
    %select_n3A_710 = arith.select %eq3A_696, %select_n3A_669, %select_n3A_667 : vector<256x128xi1>, vector<256x128xi32>
    %select_n3A_711 = arith.select %eq3A_696, %select_n3A_670, %select_n3A_668 : vector<256x128xi1>, vector<256x128xf32>
    %select_n3A_712 = arith.select %eq3A_696, %select_n3A_671, %select_n3A_669 : vector<256x128xi1>, vector<256x128xi32>
    %select_n3A_713 = arith.select %eq3A_696, %select_n3A_672, %select_n3A_670 : vector<256x128xi1>, vector<256x128xf32>
    %select_n3A_714 = arith.select %eq3A_696, %select_n3A_673, %select_n3A_671 : vector<256x128xi1>, vector<256x128xi32>
    %select_n3A_715 = arith.select %eq3A_696, %select_n3A_674, %select_n3A_672 : vector<256x128xi1>, vector<256x128xf32>
    %select_n3A_716 = arith.select %eq3A_696, %select_n3A_675, %select_n3A_673 : vector<256x128xi1>, vector<256x128xi32>
    %select_n3A_717 = arith.select %eq3A_696, %select_n3A_676, %select_n3A_674 : vector<256x128xi1>, vector<256x128xf32>
    %select_n3A_718 = arith.select %eq3A_696, %select_n3A_677, %select_n3A_675 : vector<256x128xi1>, vector<256x128xi32>
    %select_n3A_719 = arith.select %eq3A_696, %select_n3A_678, %select_n3A_676 : vector<256x128xi1>, vector<256x128xf32>
    %select_n3A_720 = arith.select %eq3A_696, %select_n3A_679, %select_n3A_677 : vector<256x128xi1>, vector<256x128xi32>
    %select_n3A_721 = arith.select %eq3A_696, %select_n3A_680, %select_n3A_678 : vector<256x128xi1>, vector<256x128xf32>
    %select_n3A_722 = arith.select %eq3A_696, %select_n3A_681, %select_n3A_679 : vector<256x128xi1>, vector<256x128xi32>
    %select_n3A_723 = arith.select %eq3A_696, %select_n3A_682, %select_n3A_680 : vector<256x128xi1>, vector<256x128xf32>
    %select_n3A_724 = arith.select %eq3A_696, %select_n3A_683, %select_n3A_681 : vector<256x128xi1>, vector<256x128xi32>
    %reduce_min3A_725 = arith.constant dense<0x7F800000> : vector<256xf32>
    %reduce_min3A_726 = vector.multi_reduction <minimumf>, %select_n3A_697, %reduce_min3A_725 [1] : vector<256x128xf32> to vector<256xf32>
    %broadcast_in_dim3A_727 = vector.shape_cast %reduce_min3A_726 : vector<256xf32> to vector<256x1xf32>
    %eq3A_728 = vector.broadcast %broadcast_in_dim3A_727 : vector<256x1xf32> to vector<256x128xf32>
    %eq3A_729 = arith.cmpf oeq, %select_n3A_697, %eq3A_728 : vector<256x128xf32>
    %jit3A_730 = arith.constant 2048 : i32
    %broadcast_in_dim3A_731 = vector.broadcast %jit3A_730 : i32 to vector<256x128xi32>
    %select_n3A_732 = arith.select %eq3A_729, %select_n3A_698, %broadcast_in_dim3A_731 : vector<256x128xi1>, vector<256x128xi32>
    %reduce_min3A_733 = arith.constant dense<2147483647> : vector<256xi32>
    %reduce_min3A_734 = vector.multi_reduction <minsi>, %select_n3A_732, %reduce_min3A_733 [1] : vector<256x128xi32> to vector<256xi32>
    %broadcast_in_dim3A_735 = vector.shape_cast %reduce_min3A_734 : vector<256xi32> to vector<256x1xi32>
    %eq3A_736 = vector.broadcast %broadcast_in_dim3A_735 : vector<256x1xi32> to vector<256x128xi32>
    %eq3A_737 = arith.cmpi eq, %select_n3A_732, %eq3A_736 : vector<256x128xi32>
    %select_n3A_738 = arith.select %eq3A_737, %select_n3A_699, %select_n3A_697 : vector<256x128xi1>, vector<256x128xf32>
    %select_n3A_739 = arith.select %eq3A_737, %select_n3A_700, %select_n3A_698 : vector<256x128xi1>, vector<256x128xi32>
    %select_n3A_740 = arith.select %eq3A_737, %select_n3A_701, %select_n3A_699 : vector<256x128xi1>, vector<256x128xf32>
    %select_n3A_741 = arith.select %eq3A_737, %select_n3A_702, %select_n3A_700 : vector<256x128xi1>, vector<256x128xi32>
    %select_n3A_742 = arith.select %eq3A_737, %select_n3A_703, %select_n3A_701 : vector<256x128xi1>, vector<256x128xf32>
    %select_n3A_743 = arith.select %eq3A_737, %select_n3A_704, %select_n3A_702 : vector<256x128xi1>, vector<256x128xi32>
    %select_n3A_744 = arith.select %eq3A_737, %select_n3A_705, %select_n3A_703 : vector<256x128xi1>, vector<256x128xf32>
    %select_n3A_745 = arith.select %eq3A_737, %select_n3A_706, %select_n3A_704 : vector<256x128xi1>, vector<256x128xi32>
    %select_n3A_746 = arith.select %eq3A_737, %select_n3A_707, %select_n3A_705 : vector<256x128xi1>, vector<256x128xf32>
    %select_n3A_747 = arith.select %eq3A_737, %select_n3A_708, %select_n3A_706 : vector<256x128xi1>, vector<256x128xi32>
    %select_n3A_748 = arith.select %eq3A_737, %select_n3A_709, %select_n3A_707 : vector<256x128xi1>, vector<256x128xf32>
    %select_n3A_749 = arith.select %eq3A_737, %select_n3A_710, %select_n3A_708 : vector<256x128xi1>, vector<256x128xi32>
    %select_n3A_750 = arith.select %eq3A_737, %select_n3A_711, %select_n3A_709 : vector<256x128xi1>, vector<256x128xf32>
    %select_n3A_751 = arith.select %eq3A_737, %select_n3A_712, %select_n3A_710 : vector<256x128xi1>, vector<256x128xi32>
    %select_n3A_752 = arith.select %eq3A_737, %select_n3A_713, %select_n3A_711 : vector<256x128xi1>, vector<256x128xf32>
    %select_n3A_753 = arith.select %eq3A_737, %select_n3A_714, %select_n3A_712 : vector<256x128xi1>, vector<256x128xi32>
    %select_n3A_754 = arith.select %eq3A_737, %select_n3A_715, %select_n3A_713 : vector<256x128xi1>, vector<256x128xf32>
    %select_n3A_755 = arith.select %eq3A_737, %select_n3A_716, %select_n3A_714 : vector<256x128xi1>, vector<256x128xi32>
    %select_n3A_756 = arith.select %eq3A_737, %select_n3A_717, %select_n3A_715 : vector<256x128xi1>, vector<256x128xf32>
    %select_n3A_757 = arith.select %eq3A_737, %select_n3A_718, %select_n3A_716 : vector<256x128xi1>, vector<256x128xi32>
    %select_n3A_758 = arith.select %eq3A_737, %select_n3A_719, %select_n3A_717 : vector<256x128xi1>, vector<256x128xf32>
    %select_n3A_759 = arith.select %eq3A_737, %select_n3A_720, %select_n3A_718 : vector<256x128xi1>, vector<256x128xi32>
    %select_n3A_760 = arith.select %eq3A_737, %select_n3A_721, %select_n3A_719 : vector<256x128xi1>, vector<256x128xf32>
    %select_n3A_761 = arith.select %eq3A_737, %select_n3A_722, %select_n3A_720 : vector<256x128xi1>, vector<256x128xi32>
    %select_n3A_762 = arith.select %eq3A_737, %select_n3A_723, %select_n3A_721 : vector<256x128xi1>, vector<256x128xf32>
    %select_n3A_763 = arith.select %eq3A_737, %select_n3A_724, %select_n3A_722 : vector<256x128xi1>, vector<256x128xi32>
    %reduce_min3A_764 = arith.constant dense<0x7F800000> : vector<256xf32>
    %reduce_min3A_765 = vector.multi_reduction <minimumf>, %select_n3A_738, %reduce_min3A_764 [1] : vector<256x128xf32> to vector<256xf32>
    %broadcast_in_dim3A_766 = vector.shape_cast %reduce_min3A_765 : vector<256xf32> to vector<256x1xf32>
    %eq3A_767 = vector.broadcast %broadcast_in_dim3A_766 : vector<256x1xf32> to vector<256x128xf32>
    %eq3A_768 = arith.cmpf oeq, %select_n3A_738, %eq3A_767 : vector<256x128xf32>
    %jit3A_769 = arith.constant 2048 : i32
    %broadcast_in_dim3A_770 = vector.broadcast %jit3A_769 : i32 to vector<256x128xi32>
    %select_n3A_771 = arith.select %eq3A_768, %select_n3A_739, %broadcast_in_dim3A_770 : vector<256x128xi1>, vector<256x128xi32>
    %reduce_min3A_772 = arith.constant dense<2147483647> : vector<256xi32>
    %reduce_min3A_773 = vector.multi_reduction <minsi>, %select_n3A_771, %reduce_min3A_772 [1] : vector<256x128xi32> to vector<256xi32>
    %broadcast_in_dim3A_774 = vector.shape_cast %reduce_min3A_773 : vector<256xi32> to vector<256x1xi32>
    %eq3A_775 = vector.broadcast %broadcast_in_dim3A_774 : vector<256x1xi32> to vector<256x128xi32>
    %eq3A_776 = arith.cmpi eq, %select_n3A_771, %eq3A_775 : vector<256x128xi32>
    %select_n3A_777 = arith.select %eq3A_776, %select_n3A_740, %select_n3A_738 : vector<256x128xi1>, vector<256x128xf32>
    %select_n3A_778 = arith.select %eq3A_776, %select_n3A_741, %select_n3A_739 : vector<256x128xi1>, vector<256x128xi32>
    %select_n3A_779 = arith.select %eq3A_776, %select_n3A_742, %select_n3A_740 : vector<256x128xi1>, vector<256x128xf32>
    %select_n3A_780 = arith.select %eq3A_776, %select_n3A_743, %select_n3A_741 : vector<256x128xi1>, vector<256x128xi32>
    %select_n3A_781 = arith.select %eq3A_776, %select_n3A_744, %select_n3A_742 : vector<256x128xi1>, vector<256x128xf32>
    %select_n3A_782 = arith.select %eq3A_776, %select_n3A_745, %select_n3A_743 : vector<256x128xi1>, vector<256x128xi32>
    %select_n3A_783 = arith.select %eq3A_776, %select_n3A_746, %select_n3A_744 : vector<256x128xi1>, vector<256x128xf32>
    %select_n3A_784 = arith.select %eq3A_776, %select_n3A_747, %select_n3A_745 : vector<256x128xi1>, vector<256x128xi32>
    %select_n3A_785 = arith.select %eq3A_776, %select_n3A_748, %select_n3A_746 : vector<256x128xi1>, vector<256x128xf32>
    %select_n3A_786 = arith.select %eq3A_776, %select_n3A_749, %select_n3A_747 : vector<256x128xi1>, vector<256x128xi32>
    %select_n3A_787 = arith.select %eq3A_776, %select_n3A_750, %select_n3A_748 : vector<256x128xi1>, vector<256x128xf32>
    %select_n3A_788 = arith.select %eq3A_776, %select_n3A_751, %select_n3A_749 : vector<256x128xi1>, vector<256x128xi32>
    %select_n3A_789 = arith.select %eq3A_776, %select_n3A_752, %select_n3A_750 : vector<256x128xi1>, vector<256x128xf32>
    %select_n3A_790 = arith.select %eq3A_776, %select_n3A_753, %select_n3A_751 : vector<256x128xi1>, vector<256x128xi32>
    %select_n3A_791 = arith.select %eq3A_776, %select_n3A_754, %select_n3A_752 : vector<256x128xi1>, vector<256x128xf32>
    %select_n3A_792 = arith.select %eq3A_776, %select_n3A_755, %select_n3A_753 : vector<256x128xi1>, vector<256x128xi32>
    %select_n3A_793 = arith.select %eq3A_776, %select_n3A_756, %select_n3A_754 : vector<256x128xi1>, vector<256x128xf32>
    %select_n3A_794 = arith.select %eq3A_776, %select_n3A_757, %select_n3A_755 : vector<256x128xi1>, vector<256x128xi32>
    %select_n3A_795 = arith.select %eq3A_776, %select_n3A_758, %select_n3A_756 : vector<256x128xi1>, vector<256x128xf32>
    %select_n3A_796 = arith.select %eq3A_776, %select_n3A_759, %select_n3A_757 : vector<256x128xi1>, vector<256x128xi32>
    %select_n3A_797 = arith.select %eq3A_776, %select_n3A_760, %select_n3A_758 : vector<256x128xi1>, vector<256x128xf32>
    %select_n3A_798 = arith.select %eq3A_776, %select_n3A_761, %select_n3A_759 : vector<256x128xi1>, vector<256x128xi32>
    %select_n3A_799 = arith.select %eq3A_776, %select_n3A_762, %select_n3A_760 : vector<256x128xi1>, vector<256x128xf32>
    %select_n3A_800 = arith.select %eq3A_776, %select_n3A_763, %select_n3A_761 : vector<256x128xi1>, vector<256x128xi32>
    %reduce_min3A_801 = arith.constant dense<0x7F800000> : vector<256xf32>
    %reduce_min3A_802 = vector.multi_reduction <minimumf>, %select_n3A_777, %reduce_min3A_801 [1] : vector<256x128xf32> to vector<256xf32>
    %broadcast_in_dim3A_803 = vector.shape_cast %reduce_min3A_802 : vector<256xf32> to vector<256x1xf32>
    %eq3A_804 = vector.broadcast %broadcast_in_dim3A_803 : vector<256x1xf32> to vector<256x128xf32>
    %eq3A_805 = arith.cmpf oeq, %select_n3A_777, %eq3A_804 : vector<256x128xf32>
    %jit3A_806 = arith.constant 2048 : i32
    %broadcast_in_dim3A_807 = vector.broadcast %jit3A_806 : i32 to vector<256x128xi32>
    %select_n3A_808 = arith.select %eq3A_805, %select_n3A_778, %broadcast_in_dim3A_807 : vector<256x128xi1>, vector<256x128xi32>
    %reduce_min3A_809 = arith.constant dense<2147483647> : vector<256xi32>
    %reduce_min3A_810 = vector.multi_reduction <minsi>, %select_n3A_808, %reduce_min3A_809 [1] : vector<256x128xi32> to vector<256xi32>
    %broadcast_in_dim3A_811 = vector.shape_cast %reduce_min3A_810 : vector<256xi32> to vector<256x1xi32>
    %eq3A_812 = vector.broadcast %broadcast_in_dim3A_811 : vector<256x1xi32> to vector<256x128xi32>
    %eq3A_813 = arith.cmpi eq, %select_n3A_808, %eq3A_812 : vector<256x128xi32>
    %select_n3A_814 = arith.select %eq3A_813, %select_n3A_779, %select_n3A_777 : vector<256x128xi1>, vector<256x128xf32>
    %select_n3A_815 = arith.select %eq3A_813, %select_n3A_780, %select_n3A_778 : vector<256x128xi1>, vector<256x128xi32>
    %select_n3A_816 = arith.select %eq3A_813, %select_n3A_781, %select_n3A_779 : vector<256x128xi1>, vector<256x128xf32>
    %select_n3A_817 = arith.select %eq3A_813, %select_n3A_782, %select_n3A_780 : vector<256x128xi1>, vector<256x128xi32>
    %select_n3A_818 = arith.select %eq3A_813, %select_n3A_783, %select_n3A_781 : vector<256x128xi1>, vector<256x128xf32>
    %select_n3A_819 = arith.select %eq3A_813, %select_n3A_784, %select_n3A_782 : vector<256x128xi1>, vector<256x128xi32>
    %select_n3A_820 = arith.select %eq3A_813, %select_n3A_785, %select_n3A_783 : vector<256x128xi1>, vector<256x128xf32>
    %select_n3A_821 = arith.select %eq3A_813, %select_n3A_786, %select_n3A_784 : vector<256x128xi1>, vector<256x128xi32>
    %select_n3A_822 = arith.select %eq3A_813, %select_n3A_787, %select_n3A_785 : vector<256x128xi1>, vector<256x128xf32>
    %select_n3A_823 = arith.select %eq3A_813, %select_n3A_788, %select_n3A_786 : vector<256x128xi1>, vector<256x128xi32>
    %select_n3A_824 = arith.select %eq3A_813, %select_n3A_789, %select_n3A_787 : vector<256x128xi1>, vector<256x128xf32>
    %select_n3A_825 = arith.select %eq3A_813, %select_n3A_790, %select_n3A_788 : vector<256x128xi1>, vector<256x128xi32>
    %select_n3A_826 = arith.select %eq3A_813, %select_n3A_791, %select_n3A_789 : vector<256x128xi1>, vector<256x128xf32>
    %select_n3A_827 = arith.select %eq3A_813, %select_n3A_792, %select_n3A_790 : vector<256x128xi1>, vector<256x128xi32>
    %select_n3A_828 = arith.select %eq3A_813, %select_n3A_793, %select_n3A_791 : vector<256x128xi1>, vector<256x128xf32>
    %select_n3A_829 = arith.select %eq3A_813, %select_n3A_794, %select_n3A_792 : vector<256x128xi1>, vector<256x128xi32>
    %select_n3A_830 = arith.select %eq3A_813, %select_n3A_795, %select_n3A_793 : vector<256x128xi1>, vector<256x128xf32>
    %select_n3A_831 = arith.select %eq3A_813, %select_n3A_796, %select_n3A_794 : vector<256x128xi1>, vector<256x128xi32>
    %select_n3A_832 = arith.select %eq3A_813, %select_n3A_797, %select_n3A_795 : vector<256x128xi1>, vector<256x128xf32>
    %select_n3A_833 = arith.select %eq3A_813, %select_n3A_798, %select_n3A_796 : vector<256x128xi1>, vector<256x128xi32>
    %select_n3A_834 = arith.select %eq3A_813, %select_n3A_799, %select_n3A_797 : vector<256x128xi1>, vector<256x128xf32>
    %select_n3A_835 = arith.select %eq3A_813, %select_n3A_800, %select_n3A_798 : vector<256x128xi1>, vector<256x128xi32>
    %reduce_min3A_836 = arith.constant dense<0x7F800000> : vector<256xf32>
    %reduce_min3A_837 = vector.multi_reduction <minimumf>, %select_n3A_814, %reduce_min3A_836 [1] : vector<256x128xf32> to vector<256xf32>
    %broadcast_in_dim3A_838 = vector.shape_cast %reduce_min3A_837 : vector<256xf32> to vector<256x1xf32>
    %eq3A_839 = vector.broadcast %broadcast_in_dim3A_838 : vector<256x1xf32> to vector<256x128xf32>
    %eq3A_840 = arith.cmpf oeq, %select_n3A_814, %eq3A_839 : vector<256x128xf32>
    %jit3A_841 = arith.constant 2048 : i32
    %broadcast_in_dim3A_842 = vector.broadcast %jit3A_841 : i32 to vector<256x128xi32>
    %select_n3A_843 = arith.select %eq3A_840, %select_n3A_815, %broadcast_in_dim3A_842 : vector<256x128xi1>, vector<256x128xi32>
    %reduce_min3A_844 = arith.constant dense<2147483647> : vector<256xi32>
    %reduce_min3A_845 = vector.multi_reduction <minsi>, %select_n3A_843, %reduce_min3A_844 [1] : vector<256x128xi32> to vector<256xi32>
    %broadcast_in_dim3A_846 = vector.shape_cast %reduce_min3A_845 : vector<256xi32> to vector<256x1xi32>
    %eq3A_847 = vector.broadcast %broadcast_in_dim3A_846 : vector<256x1xi32> to vector<256x128xi32>
    %eq3A_848 = arith.cmpi eq, %select_n3A_843, %eq3A_847 : vector<256x128xi32>
    %select_n3A_849 = arith.select %eq3A_848, %select_n3A_816, %select_n3A_814 : vector<256x128xi1>, vector<256x128xf32>
    %select_n3A_850 = arith.select %eq3A_848, %select_n3A_817, %select_n3A_815 : vector<256x128xi1>, vector<256x128xi32>
    %select_n3A_851 = arith.select %eq3A_848, %select_n3A_818, %select_n3A_816 : vector<256x128xi1>, vector<256x128xf32>
    %select_n3A_852 = arith.select %eq3A_848, %select_n3A_819, %select_n3A_817 : vector<256x128xi1>, vector<256x128xi32>
    %select_n3A_853 = arith.select %eq3A_848, %select_n3A_820, %select_n3A_818 : vector<256x128xi1>, vector<256x128xf32>
    %select_n3A_854 = arith.select %eq3A_848, %select_n3A_821, %select_n3A_819 : vector<256x128xi1>, vector<256x128xi32>
    %select_n3A_855 = arith.select %eq3A_848, %select_n3A_822, %select_n3A_820 : vector<256x128xi1>, vector<256x128xf32>
    %select_n3A_856 = arith.select %eq3A_848, %select_n3A_823, %select_n3A_821 : vector<256x128xi1>, vector<256x128xi32>
    %select_n3A_857 = arith.select %eq3A_848, %select_n3A_824, %select_n3A_822 : vector<256x128xi1>, vector<256x128xf32>
    %select_n3A_858 = arith.select %eq3A_848, %select_n3A_825, %select_n3A_823 : vector<256x128xi1>, vector<256x128xi32>
    %select_n3A_859 = arith.select %eq3A_848, %select_n3A_826, %select_n3A_824 : vector<256x128xi1>, vector<256x128xf32>
    %select_n3A_860 = arith.select %eq3A_848, %select_n3A_827, %select_n3A_825 : vector<256x128xi1>, vector<256x128xi32>
    %select_n3A_861 = arith.select %eq3A_848, %select_n3A_828, %select_n3A_826 : vector<256x128xi1>, vector<256x128xf32>
    %select_n3A_862 = arith.select %eq3A_848, %select_n3A_829, %select_n3A_827 : vector<256x128xi1>, vector<256x128xi32>
    %select_n3A_863 = arith.select %eq3A_848, %select_n3A_830, %select_n3A_828 : vector<256x128xi1>, vector<256x128xf32>
    %select_n3A_864 = arith.select %eq3A_848, %select_n3A_831, %select_n3A_829 : vector<256x128xi1>, vector<256x128xi32>
    %select_n3A_865 = arith.select %eq3A_848, %select_n3A_832, %select_n3A_830 : vector<256x128xi1>, vector<256x128xf32>
    %select_n3A_866 = arith.select %eq3A_848, %select_n3A_833, %select_n3A_831 : vector<256x128xi1>, vector<256x128xi32>
    %select_n3A_867 = arith.select %eq3A_848, %select_n3A_834, %select_n3A_832 : vector<256x128xi1>, vector<256x128xf32>
    %select_n3A_868 = arith.select %eq3A_848, %select_n3A_835, %select_n3A_833 : vector<256x128xi1>, vector<256x128xi32>
    %reduce_min3A_869 = arith.constant dense<0x7F800000> : vector<256xf32>
    %reduce_min3A_870 = vector.multi_reduction <minimumf>, %select_n3A_849, %reduce_min3A_869 [1] : vector<256x128xf32> to vector<256xf32>
    %broadcast_in_dim3A_871 = vector.shape_cast %reduce_min3A_870 : vector<256xf32> to vector<256x1xf32>
    %eq3A_872 = vector.broadcast %broadcast_in_dim3A_871 : vector<256x1xf32> to vector<256x128xf32>
    %eq3A_873 = arith.cmpf oeq, %select_n3A_849, %eq3A_872 : vector<256x128xf32>
    %jit3A_874 = arith.constant 2048 : i32
    %broadcast_in_dim3A_875 = vector.broadcast %jit3A_874 : i32 to vector<256x128xi32>
    %select_n3A_876 = arith.select %eq3A_873, %select_n3A_850, %broadcast_in_dim3A_875 : vector<256x128xi1>, vector<256x128xi32>
    %reduce_min3A_877 = arith.constant dense<2147483647> : vector<256xi32>
    %reduce_min3A_878 = vector.multi_reduction <minsi>, %select_n3A_876, %reduce_min3A_877 [1] : vector<256x128xi32> to vector<256xi32>
    %broadcast_in_dim3A_879 = vector.shape_cast %reduce_min3A_878 : vector<256xi32> to vector<256x1xi32>
    %eq3A_880 = vector.broadcast %broadcast_in_dim3A_879 : vector<256x1xi32> to vector<256x128xi32>
    %eq3A_881 = arith.cmpi eq, %select_n3A_876, %eq3A_880 : vector<256x128xi32>
    %select_n3A_882 = arith.select %eq3A_881, %select_n3A_851, %select_n3A_849 : vector<256x128xi1>, vector<256x128xf32>
    %select_n3A_883 = arith.select %eq3A_881, %select_n3A_852, %select_n3A_850 : vector<256x128xi1>, vector<256x128xi32>
    %select_n3A_884 = arith.select %eq3A_881, %select_n3A_853, %select_n3A_851 : vector<256x128xi1>, vector<256x128xf32>
    %select_n3A_885 = arith.select %eq3A_881, %select_n3A_854, %select_n3A_852 : vector<256x128xi1>, vector<256x128xi32>
    %select_n3A_886 = arith.select %eq3A_881, %select_n3A_855, %select_n3A_853 : vector<256x128xi1>, vector<256x128xf32>
    %select_n3A_887 = arith.select %eq3A_881, %select_n3A_856, %select_n3A_854 : vector<256x128xi1>, vector<256x128xi32>
    %select_n3A_888 = arith.select %eq3A_881, %select_n3A_857, %select_n3A_855 : vector<256x128xi1>, vector<256x128xf32>
    %select_n3A_889 = arith.select %eq3A_881, %select_n3A_858, %select_n3A_856 : vector<256x128xi1>, vector<256x128xi32>
    %select_n3A_890 = arith.select %eq3A_881, %select_n3A_859, %select_n3A_857 : vector<256x128xi1>, vector<256x128xf32>
    %select_n3A_891 = arith.select %eq3A_881, %select_n3A_860, %select_n3A_858 : vector<256x128xi1>, vector<256x128xi32>
    %select_n3A_892 = arith.select %eq3A_881, %select_n3A_861, %select_n3A_859 : vector<256x128xi1>, vector<256x128xf32>
    %select_n3A_893 = arith.select %eq3A_881, %select_n3A_862, %select_n3A_860 : vector<256x128xi1>, vector<256x128xi32>
    %select_n3A_894 = arith.select %eq3A_881, %select_n3A_863, %select_n3A_861 : vector<256x128xi1>, vector<256x128xf32>
    %select_n3A_895 = arith.select %eq3A_881, %select_n3A_864, %select_n3A_862 : vector<256x128xi1>, vector<256x128xi32>
    %select_n3A_896 = arith.select %eq3A_881, %select_n3A_865, %select_n3A_863 : vector<256x128xi1>, vector<256x128xf32>
    %select_n3A_897 = arith.select %eq3A_881, %select_n3A_866, %select_n3A_864 : vector<256x128xi1>, vector<256x128xi32>
    %select_n3A_898 = arith.select %eq3A_881, %select_n3A_867, %select_n3A_865 : vector<256x128xi1>, vector<256x128xf32>
    %select_n3A_899 = arith.select %eq3A_881, %select_n3A_868, %select_n3A_866 : vector<256x128xi1>, vector<256x128xi32>
    %reduce_min3A_900 = arith.constant dense<0x7F800000> : vector<256xf32>
    %reduce_min3A_901 = vector.multi_reduction <minimumf>, %select_n3A_882, %reduce_min3A_900 [1] : vector<256x128xf32> to vector<256xf32>
    %broadcast_in_dim3A_902 = vector.shape_cast %reduce_min3A_901 : vector<256xf32> to vector<256x1xf32>
    %eq3A_903 = vector.broadcast %broadcast_in_dim3A_902 : vector<256x1xf32> to vector<256x128xf32>
    %eq3A_904 = arith.cmpf oeq, %select_n3A_882, %eq3A_903 : vector<256x128xf32>
    %jit3A_905 = arith.constant 2048 : i32
    %broadcast_in_dim3A_906 = vector.broadcast %jit3A_905 : i32 to vector<256x128xi32>
    %select_n3A_907 = arith.select %eq3A_904, %select_n3A_883, %broadcast_in_dim3A_906 : vector<256x128xi1>, vector<256x128xi32>
    %reduce_min3A_908 = arith.constant dense<2147483647> : vector<256xi32>
    %reduce_min3A_909 = vector.multi_reduction <minsi>, %select_n3A_907, %reduce_min3A_908 [1] : vector<256x128xi32> to vector<256xi32>
    %broadcast_in_dim3A_910 = vector.shape_cast %reduce_min3A_909 : vector<256xi32> to vector<256x1xi32>
    %eq3A_911 = vector.broadcast %broadcast_in_dim3A_910 : vector<256x1xi32> to vector<256x128xi32>
    %eq3A_912 = arith.cmpi eq, %select_n3A_907, %eq3A_911 : vector<256x128xi32>
    %select_n3A_913 = arith.select %eq3A_912, %select_n3A_884, %select_n3A_882 : vector<256x128xi1>, vector<256x128xf32>
    %select_n3A_914 = arith.select %eq3A_912, %select_n3A_885, %select_n3A_883 : vector<256x128xi1>, vector<256x128xi32>
    %select_n3A_915 = arith.select %eq3A_912, %select_n3A_886, %select_n3A_884 : vector<256x128xi1>, vector<256x128xf32>
    %select_n3A_916 = arith.select %eq3A_912, %select_n3A_887, %select_n3A_885 : vector<256x128xi1>, vector<256x128xi32>
    %select_n3A_917 = arith.select %eq3A_912, %select_n3A_888, %select_n3A_886 : vector<256x128xi1>, vector<256x128xf32>
    %select_n3A_918 = arith.select %eq3A_912, %select_n3A_889, %select_n3A_887 : vector<256x128xi1>, vector<256x128xi32>
    %select_n3A_919 = arith.select %eq3A_912, %select_n3A_890, %select_n3A_888 : vector<256x128xi1>, vector<256x128xf32>
    %select_n3A_920 = arith.select %eq3A_912, %select_n3A_891, %select_n3A_889 : vector<256x128xi1>, vector<256x128xi32>
    %select_n3A_921 = arith.select %eq3A_912, %select_n3A_892, %select_n3A_890 : vector<256x128xi1>, vector<256x128xf32>
    %select_n3A_922 = arith.select %eq3A_912, %select_n3A_893, %select_n3A_891 : vector<256x128xi1>, vector<256x128xi32>
    %select_n3A_923 = arith.select %eq3A_912, %select_n3A_894, %select_n3A_892 : vector<256x128xi1>, vector<256x128xf32>
    %select_n3A_924 = arith.select %eq3A_912, %select_n3A_895, %select_n3A_893 : vector<256x128xi1>, vector<256x128xi32>
    %select_n3A_925 = arith.select %eq3A_912, %select_n3A_896, %select_n3A_894 : vector<256x128xi1>, vector<256x128xf32>
    %select_n3A_926 = arith.select %eq3A_912, %select_n3A_897, %select_n3A_895 : vector<256x128xi1>, vector<256x128xi32>
    %select_n3A_927 = arith.select %eq3A_912, %select_n3A_898, %select_n3A_896 : vector<256x128xi1>, vector<256x128xf32>
    %select_n3A_928 = arith.select %eq3A_912, %select_n3A_899, %select_n3A_897 : vector<256x128xi1>, vector<256x128xi32>
    %reduce_min3A_929 = arith.constant dense<0x7F800000> : vector<256xf32>
    %reduce_min3A_930 = vector.multi_reduction <minimumf>, %select_n3A_913, %reduce_min3A_929 [1] : vector<256x128xf32> to vector<256xf32>
    %broadcast_in_dim3A_931 = vector.shape_cast %reduce_min3A_930 : vector<256xf32> to vector<256x1xf32>
    %eq3A_932 = vector.broadcast %broadcast_in_dim3A_931 : vector<256x1xf32> to vector<256x128xf32>
    %eq3A_933 = arith.cmpf oeq, %select_n3A_913, %eq3A_932 : vector<256x128xf32>
    %jit3A_934 = arith.constant 2048 : i32
    %broadcast_in_dim3A_935 = vector.broadcast %jit3A_934 : i32 to vector<256x128xi32>
    %select_n3A_936 = arith.select %eq3A_933, %select_n3A_914, %broadcast_in_dim3A_935 : vector<256x128xi1>, vector<256x128xi32>
    %reduce_min3A_937 = arith.constant dense<2147483647> : vector<256xi32>
    %reduce_min3A_938 = vector.multi_reduction <minsi>, %select_n3A_936, %reduce_min3A_937 [1] : vector<256x128xi32> to vector<256xi32>
    %broadcast_in_dim3A_939 = vector.shape_cast %reduce_min3A_938 : vector<256xi32> to vector<256x1xi32>
    %eq3A_940 = vector.broadcast %broadcast_in_dim3A_939 : vector<256x1xi32> to vector<256x128xi32>
    %eq3A_941 = arith.cmpi eq, %select_n3A_936, %eq3A_940 : vector<256x128xi32>
    %select_n3A_942 = arith.select %eq3A_941, %select_n3A_915, %select_n3A_913 : vector<256x128xi1>, vector<256x128xf32>
    %select_n3A_943 = arith.select %eq3A_941, %select_n3A_916, %select_n3A_914 : vector<256x128xi1>, vector<256x128xi32>
    %select_n3A_944 = arith.select %eq3A_941, %select_n3A_917, %select_n3A_915 : vector<256x128xi1>, vector<256x128xf32>
    %select_n3A_945 = arith.select %eq3A_941, %select_n3A_918, %select_n3A_916 : vector<256x128xi1>, vector<256x128xi32>
    %select_n3A_946 = arith.select %eq3A_941, %select_n3A_919, %select_n3A_917 : vector<256x128xi1>, vector<256x128xf32>
    %select_n3A_947 = arith.select %eq3A_941, %select_n3A_920, %select_n3A_918 : vector<256x128xi1>, vector<256x128xi32>
    %select_n3A_948 = arith.select %eq3A_941, %select_n3A_921, %select_n3A_919 : vector<256x128xi1>, vector<256x128xf32>
    %select_n3A_949 = arith.select %eq3A_941, %select_n3A_922, %select_n3A_920 : vector<256x128xi1>, vector<256x128xi32>
    %select_n3A_950 = arith.select %eq3A_941, %select_n3A_923, %select_n3A_921 : vector<256x128xi1>, vector<256x128xf32>
    %select_n3A_951 = arith.select %eq3A_941, %select_n3A_924, %select_n3A_922 : vector<256x128xi1>, vector<256x128xi32>
    %select_n3A_952 = arith.select %eq3A_941, %select_n3A_925, %select_n3A_923 : vector<256x128xi1>, vector<256x128xf32>
    %select_n3A_953 = arith.select %eq3A_941, %select_n3A_926, %select_n3A_924 : vector<256x128xi1>, vector<256x128xi32>
    %select_n3A_954 = arith.select %eq3A_941, %select_n3A_927, %select_n3A_925 : vector<256x128xi1>, vector<256x128xf32>
    %select_n3A_955 = arith.select %eq3A_941, %select_n3A_928, %select_n3A_926 : vector<256x128xi1>, vector<256x128xi32>
    %reduce_min3A_956 = arith.constant dense<0x7F800000> : vector<256xf32>
    %reduce_min3A_957 = vector.multi_reduction <minimumf>, %select_n3A_942, %reduce_min3A_956 [1] : vector<256x128xf32> to vector<256xf32>
    %broadcast_in_dim3A_958 = vector.shape_cast %reduce_min3A_957 : vector<256xf32> to vector<256x1xf32>
    %eq3A_959 = vector.broadcast %broadcast_in_dim3A_958 : vector<256x1xf32> to vector<256x128xf32>
    %eq3A_960 = arith.cmpf oeq, %select_n3A_942, %eq3A_959 : vector<256x128xf32>
    %jit3A_961 = arith.constant 2048 : i32
    %broadcast_in_dim3A_962 = vector.broadcast %jit3A_961 : i32 to vector<256x128xi32>
    %select_n3A_963 = arith.select %eq3A_960, %select_n3A_943, %broadcast_in_dim3A_962 : vector<256x128xi1>, vector<256x128xi32>
    %reduce_min3A_964 = arith.constant dense<2147483647> : vector<256xi32>
    %reduce_min3A_965 = vector.multi_reduction <minsi>, %select_n3A_963, %reduce_min3A_964 [1] : vector<256x128xi32> to vector<256xi32>
    %broadcast_in_dim3A_966 = vector.shape_cast %reduce_min3A_965 : vector<256xi32> to vector<256x1xi32>
    %eq3A_967 = vector.broadcast %broadcast_in_dim3A_966 : vector<256x1xi32> to vector<256x128xi32>
    %eq3A_968 = arith.cmpi eq, %select_n3A_963, %eq3A_967 : vector<256x128xi32>
    %select_n3A_969 = arith.select %eq3A_968, %select_n3A_944, %select_n3A_942 : vector<256x128xi1>, vector<256x128xf32>
    %select_n3A_970 = arith.select %eq3A_968, %select_n3A_945, %select_n3A_943 : vector<256x128xi1>, vector<256x128xi32>
    %select_n3A_971 = arith.select %eq3A_968, %select_n3A_946, %select_n3A_944 : vector<256x128xi1>, vector<256x128xf32>
    %select_n3A_972 = arith.select %eq3A_968, %select_n3A_947, %select_n3A_945 : vector<256x128xi1>, vector<256x128xi32>
    %select_n3A_973 = arith.select %eq3A_968, %select_n3A_948, %select_n3A_946 : vector<256x128xi1>, vector<256x128xf32>
    %select_n3A_974 = arith.select %eq3A_968, %select_n3A_949, %select_n3A_947 : vector<256x128xi1>, vector<256x128xi32>
    %select_n3A_975 = arith.select %eq3A_968, %select_n3A_950, %select_n3A_948 : vector<256x128xi1>, vector<256x128xf32>
    %select_n3A_976 = arith.select %eq3A_968, %select_n3A_951, %select_n3A_949 : vector<256x128xi1>, vector<256x128xi32>
    %select_n3A_977 = arith.select %eq3A_968, %select_n3A_952, %select_n3A_950 : vector<256x128xi1>, vector<256x128xf32>
    %select_n3A_978 = arith.select %eq3A_968, %select_n3A_953, %select_n3A_951 : vector<256x128xi1>, vector<256x128xi32>
    %select_n3A_979 = arith.select %eq3A_968, %select_n3A_954, %select_n3A_952 : vector<256x128xi1>, vector<256x128xf32>
    %select_n3A_980 = arith.select %eq3A_968, %select_n3A_955, %select_n3A_953 : vector<256x128xi1>, vector<256x128xi32>
    %reduce_min3A_981 = arith.constant dense<0x7F800000> : vector<256xf32>
    %reduce_min3A_982 = vector.multi_reduction <minimumf>, %select_n3A_969, %reduce_min3A_981 [1] : vector<256x128xf32> to vector<256xf32>
    %broadcast_in_dim3A_983 = vector.shape_cast %reduce_min3A_982 : vector<256xf32> to vector<256x1xf32>
    %eq3A_984 = vector.broadcast %broadcast_in_dim3A_983 : vector<256x1xf32> to vector<256x128xf32>
    %eq3A_985 = arith.cmpf oeq, %select_n3A_969, %eq3A_984 : vector<256x128xf32>
    %jit3A_986 = arith.constant 2048 : i32
    %broadcast_in_dim3A_987 = vector.broadcast %jit3A_986 : i32 to vector<256x128xi32>
    %select_n3A_988 = arith.select %eq3A_985, %select_n3A_970, %broadcast_in_dim3A_987 : vector<256x128xi1>, vector<256x128xi32>
    %reduce_min3A_989 = arith.constant dense<2147483647> : vector<256xi32>
    %reduce_min3A_990 = vector.multi_reduction <minsi>, %select_n3A_988, %reduce_min3A_989 [1] : vector<256x128xi32> to vector<256xi32>
    %broadcast_in_dim3A_991 = vector.shape_cast %reduce_min3A_990 : vector<256xi32> to vector<256x1xi32>
    %eq3A_992 = vector.broadcast %broadcast_in_dim3A_991 : vector<256x1xi32> to vector<256x128xi32>
    %eq3A_993 = arith.cmpi eq, %select_n3A_988, %eq3A_992 : vector<256x128xi32>
    %select_n3A_994 = arith.select %eq3A_993, %select_n3A_971, %select_n3A_969 : vector<256x128xi1>, vector<256x128xf32>
    %select_n3A_995 = arith.select %eq3A_993, %select_n3A_972, %select_n3A_970 : vector<256x128xi1>, vector<256x128xi32>
    %select_n3A_996 = arith.select %eq3A_993, %select_n3A_973, %select_n3A_971 : vector<256x128xi1>, vector<256x128xf32>
    %select_n3A_997 = arith.select %eq3A_993, %select_n3A_974, %select_n3A_972 : vector<256x128xi1>, vector<256x128xi32>
    %select_n3A_998 = arith.select %eq3A_993, %select_n3A_975, %select_n3A_973 : vector<256x128xi1>, vector<256x128xf32>
    %select_n3A_999 = arith.select %eq3A_993, %select_n3A_976, %select_n3A_974 : vector<256x128xi1>, vector<256x128xi32>
    %select_n3A_1000 = arith.select %eq3A_993, %select_n3A_977, %select_n3A_975 : vector<256x128xi1>, vector<256x128xf32>
    %select_n3A_1001 = arith.select %eq3A_993, %select_n3A_978, %select_n3A_976 : vector<256x128xi1>, vector<256x128xi32>
    %select_n3A_1002 = arith.select %eq3A_993, %select_n3A_979, %select_n3A_977 : vector<256x128xi1>, vector<256x128xf32>
    %select_n3A_1003 = arith.select %eq3A_993, %select_n3A_980, %select_n3A_978 : vector<256x128xi1>, vector<256x128xi32>
    %reduce_min3A_1004 = arith.constant dense<0x7F800000> : vector<256xf32>
    %reduce_min3A_1005 = vector.multi_reduction <minimumf>, %select_n3A_994, %reduce_min3A_1004 [1] : vector<256x128xf32> to vector<256xf32>
    %broadcast_in_dim3A_1006 = vector.shape_cast %reduce_min3A_1005 : vector<256xf32> to vector<256x1xf32>
    %eq3A_1007 = vector.broadcast %broadcast_in_dim3A_1006 : vector<256x1xf32> to vector<256x128xf32>
    %eq3A_1008 = arith.cmpf oeq, %select_n3A_994, %eq3A_1007 : vector<256x128xf32>
    %jit3A_1009 = arith.constant 2048 : i32
    %broadcast_in_dim3A_1010 = vector.broadcast %jit3A_1009 : i32 to vector<256x128xi32>
    %select_n3A_1011 = arith.select %eq3A_1008, %select_n3A_995, %broadcast_in_dim3A_1010 : vector<256x128xi1>, vector<256x128xi32>
    %reduce_min3A_1012 = arith.constant dense<2147483647> : vector<256xi32>
    %reduce_min3A_1013 = vector.multi_reduction <minsi>, %select_n3A_1011, %reduce_min3A_1012 [1] : vector<256x128xi32> to vector<256xi32>
    %broadcast_in_dim3A_1014 = vector.shape_cast %reduce_min3A_1013 : vector<256xi32> to vector<256x1xi32>
    %eq3A_1015 = vector.broadcast %broadcast_in_dim3A_1014 : vector<256x1xi32> to vector<256x128xi32>
    %eq3A_1016 = arith.cmpi eq, %select_n3A_1011, %eq3A_1015 : vector<256x128xi32>
    %select_n3A_1017 = arith.select %eq3A_1016, %select_n3A_996, %select_n3A_994 : vector<256x128xi1>, vector<256x128xf32>
    %select_n3A_1018 = arith.select %eq3A_1016, %select_n3A_997, %select_n3A_995 : vector<256x128xi1>, vector<256x128xi32>
    %select_n3A_1019 = arith.select %eq3A_1016, %select_n3A_998, %select_n3A_996 : vector<256x128xi1>, vector<256x128xf32>
    %select_n3A_1020 = arith.select %eq3A_1016, %select_n3A_999, %select_n3A_997 : vector<256x128xi1>, vector<256x128xi32>
    %select_n3A_1021 = arith.select %eq3A_1016, %select_n3A_1000, %select_n3A_998 : vector<256x128xi1>, vector<256x128xf32>
    %select_n3A_1022 = arith.select %eq3A_1016, %select_n3A_1001, %select_n3A_999 : vector<256x128xi1>, vector<256x128xi32>
    %select_n3A_1023 = arith.select %eq3A_1016, %select_n3A_1002, %select_n3A_1000 : vector<256x128xi1>, vector<256x128xf32>
    %select_n3A_1024 = arith.select %eq3A_1016, %select_n3A_1003, %select_n3A_1001 : vector<256x128xi1>, vector<256x128xi32>
    %reduce_min3A_1025 = arith.constant dense<0x7F800000> : vector<256xf32>
    %reduce_min3A_1026 = vector.multi_reduction <minimumf>, %select_n3A_1017, %reduce_min3A_1025 [1] : vector<256x128xf32> to vector<256xf32>
    %broadcast_in_dim3A_1027 = vector.shape_cast %reduce_min3A_1026 : vector<256xf32> to vector<256x1xf32>
    %eq3A_1028 = vector.broadcast %broadcast_in_dim3A_1027 : vector<256x1xf32> to vector<256x128xf32>
    %eq3A_1029 = arith.cmpf oeq, %select_n3A_1017, %eq3A_1028 : vector<256x128xf32>
    %jit3A_1030 = arith.constant 2048 : i32
    %broadcast_in_dim3A_1031 = vector.broadcast %jit3A_1030 : i32 to vector<256x128xi32>
    %select_n3A_1032 = arith.select %eq3A_1029, %select_n3A_1018, %broadcast_in_dim3A_1031 : vector<256x128xi1>, vector<256x128xi32>
    %reduce_min3A_1033 = arith.constant dense<2147483647> : vector<256xi32>
    %reduce_min3A_1034 = vector.multi_reduction <minsi>, %select_n3A_1032, %reduce_min3A_1033 [1] : vector<256x128xi32> to vector<256xi32>
    %broadcast_in_dim3A_1035 = vector.shape_cast %reduce_min3A_1034 : vector<256xi32> to vector<256x1xi32>
    %eq3A_1036 = vector.broadcast %broadcast_in_dim3A_1035 : vector<256x1xi32> to vector<256x128xi32>
    %eq3A_1037 = arith.cmpi eq, %select_n3A_1032, %eq3A_1036 : vector<256x128xi32>
    %select_n3A_1038 = arith.select %eq3A_1037, %select_n3A_1019, %select_n3A_1017 : vector<256x128xi1>, vector<256x128xf32>
    %select_n3A_1039 = arith.select %eq3A_1037, %select_n3A_1020, %select_n3A_1018 : vector<256x128xi1>, vector<256x128xi32>
    %select_n3A_1040 = arith.select %eq3A_1037, %select_n3A_1021, %select_n3A_1019 : vector<256x128xi1>, vector<256x128xf32>
    %select_n3A_1041 = arith.select %eq3A_1037, %select_n3A_1022, %select_n3A_1020 : vector<256x128xi1>, vector<256x128xi32>
    %select_n3A_1042 = arith.select %eq3A_1037, %select_n3A_1023, %select_n3A_1021 : vector<256x128xi1>, vector<256x128xf32>
    %select_n3A_1043 = arith.select %eq3A_1037, %select_n3A_1024, %select_n3A_1022 : vector<256x128xi1>, vector<256x128xi32>
    %reduce_min3A_1044 = arith.constant dense<0x7F800000> : vector<256xf32>
    %reduce_min3A_1045 = vector.multi_reduction <minimumf>, %select_n3A_1038, %reduce_min3A_1044 [1] : vector<256x128xf32> to vector<256xf32>
    %broadcast_in_dim3A_1046 = vector.shape_cast %reduce_min3A_1045 : vector<256xf32> to vector<256x1xf32>
    %eq3A_1047 = vector.broadcast %broadcast_in_dim3A_1046 : vector<256x1xf32> to vector<256x128xf32>
    %eq3A_1048 = arith.cmpf oeq, %select_n3A_1038, %eq3A_1047 : vector<256x128xf32>
    %jit3A_1049 = arith.constant 2048 : i32
    %broadcast_in_dim3A_1050 = vector.broadcast %jit3A_1049 : i32 to vector<256x128xi32>
    %select_n3A_1051 = arith.select %eq3A_1048, %select_n3A_1039, %broadcast_in_dim3A_1050 : vector<256x128xi1>, vector<256x128xi32>
    %reduce_min3A_1052 = arith.constant dense<2147483647> : vector<256xi32>
    %reduce_min3A_1053 = vector.multi_reduction <minsi>, %select_n3A_1051, %reduce_min3A_1052 [1] : vector<256x128xi32> to vector<256xi32>
    %broadcast_in_dim3A_1054 = vector.shape_cast %reduce_min3A_1053 : vector<256xi32> to vector<256x1xi32>
    %eq3A_1055 = vector.broadcast %broadcast_in_dim3A_1054 : vector<256x1xi32> to vector<256x128xi32>
    %eq3A_1056 = arith.cmpi eq, %select_n3A_1051, %eq3A_1055 : vector<256x128xi32>
    %select_n3A_1057 = arith.select %eq3A_1056, %select_n3A_1040, %select_n3A_1038 : vector<256x128xi1>, vector<256x128xf32>
    %select_n3A_1058 = arith.select %eq3A_1056, %select_n3A_1041, %select_n3A_1039 : vector<256x128xi1>, vector<256x128xi32>
    %select_n3A_1059 = arith.select %eq3A_1056, %select_n3A_1042, %select_n3A_1040 : vector<256x128xi1>, vector<256x128xf32>
    %select_n3A_1060 = arith.select %eq3A_1056, %select_n3A_1043, %select_n3A_1041 : vector<256x128xi1>, vector<256x128xi32>
    %reduce_min3A_1061 = arith.constant dense<0x7F800000> : vector<256xf32>
    %reduce_min3A_1062 = vector.multi_reduction <minimumf>, %select_n3A_1057, %reduce_min3A_1061 [1] : vector<256x128xf32> to vector<256xf32>
    %broadcast_in_dim3A_1063 = vector.shape_cast %reduce_min3A_1062 : vector<256xf32> to vector<256x1xf32>
    %eq3A_1064 = vector.broadcast %broadcast_in_dim3A_1063 : vector<256x1xf32> to vector<256x128xf32>
    %eq3A_1065 = arith.cmpf oeq, %select_n3A_1057, %eq3A_1064 : vector<256x128xf32>
    %jit3A_1066 = arith.constant 2048 : i32
    %broadcast_in_dim3A_1067 = vector.broadcast %jit3A_1066 : i32 to vector<256x128xi32>
    %select_n3A_1068 = arith.select %eq3A_1065, %select_n3A_1058, %broadcast_in_dim3A_1067 : vector<256x128xi1>, vector<256x128xi32>
    %reduce_min3A_1069 = arith.constant dense<2147483647> : vector<256xi32>
    %reduce_min3A_1070 = vector.multi_reduction <minsi>, %select_n3A_1068, %reduce_min3A_1069 [1] : vector<256x128xi32> to vector<256xi32>
    %broadcast_in_dim3A_1071 = vector.shape_cast %reduce_min3A_1070 : vector<256xi32> to vector<256x1xi32>
    %eq3A_1072 = vector.broadcast %broadcast_in_dim3A_1071 : vector<256x1xi32> to vector<256x128xi32>
    %eq3A_1073 = arith.cmpi eq, %select_n3A_1068, %eq3A_1072 : vector<256x128xi32>
    %select_n3A_1074 = arith.select %eq3A_1073, %select_n3A_1059, %select_n3A_1057 : vector<256x128xi1>, vector<256x128xf32>
    %select_n3A_1075 = arith.select %eq3A_1073, %select_n3A_1060, %select_n3A_1058 : vector<256x128xi1>, vector<256x128xi32>
    %reduce_min3A_1076 = arith.constant dense<0x7F800000> : vector<256xf32>
    %reduce_min3A_1077 = vector.multi_reduction <minimumf>, %select_n3A_1074, %reduce_min3A_1076 [1] : vector<256x128xf32> to vector<256xf32>
    %broadcast_in_dim3A_1078 = vector.shape_cast %reduce_min3A_1077 : vector<256xf32> to vector<256x1xf32>
    %eq3A_1079 = vector.broadcast %broadcast_in_dim3A_1078 : vector<256x1xf32> to vector<256x128xf32>
    %eq3A_1080 = arith.cmpf oeq, %select_n3A_1074, %eq3A_1079 : vector<256x128xf32>
    %jit3A_1081 = arith.constant 2048 : i32
    %broadcast_in_dim3A_1082 = vector.broadcast %jit3A_1081 : i32 to vector<256x128xi32>
    %select_n3A_1083 = arith.select %eq3A_1080, %select_n3A_1075, %broadcast_in_dim3A_1082 : vector<256x128xi1>, vector<256x128xi32>
    %reduce_min3A_1084 = arith.constant dense<2147483647> : vector<256xi32>
    %reduce_min3A_1085 = vector.multi_reduction <minsi>, %select_n3A_1083, %reduce_min3A_1084 [1] : vector<256x128xi32> to vector<256xi32>
    %broadcast_in_dim3A_1086 = vector.shape_cast %reduce_min3A_1085 : vector<256xi32> to vector<256x1xi32>
    %concatenate3A = tpu.concatenate %broadcast_in_dim3A_651, %broadcast_in_dim3A_694, %broadcast_in_dim3A_735, %broadcast_in_dim3A_774, %broadcast_in_dim3A_811, %broadcast_in_dim3A_846, %broadcast_in_dim3A_879, %broadcast_in_dim3A_910, %broadcast_in_dim3A_939, %broadcast_in_dim3A_966, %broadcast_in_dim3A_991, %broadcast_in_dim3A_1014, %broadcast_in_dim3A_1035, %broadcast_in_dim3A_1054, %broadcast_in_dim3A_1071, %broadcast_in_dim3A_1086 in 1 : vector<256x1xi32>, vector<256x1xi32>, vector<256x1xi32>, vector<256x1xi32>, vector<256x1xi32>, vector<256x1xi32>, vector<256x1xi32>, vector<256x1xi32>, vector<256x1xi32>, vector<256x1xi32>, vector<256x1xi32>, vector<256x1xi32>, vector<256x1xi32>, vector<256x1xi32>, vector<256x1xi32>, vector<256x1xi32> -> vector<256x16xi32>
    %swap3A = arith.constant 0 : index
    %swap3A_1087 = arith.constant 0 : index
    %swap3A_1088 = vector.load %arg3[%swap3A, %swap3A_1087] : memref<256x16xi32, #tpu.memory_space<vmem>>, vector<256x16xi32>
    tpu.vector_store %arg3[%swap3A, %swap3A_1087], %concatenate3A {strides = array<i32>} : memref<256x16xi32, #tpu.memory_space<vmem>>, vector<256x16xi32>,
    return
  }
  func.func @transform_0(%arg0: i32) -> (i32, i32) {
    %c0_i32 = arith.constant 0 : i32
    %c0_i32_0 = arith.constant 0 : i32
    return %arg0, %c0_i32 : i32, i32
  }
  func.func @transform_1(%arg0: i32) -> (i32, i32) {
    %c0_i32 = arith.constant 0 : i32
    %c0_i32_0 = arith.constant 0 : i32
    %c0_i32_1 = arith.constant 0 : i32
    return %c0_i32, %c0_i32_0 : i32, i32
  }
  func.func @transform_2(%arg0: i32) -> (i32, i32) {
    %c0_i32 = arith.constant 0 : i32
    %c0_i32_0 = arith.constant 0 : i32
    return %arg0, %c0_i32 : i32, i32
  }
}

module attributes {stable_mosaic.version = 14 : i64} {
  func.func @_q_body(%arg0: i32, %arg1: memref<1024x256xf32, #tpu.memory_space<vmem>>, %arg2: memref<256x256xf32, #tpu.memory_space<vmem>>, %arg3: memref<1024x256xf32, #tpu.memory_space<vmem>>) attributes {dimension_semantics = [#tpu.dimension_semantics<arbitrary>], iteration_bounds = array<i64: 8>, scalar_prefetch = 0 : i64, scratch_operands = 0 : i64, tpu.core_type = #tpu.core_type<tc>, window_params = [{transform_indices = @transform_0, window_bounds = array<i64: 1024, 256>}, {pipeline_mode = #tpu.pipeline_mode<synchronous>, transform_indices = @transform_1, window_bounds = array<i64: 256, 256>}, {transform_indices = @transform_2, window_bounds = array<i64: 1024, 256>}]} {
    %get3A = arith.constant 0 : index
    %get3A_0 = arith.constant 0 : index
    %get3A_1 = vector.load %arg1[%get3A, %get3A_0] : memref<1024x256xf32, #tpu.memory_space<vmem>>, vector<1024x256xf32>
    %get3A_2 = arith.constant 0 : index
    %get3A_3 = arith.constant 0 : index
    %get3A_4 = vector.load %arg2[%get3A_2, %get3A_3] : memref<256x256xf32, #tpu.memory_space<vmem>>, vector<256x256xf32>
    %dot_general3A = arith.constant dense<0.000000e+00> : vector<1024x256xf32>
    %dot_general3A_5 = tpu.matmul %get3A_1, %get3A_4, %dot_general3A {dimension_numbers = #tpu.dot_dimension_numbers<[1], [0], [0], [1], [0, 0, 1, 1], [], []>, transpose_lhs_hint = false} : vector<1024x256xf32>, vector<256x256xf32>, vector<1024x256xf32> -> vector<1024x256xf32>
    %swap3A = arith.constant 0 : index
    %swap3A_6 = arith.constant 0 : index
    %swap3A_7 = vector.load %arg3[%swap3A, %swap3A_6] : memref<1024x256xf32, #tpu.memory_space<vmem>>, vector<1024x256xf32>
    tpu.vector_store %arg3[%swap3A, %swap3A_6], %dot_general3A_5 {strides = array<i32>} : memref<1024x256xf32, #tpu.memory_space<vmem>>, vector<1024x256xf32>,
    return
  }
  func.func @transform_0(%arg0: i32) -> (i32, i32) {
    %c0_i32 = arith.constant 0 : i32
    %c0_i32_0 = arith.constant 0 : i32
    return %arg0, %c0_i32 : i32, i32
  }
  func.func @transform_1(%arg0: i32) -> (i32, i32) {
    %c0_i32 = arith.constant 0 : i32
    %c0_i32_0 = arith.constant 0 : i32
    %c0_i32_1 = arith.constant 0 : i32
    return %c0_i32, %c0_i32_0 : i32, i32
  }
  func.func @transform_2(%arg0: i32) -> (i32, i32) {
    %c0_i32 = arith.constant 0 : i32
    %c0_i32_0 = arith.constant 0 : i32
    return %arg0, %c0_i32 : i32, i32
  }
}

module attributes {stable_mosaic.version = 14 : i64} {
  func.func @_stats1_body(%arg0: i32, %arg1: memref<4096x256xf32, #tpu.memory_space<vmem>>, %arg2: memref<256x256xf32, #tpu.memory_space<vmem>>, %arg3: memref<1x256xf32, #tpu.memory_space<vmem>>, %arg4: memref<2x256xf32, #tpu.memory_space<vmem>>) attributes {dimension_semantics = [#tpu.dimension_semantics<arbitrary>], iteration_bounds = array<i64: 8>, scalar_prefetch = 0 : i64, scratch_operands = 0 : i64, tpu.core_type = #tpu.core_type<tc>, window_params = [{transform_indices = @transform_0, window_bounds = array<i64: 4096, 256>}, {transform_indices = @transform_1, window_bounds = array<i64: 256, 256>}, {pipeline_mode = #tpu.pipeline_mode<synchronous>, transform_indices = @transform_2, window_bounds = array<i64: 1, 256>}, {pipeline_mode = #tpu.pipeline_mode<synchronous>, transform_indices = @transform_3, window_bounds = array<i64: 2, 256>}]} {
    %get3A = arith.constant 0 : index
    %get3A_0 = arith.constant 0 : index
    %get3A_1 = vector.load %arg1[%get3A, %get3A_0] : memref<4096x256xf32, #tpu.memory_space<vmem>>, vector<4096x256xf32>
    %get3A_2 = arith.constant 0 : index
    %get3A_3 = arith.constant 0 : index
    %get3A_4 = vector.load %arg2[%get3A_2, %get3A_3] : memref<256x256xf32, #tpu.memory_space<vmem>>, vector<256x256xf32>
    %get3A_5 = arith.constant 0 : index
    %get3A_6 = arith.constant 0 : index
    %get3A_7 = vector.load %arg3[%get3A_5, %get3A_6] : memref<1x256xf32, #tpu.memory_space<vmem>>, vector<1x256xf32>
    %sub3A = vector.broadcast %get3A_7 : vector<1x256xf32> to vector<256x256xf32>
    %sub3A_8 = arith.subf %get3A_4, %sub3A : vector<256x256xf32>
    %broadcast_in_dim3A = vector.shape_cast %sub3A_8 : vector<256x256xf32> to vector<256x1x256xf32>
    %broadcast_in_dim3A_9 = vector.shape_cast %broadcast_in_dim3A : vector<256x1x256xf32> to vector<256x1x256xf32>
    %broadcast_in_dim3A_10 = vector.broadcast %broadcast_in_dim3A_9 : vector<256x1x256xf32> to vector<256x16x256xf32>
    %reshape3A = vector.shape_cast %broadcast_in_dim3A_10 : vector<256x16x256xf32> to vector<4096x256xf32>
    %sub3A_11 = arith.subf %get3A_1, %reshape3A : vector<4096x256xf32>
    %reduce_sum3A = arith.constant dense<0.000000e+00> : vector<256xf32>
    %reduce_sum3A_12 = vector.multi_reduction <add>, %sub3A_11, %reduce_sum3A [0] : vector<4096x256xf32> to vector<256xf32>
    %broadcast_in_dim3A_13 = vector.shape_cast %reduce_sum3A_12 : vector<256xf32> to vector<1x256xf32>
    %mul3A = arith.mulf %sub3A_11, %sub3A_11 : vector<4096x256xf32>
    %reduce_sum3A_14 = arith.constant dense<0.000000e+00> : vector<256xf32>
    %reduce_sum3A_15 = vector.multi_reduction <add>, %mul3A, %reduce_sum3A_14 [0] : vector<4096x256xf32> to vector<256xf32>
    %broadcast_in_dim3A_16 = vector.shape_cast %reduce_sum3A_15 : vector<256xf32> to vector<1x256xf32>
    %concatenate3A = tpu.concatenate %broadcast_in_dim3A_13, %broadcast_in_dim3A_16 in 0 : vector<1x256xf32>, vector<1x256xf32> -> vector<2x256xf32>
    %eq3A = arith.constant 0 : i32
    %eq3A_17 = arith.cmpi eq, %arg0, %eq3A : i32
    %convert_element_type3A = arith.extui %eq3A_17 : i1 to i32
    %cond3A = arith.constant 0 : i32
    %cond3A_18 = arith.cmpi ne, %convert_element_type3A, %cond3A : i32
    scf.if %cond3A_18 {
      %broadcast_in_dim3A_24 = arith.constant 0.000000e+00 : f32
      %broadcast_in_dim3A_25 = vector.broadcast %broadcast_in_dim3A_24 : f32 to vector<2x256xf32>
      %swap3A_26 = arith.constant 0 : index
      %swap3A_27 = arith.constant 0 : index
      %swap3A_28 = vector.load %arg4[%swap3A_26, %swap3A_27] : memref<2x256xf32, #tpu.memory_space<vmem>>, vector<2x256xf32>
      tpu.vector_store %arg4[%swap3A_26, %swap3A_27], %broadcast_in_dim3A_25 {strides = array<i32>} : memref<2x256xf32, #tpu.memory_space<vmem>>, vector<2x256xf32>,
    } else {
    }
    %get3A_19 = arith.constant 0 : index
    %get3A_20 = arith.constant 0 : index
    %get3A_21 = vector.load %arg4[%get3A_19, %get3A_20] : memref<2x256xf32, #tpu.memory_space<vmem>>, vector<2x256xf32>
    %add3A = arith.addf %get3A_21, %concatenate3A : vector<2x256xf32>
    %swap3A = arith.constant 0 : index
    %swap3A_22 = arith.constant 0 : index
    %swap3A_23 = vector.load %arg4[%swap3A, %swap3A_22] : memref<2x256xf32, #tpu.memory_space<vmem>>, vector<2x256xf32>
    tpu.vector_store %arg4[%swap3A, %swap3A_22], %add3A {strides = array<i32>} : memref<2x256xf32, #tpu.memory_space<vmem>>, vector<2x256xf32>,
    return
  }
  func.func @transform_0(%arg0: i32) -> (i32, i32) {
    %c0_i32 = arith.constant 0 : i32
    %c0_i32_0 = arith.constant 0 : i32
    return %arg0, %c0_i32 : i32, i32
  }
  func.func @transform_1(%arg0: i32) -> (i32, i32) {
    %c0_i32 = arith.constant 0 : i32
    %c0_i32_0 = arith.constant 0 : i32
    return %arg0, %c0_i32 : i32, i32
  }
  func.func @transform_2(%arg0: i32) -> (i32, i32) {
    %c0_i32 = arith.constant 0 : i32
    %c0_i32_0 = arith.constant 0 : i32
    %c0_i32_1 = arith.constant 0 : i32
    return %c0_i32, %c0_i32_0 : i32, i32
  }
  func.func @transform_3(%arg0: i32) -> (i32, i32) {
    %c0_i32 = arith.constant 0 : i32
    %c0_i32_0 = arith.constant 0 : i32
    %c0_i32_1 = arith.constant 0 : i32
    return %c0_i32, %c0_i32_0 : i32, i32
  }
}

module attributes {stable_mosaic.version = 14 : i64} {
  func.func @_main_body(%arg0: i32, %arg1: memref<4096x256xf32, #tpu.memory_space<vmem>>, %arg2: memref<256x256xf32, #tpu.memory_space<vmem>>, %arg3: memref<2x256xf32, #tpu.memory_space<vmem>>, %arg4: memref<1x256xf32, #tpu.memory_space<vmem>>, %arg5: memref<1x256xf32, #tpu.memory_space<vmem>>, %arg6: memref<1x256xf32, #tpu.memory_space<vmem>>, %arg7: memref<256x256xbf16, #tpu.memory_space<vmem>>, %arg8: memref<1x256xf32, #tpu.memory_space<vmem>>, %arg9: memref<256x256xf32, #tpu.memory_space<vmem>>, %arg10: memref<2x256xf32, #tpu.memory_space<vmem>>) attributes {dimension_semantics = [#tpu.dimension_semantics<arbitrary>], iteration_bounds = array<i64: 8>, scalar_prefetch = 0 : i64, scratch_operands = 0 : i64, tpu.core_type = #tpu.core_type<tc>, window_params = [{transform_indices = @transform_0, window_bounds = array<i64: 4096, 256>}, {transform_indices = @transform_1, window_bounds = array<i64: 256, 256>}, {pipeline_mode = #tpu.pipeline_mode<synchronous>, transform_indices = @transform_2, window_bounds = array<i64: 2, 256>}, {pipeline_mode = #tpu.pipeline_mode<synchronous>, transform_indices = @transform_3, window_bounds = array<i64: 1, 256>}, {pipeline_mode = #tpu.pipeline_mode<synchronous>, transform_indices = @transform_4, window_bounds = array<i64: 1, 256>}, {pipeline_mode = #tpu.pipeline_mode<synchronous>, transform_indices = @transform_5, window_bounds = array<i64: 1, 256>}, {pipeline_mode = #tpu.pipeline_mode<synchronous>, transform_indices = @transform_6, window_bounds = array<i64: 256, 256>}, {pipeline_mode = #tpu.pipeline_mode<synchronous>, transform_indices = @transform_7, window_bounds = array<i64: 1, 256>}, {transform_indices = @transform_8, window_bounds = array<i64: 256, 256>}, {pipeline_mode = #tpu.pipeline_mode<synchronous>, transform_indices = @transform_9, window_bounds = array<i64: 2, 256>}]} {
    %get3A = arith.constant 0 : index
    %get3A_0 = arith.constant 0 : index
    %get3A_1 = vector.load %arg3[%get3A, %get3A_0] : memref<2x256xf32, #tpu.memory_space<vmem>>, vector<2x256xf32>
    %slice3A = vector.extract_strided_slice %get3A_1 {offsets = [0, 0], sizes = [1, 256], strides = [1, 1]} : vector<2x256xf32> to vector<1x256xf32>
    %div3A = arith.constant 1.310720e+05 : f32
    %div3A_2 = vector.broadcast %div3A : f32 to vector<1x256xf32>
    %div3A_3 = arith.divf %slice3A, %div3A_2 : vector<1x256xf32>
    %slice3A_4 = vector.extract_strided_slice %get3A_1 {offsets = [1, 0], sizes = [1, 256], strides = [1, 1]} : vector<2x256xf32> to vector<1x256xf32>
    %div3A_5 = arith.constant 1.310720e+05 : f32
    %div3A_6 = vector.broadcast %div3A_5 : f32 to vector<1x256xf32>
    %div3A_7 = arith.divf %slice3A_4, %div3A_6 : vector<1x256xf32>
    %mul3A = arith.mulf %div3A_3, %div3A_3 : vector<1x256xf32>
    %sub3A = arith.subf %div3A_7, %mul3A : vector<1x256xf32>
    %get3A_8 = arith.constant 0 : index
    %get3A_9 = arith.constant 0 : index
    %get3A_10 = vector.load %arg5[%get3A_8, %get3A_9] : memref<1x256xf32, #tpu.memory_space<vmem>>, vector<1x256xf32>
    %add3A = arith.constant 9.99999974E-6 : f32
    %add3A_11 = vector.broadcast %add3A : f32 to vector<1x256xf32>
    %add3A_12 = arith.addf %sub3A, %add3A_11 : vector<1x256xf32>
    %rsqrt3A = math.rsqrt %add3A_12 : vector<1x256xf32>
    %mul3A_13 = arith.mulf %get3A_10, %rsqrt3A : vector<1x256xf32>
    %get3A_14 = arith.constant 0 : index
    %get3A_15 = arith.constant 0 : index
    %get3A_16 = vector.load %arg6[%get3A_14, %get3A_15] : memref<1x256xf32, #tpu.memory_space<vmem>>, vector<1x256xf32>
    %mul3A_17 = arith.mulf %div3A_3, %mul3A_13 : vector<1x256xf32>
    %sub3A_18 = arith.subf %get3A_16, %mul3A_17 : vector<1x256xf32>
    %get3A_19 = arith.constant 0 : index
    %get3A_20 = arith.constant 0 : index
    %get3A_21 = vector.load %arg1[%get3A_19, %get3A_20] : memref<4096x256xf32, #tpu.memory_space<vmem>>, vector<4096x256xf32>
    %get3A_22 = arith.constant 0 : index
    %get3A_23 = arith.constant 0 : index
    %get3A_24 = vector.load %arg2[%get3A_22, %get3A_23] : memref<256x256xf32, #tpu.memory_space<vmem>>, vector<256x256xf32>
    %get3A_25 = arith.constant 0 : index
    %get3A_26 = arith.constant 0 : index
    %get3A_27 = vector.load %arg4[%get3A_25, %get3A_26] : memref<1x256xf32, #tpu.memory_space<vmem>>, vector<1x256xf32>
    %sub3A_28 = vector.broadcast %get3A_27 : vector<1x256xf32> to vector<256x256xf32>
    %sub3A_29 = arith.subf %get3A_24, %sub3A_28 : vector<256x256xf32>
    %mul3A_30 = vector.broadcast %mul3A_13 : vector<1x256xf32> to vector<256x256xf32>
    %mul3A_31 = arith.mulf %sub3A_29, %mul3A_30 : vector<256x256xf32>
    %sub3A_32 = vector.broadcast %sub3A_18 : vector<1x256xf32> to vector<256x256xf32>
    %sub3A_33 = arith.subf %mul3A_31, %sub3A_32 : vector<256x256xf32>
    %broadcast_in_dim3A = vector.shape_cast %sub3A_33 : vector<256x256xf32> to vector<256x1x256xf32>
    %broadcast_in_dim3A_34 = vector.shape_cast %broadcast_in_dim3A : vector<256x1x256xf32> to vector<256x1x256xf32>
    %broadcast_in_dim3A_35 = vector.broadcast %broadcast_in_dim3A_34 : vector<256x1x256xf32> to vector<256x16x256xf32>
    %reshape3A = vector.shape_cast %broadcast_in_dim3A_35 : vector<256x16x256xf32> to vector<4096x256xf32>
    %mul3A_36 = vector.broadcast %mul3A_13 : vector<1x256xf32> to vector<4096x256xf32>
    %mul3A_37 = arith.mulf %get3A_21, %mul3A_36 : vector<4096x256xf32>
    %sub3A_38 = arith.subf %mul3A_37, %reshape3A : vector<4096x256xf32>
    %max3A = arith.constant 0.000000e+00 : f32
    %max3A_39 = vector.broadcast %max3A : f32 to vector<4096x256xf32>
    %max3A_40 = arith.maximumf %sub3A_38, %max3A_39 : vector<4096x256xf32>
    %convert_element_type3A = arith.truncf %max3A_40 : vector<4096x256xf32> to vector<4096x256xbf16>
    %get3A_41 = arith.constant 0 : index
    %get3A_42 = arith.constant 0 : index
    %get3A_43 = vector.load %arg7[%get3A_41, %get3A_42] : memref<256x256xbf16, #tpu.memory_space<vmem>>, vector<256x256xbf16>
    %dot_general3A = arith.constant dense<0.000000e+00> : vector<4096x256xf32>
    %dot_general3A_44 = tpu.matmul %convert_element_type3A, %get3A_43, %dot_general3A {dimension_numbers = #tpu.dot_dimension_numbers<[1], [0], [0], [1], [0, 0, 1, 1], [], []>, transpose_lhs_hint = false} : vector<4096x256xbf16>, vector<256x256xbf16>, vector<4096x256xf32> -> vector<4096x256xf32>
    %get3A_45 = arith.constant 0 : index
    %get3A_46 = arith.constant 0 : index
    %get3A_47 = vector.load %arg8[%get3A_45, %get3A_46] : memref<1x256xf32, #tpu.memory_space<vmem>>, vector<1x256xf32>
    %add3A_48 = vector.broadcast %get3A_47 : vector<1x256xf32> to vector<4096x256xf32>
    %add3A_49 = arith.addf %dot_general3A_44, %add3A_48 : vector<4096x256xf32>
    %reduce_sum3A = arith.constant dense<0.000000e+00> : vector<256xf32>
    %reduce_sum3A_50 = vector.multi_reduction <add>, %add3A_49, %reduce_sum3A [0] : vector<4096x256xf32> to vector<256xf32>
    %broadcast_in_dim3A_51 = vector.shape_cast %reduce_sum3A_50 : vector<256xf32> to vector<1x256xf32>
    %mul3A_52 = arith.mulf %add3A_49, %add3A_49 : vector<4096x256xf32>
    %reduce_sum3A_53 = arith.constant dense<0.000000e+00> : vector<256xf32>
    %reduce_sum3A_54 = vector.multi_reduction <add>, %mul3A_52, %reduce_sum3A_53 [0] : vector<4096x256xf32> to vector<256xf32>
    %broadcast_in_dim3A_55 = vector.shape_cast %reduce_sum3A_54 : vector<256xf32> to vector<1x256xf32>
    %eq3A = arith.constant 0 : i32
    %eq3A_56 = arith.cmpi eq, %arg0, %eq3A : i32
    %convert_element_type3A_57 = arith.extui %eq3A_56 : i1 to i32
    %cond3A = arith.constant 0 : i32
    %cond3A_58 = arith.cmpi ne, %convert_element_type3A_57, %cond3A : i32
    scf.if %cond3A_58 {
      %broadcast_in_dim3A_70 = arith.constant 0.000000e+00 : f32
      %broadcast_in_dim3A_71 = vector.broadcast %broadcast_in_dim3A_70 : f32 to vector<2x256xf32>
      %swap3A_72 = arith.constant 0 : index
      %swap3A_73 = arith.constant 0 : index
      %swap3A_74 = vector.load %arg10[%swap3A_72, %swap3A_73] : memref<2x256xf32, #tpu.memory_space<vmem>>, vector<2x256xf32>
      tpu.vector_store %arg10[%swap3A_72, %swap3A_73], %broadcast_in_dim3A_71 {strides = array<i32>} : memref<2x256xf32, #tpu.memory_space<vmem>>, vector<2x256xf32>,
    } else {
    }
    %get3A_59 = arith.constant 0 : index
    %get3A_60 = arith.constant 0 : index
    %get3A_61 = vector.load %arg10[%get3A_59, %get3A_60] : memref<2x256xf32, #tpu.memory_space<vmem>>, vector<2x256xf32>
    %concatenate3A = tpu.concatenate %broadcast_in_dim3A_51, %broadcast_in_dim3A_55 in 0 : vector<1x256xf32>, vector<1x256xf32> -> vector<2x256xf32>
    %add3A_62 = arith.addf %get3A_61, %concatenate3A : vector<2x256xf32>
    %swap3A = arith.constant 0 : index
    %swap3A_63 = arith.constant 0 : index
    %swap3A_64 = vector.load %arg10[%swap3A, %swap3A_63] : memref<2x256xf32, #tpu.memory_space<vmem>>, vector<2x256xf32>
    tpu.vector_store %arg10[%swap3A, %swap3A_63], %add3A_62 {strides = array<i32>} : memref<2x256xf32, #tpu.memory_space<vmem>>, vector<2x256xf32>,
    %reshape3A_65 = vector.shape_cast %add3A_49 : vector<4096x256xf32> to vector<256x16x256xf32>
    %reduce_max3A = arith.constant dense<0xFF800000> : vector<256x256xf32>
    %reduce_max3A_66 = vector.multi_reduction <maximumf>, %reshape3A_65, %reduce_max3A [1] : vector<256x16x256xf32> to vector<256x256xf32>
    %swap3A_67 = arith.constant 0 : index
    %swap3A_68 = arith.constant 0 : index
    %swap3A_69 = vector.load %arg9[%swap3A_67, %swap3A_68] : memref<256x256xf32, #tpu.memory_space<vmem>>, vector<256x256xf32>
    tpu.vector_store %arg9[%swap3A_67, %swap3A_68], %reduce_max3A_66 {strides = array<i32>} : memref<256x256xf32, #tpu.memory_space<vmem>>, vector<256x256xf32>,
    return
  }
  func.func @transform_0(%arg0: i32) -> (i32, i32) {
    %c0_i32 = arith.constant 0 : i32
    %c0_i32_0 = arith.constant 0 : i32
    return %arg0, %c0_i32 : i32, i32
  }
  func.func @transform_1(%arg0: i32) -> (i32, i32) {
    %c0_i32 = arith.constant 0 : i32
    %c0_i32_0 = arith.constant 0 : i32
    return %arg0, %c0_i32 : i32, i32
  }
  func.func @transform_2(%arg0: i32) -> (i32, i32) {
    %c0_i32 = arith.constant 0 : i32
    %c0_i32_0 = arith.constant 0 : i32
    %c0_i32_1 = arith.constant 0 : i32
    return %c0_i32, %c0_i32_0 : i32, i32
  }
  func.func @transform_3(%arg0: i32) -> (i32, i32) {
    %c0_i32 = arith.constant 0 : i32
    %c0_i32_0 = arith.constant 0 : i32
    %c0_i32_1 = arith.constant 0 : i32
    return %c0_i32, %c0_i32_0 : i32, i32
  }
  func.func @transform_4(%arg0: i32) -> (i32, i32) {
    %c0_i32 = arith.constant 0 : i32
    %c0_i32_0 = arith.constant 0 : i32
    %c0_i32_1 = arith.constant 0 : i32
    return %c0_i32, %c0_i32_0 : i32, i32
  }
  func.func @transform_5(%arg0: i32) -> (i32, i32) {
    %c0_i32 = arith.constant 0 : i32
    %c0_i32_0 = arith.constant 0 : i32
    %c0_i32_1 = arith.constant 0 : i32
    return %c0_i32, %c0_i32_0 : i32, i32
  }
  func.func @transform_6(%arg0: i32) -> (i32, i32) {
    %c0_i32 = arith.constant 0 : i32
    %c0_i32_0 = arith.constant 0 : i32
    %c0_i32_1 = arith.constant 0 : i32
    return %c0_i32, %c0_i32_0 : i32, i32
  }
  func.func @transform_7(%arg0: i32) -> (i32, i32) {
    %c0_i32 = arith.constant 0 : i32
    %c0_i32_0 = arith.constant 0 : i32
    %c0_i32_1 = arith.constant 0 : i32
    return %c0_i32, %c0_i32_0 : i32, i32
  }
  func.func @transform_8(%arg0: i32) -> (i32, i32) {
    %c0_i32 = arith.constant 0 : i32
    %c0_i32_0 = arith.constant 0 : i32
    return %arg0, %c0_i32 : i32, i32
  }
  func.func @transform_9(%arg0: i32) -> (i32, i32) {
    %c0_i32 = arith.constant 0 : i32
    %c0_i32_0 = arith.constant 0 : i32
    %c0_i32_1 = arith.constant 0 : i32
    return %c0_i32, %c0_i32_0 : i32, i32
  }
}

module attributes {stable_mosaic.version = 14 : i64} {
  func.func @_final_body(%arg0: i32, %arg1: memref<512x256xf32, #tpu.memory_space<vmem>>, %arg2: memref<2x256xf32, #tpu.memory_space<vmem>>, %arg3: memref<1x256xf32, #tpu.memory_space<vmem>>, %arg4: memref<1x256xf32, #tpu.memory_space<vmem>>, %arg5: memref<512x256xf32, #tpu.memory_space<vmem>>) attributes {dimension_semantics = [#tpu.dimension_semantics<arbitrary>], iteration_bounds = array<i64: 4>, scalar_prefetch = 0 : i64, scratch_operands = 0 : i64, tpu.core_type = #tpu.core_type<tc>, window_params = [{transform_indices = @transform_0, window_bounds = array<i64: 512, 256>}, {pipeline_mode = #tpu.pipeline_mode<synchronous>, transform_indices = @transform_1, window_bounds = array<i64: 2, 256>}, {pipeline_mode = #tpu.pipeline_mode<synchronous>, transform_indices = @transform_2, window_bounds = array<i64: 1, 256>}, {pipeline_mode = #tpu.pipeline_mode<synchronous>, transform_indices = @transform_3, window_bounds = array<i64: 1, 256>}, {transform_indices = @transform_4, window_bounds = array<i64: 512, 256>}]} {
    %get3A = arith.constant 0 : index
    %get3A_0 = arith.constant 0 : index
    %get3A_1 = vector.load %arg2[%get3A, %get3A_0] : memref<2x256xf32, #tpu.memory_space<vmem>>, vector<2x256xf32>
    %slice3A = vector.extract_strided_slice %get3A_1 {offsets = [0, 0], sizes = [1, 256], strides = [1, 1]} : vector<2x256xf32> to vector<1x256xf32>
    %div3A = arith.constant 1.310720e+05 : f32
    %div3A_2 = vector.broadcast %div3A : f32 to vector<1x256xf32>
    %div3A_3 = arith.divf %slice3A, %div3A_2 : vector<1x256xf32>
    %slice3A_4 = vector.extract_strided_slice %get3A_1 {offsets = [1, 0], sizes = [1, 256], strides = [1, 1]} : vector<2x256xf32> to vector<1x256xf32>
    %div3A_5 = arith.constant 1.310720e+05 : f32
    %div3A_6 = vector.broadcast %div3A_5 : f32 to vector<1x256xf32>
    %div3A_7 = arith.divf %slice3A_4, %div3A_6 : vector<1x256xf32>
    %mul3A = arith.mulf %div3A_3, %div3A_3 : vector<1x256xf32>
    %sub3A = arith.subf %div3A_7, %mul3A : vector<1x256xf32>
    %get3A_8 = arith.constant 0 : index
    %get3A_9 = arith.constant 0 : index
    %get3A_10 = vector.load %arg3[%get3A_8, %get3A_9] : memref<1x256xf32, #tpu.memory_space<vmem>>, vector<1x256xf32>
    %abs3A = math.absf %get3A_10 : vector<1x256xf32>
    %add3A = arith.constant 9.99999974E-6 : f32
    %add3A_11 = vector.broadcast %add3A : f32 to vector<1x256xf32>
    %add3A_12 = arith.addf %sub3A, %add3A_11 : vector<1x256xf32>
    %rsqrt3A = math.rsqrt %add3A_12 : vector<1x256xf32>
    %mul3A_13 = arith.mulf %abs3A, %rsqrt3A : vector<1x256xf32>
    %get3A_14 = arith.constant 0 : index
    %get3A_15 = arith.constant 0 : index
    %get3A_16 = vector.load %arg1[%get3A_14, %get3A_15] : memref<512x256xf32, #tpu.memory_space<vmem>>, vector<512x256xf32>
    %sub3A_17 = vector.broadcast %div3A_3 : vector<1x256xf32> to vector<512x256xf32>
    %sub3A_18 = arith.subf %get3A_16, %sub3A_17 : vector<512x256xf32>
    %mul3A_19 = vector.broadcast %mul3A_13 : vector<1x256xf32> to vector<512x256xf32>
    %mul3A_20 = arith.mulf %sub3A_18, %mul3A_19 : vector<512x256xf32>
    %get3A_21 = arith.constant 0 : index
    %get3A_22 = arith.constant 0 : index
    %get3A_23 = vector.load %arg4[%get3A_21, %get3A_22] : memref<1x256xf32, #tpu.memory_space<vmem>>, vector<1x256xf32>
    %add3A_24 = vector.broadcast %get3A_23 : vector<1x256xf32> to vector<512x256xf32>
    %add3A_25 = arith.addf %mul3A_20, %add3A_24 : vector<512x256xf32>
    %max3A = arith.constant 0.000000e+00 : f32
    %max3A_26 = vector.broadcast %max3A : f32 to vector<512x256xf32>
    %max3A_27 = arith.maximumf %add3A_25, %max3A_26 : vector<512x256xf32>
    %swap3A = arith.constant 0 : index
    %swap3A_28 = arith.constant 0 : index
    %swap3A_29 = vector.load %arg5[%swap3A, %swap3A_28] : memref<512x256xf32, #tpu.memory_space<vmem>>, vector<512x256xf32>
    tpu.vector_store %arg5[%swap3A, %swap3A_28], %max3A_27 {strides = array<i32>} : memref<512x256xf32, #tpu.memory_space<vmem>>, vector<512x256xf32>,
    return
  }
  func.func @transform_0(%arg0: i32) -> (i32, i32) {
    %c0_i32 = arith.constant 0 : i32
    %c0_i32_0 = arith.constant 0 : i32
    return %arg0, %c0_i32 : i32, i32
  }
  func.func @transform_1(%arg0: i32) -> (i32, i32) {
    %c0_i32 = arith.constant 0 : i32
    %c0_i32_0 = arith.constant 0 : i32
    %c0_i32_1 = arith.constant 0 : i32
    return %c0_i32, %c0_i32_0 : i32, i32
  }
  func.func @transform_2(%arg0: i32) -> (i32, i32) {
    %c0_i32 = arith.constant 0 : i32
    %c0_i32_0 = arith.constant 0 : i32
    %c0_i32_1 = arith.constant 0 : i32
    return %c0_i32, %c0_i32_0 : i32, i32
  }
  func.func @transform_3(%arg0: i32) -> (i32, i32) {
    %c0_i32 = arith.constant 0 : i32
    %c0_i32_0 = arith.constant 0 : i32
    %c0_i32_1 = arith.constant 0 : i32
    return %c0_i32, %c0_i32_0 : i32, i32
  }
  func.func @transform_4(%arg0: i32) -> (i32, i32) {
    %c0_i32 = arith.constant 0 : i32
    %c0_i32_0 = arith.constant 0 : i32
    return %arg0, %c0_i32 : i32, i32
  }
}

</mosaic_0001>

<sc_bundles>
// kernel: kernel.23.cloned.1.call-start
scs
__scs_entry_jumppad:
0x0: {  	(pc) =	sbr.rel $0x88, $3  }
0x1: {  	(tag) =	ssettag $0x0;
	lr =	simm.s32 $0x1  }
0x2: {  	[smem:$0x3F97] =	sst lr;
	_ =	strace $0xD0000000  }
0x3: {  	_ = 	snop  }
0x4: {  	_ = 	snop  }
0x5: {  	_ = 	snop  }
0x6: {  	_ = 	snop  }
0x7: {  	_ = 	snop  }
__scs_overlays_trampoline_lowered:
0x8: {  	[smem:$0x3FA6] =	sst s0  }
0x9: {  	[smem:$0x3FA7] =	sst s1  }
0xa: {  	[smem:$0x3FA8] =	sst s2  }
0xb: {  	[smem:$0x3FA9] =	sst s3  }
0xc: {  	[smem:$0x3FAA] =	sst s4  }
0xd: {  	[smem:$0x3FAB] =	sst s5  }
0xe: {  	[smem:$0x3FAC] =	sst s6  }
0xf: {  	[smem:$0x3FAD] =	sst s7  }
0x10: {  	[smem:$0x3FAE] =	sst s8  }
0x11: {  	[smem:$0x3FAF] =	sst s9;
	s0 =	simm.s32 @!p0 $0x0  }
0x12: {  	s1 =	sld [smem:$0x3F95];
	s0 =	simm.s32 @p0 $0x1  }
0x13: {  	[smem:$0x3FB0] =	sst s0;
	s0 =	simm.s32 @!p1 $0x0  }
0x14: {  	s2 =	sld [smem:$0x3F94];
	s0 =	simm.s32 @p1 $0x1  }
0x15: {  	[smem:$0x3FB1] =	sst s0;
	s0 =	simm.s32 @!p2 $0x0  }
0x16: {  	s3 =	sld [smem:$0x3FDB];
	s0 =	simm.s32 @p2 $0x1  }
0x17: {  	s4 =	simm.s32 $0x1BF5;
	[smem:$0x3FB3] =	sst s0  }
0x18: {  	s0 =	sld [smem:$0x3F96];
	_ =	swait.ge [sflag:s4], $0x0  }
0x19: {  	s7 =	sld [smem:$0x3F97]  }
0x1a: {  	s8 =	sadd.s32 $0xFFFFE003, lr  }
0x1b: {  	s9 =	sadd.s32 $0xFFFFFEF7, lr;
	s5 =	simm.s32 $0xFFFFFFFF;
	p2 =	slt.u32 s8, $0xFFFFF086  }
0x1c: {  	p1 =	slt.u32 s9, $0xF7A;
	s5 =	simm.s32 @!p2 $0x0  }
0x1d: {  	s5 =	simm.s32 @p1 $0x1;
	p0 =	seq.s32 s7, s2  }
0x1e: {  	s7 =	smul.u32 @!p0 $0xF7A, s2;
	p2 =	seq.s32 @!p0 s5, $0x0  }
0x1f: {  	s9 =	smul.u32 $0xF7A, s1;
	s8 =	simm.s32 @!p0 $0x1BF5;
	p2 =	por !p2, p0  }
0x20: {  	[sflag:s8] =	ssyncset.s32 @!p0 $0xFFFFF086;
	s6 =	sadd.s32 @!p0 s3, s7;
	s7 =	simm.s32 @!p0 $0x108  }
0x21: {  	s3 =	sadd.s32 s3, s9;
	s6 =	sadd.s32 @!p0 $0x88, s6;
	s7 =	simm.s32 @p2 $0x1082  }
0x22: {  	[simem:s7], [sflag:s8] =	dma.local @!p0 [hbm:s6], $0xF7A  }
0x23: {  	s9 =	sor.u32 $0xD0000000, s2;
	s6 =	simm.s32 $0x108;
	_ =	swait.ge @!p0 [sflag:s8], $0x0  }
0x24: {  	s3 =	sadd.s32 $0x88, s3;
	s6 =	simm.s32 @!p1 $0x1082;
	[sflag:s4] =	ssyncset.s32 $0xFFFFF086  }
0x25: {  	[simem:s6], [sflag:s4] =	dma.local [hbm:s3], $0xF7A  }
0x26: {  	[smem:$0x3F97] =	sst s1;
	(tag) =	ssettag s2;
	_ =	strace s9  }
0x27: {  	s1 =	sld [smem:$0x3FA7]  }
0x28: {  	s2 =	sld [smem:$0x3FA8]  }
0x29: {  	s4 =	sld [smem:$0x3FAA]  }
0x2a: {  	p0 =	seq.s32 s5, $0x0;
	s5 =	sld [smem:$0x3FAB]  }
0x2b: {  	s6 =	sld [smem:$0x3FAC]  }
0x2c: {  	s7 =	sld [smem:$0x3FAD]  }
0x2d: {  	s3 =	simm.s32 $0x108;
	s8 =	sld [smem:$0x3FAE]  }
0x2e: {  	s3 =	simm.s32 @!p0 $0x1082;
	s9 =	sld [smem:$0x3FAF]  }
0x2f: {  	lr =	sadd.s32 s0, s3;
	s0 =	sld [smem:$0x3FA6]  }
0x30: {  	s3 =	sld [smem:$0x3FA9]  }
0x31: {  	[smem:$0x3FB2] =	sst s10  }
0x32: {  	s10 =	sld [smem:$0x3FB0];
	_ =	sdelay $0x3  }
0x33: {  	p0 =	seq.s32 s10, $0x1;
	s10 =	sld [smem:$0x3FB2];
	_ =	sdelay $0x3  }
0x34: {  	[smem:$0x3FB2] =	sst s10  }
0x35: {  	s10 =	sld [smem:$0x3FB1];
	_ =	sdelay $0x3  }
0x36: {  	p1 =	seq.s32 s10, $0x1;
	s10 =	sld [smem:$0x3FB2];
	_ =	sdelay $0x3  }
0x37: {  	[smem:$0x3FB2] =	sst s10  }
0x38: {  	s10 =	sld [smem:$0x3FB3]  }
0x39: {  	_ = 	snop;
	(pc) =	sbr.ind lr, $3  }
0x3a: {  	_ = 	snop  }
0x3b: {  	_ = 	snop  }
0x3c: {  	p2 =	seq.s32 s10, $0x1;
	s10 =	sld [smem:$0x3FB2]  }
0x3d: {  	_ =	shalt  }
0x3e: {  	_ =	shalt  }
0x3f: {  	_ =	shalt  }
0x40: {  	_ =	shalt  }
0x41: {  	_ =	shalt  }
0x42: {  	_ =	shalt  }
0x43: {  	_ =	shalt  }
0x44: {  	_ =	shalt  }
0x45: {  	_ =	shalt  }
0x46: {  	_ =	shalt  }
0x47: {  	_ =	shalt  }
0x48: {  	_ =	shalt  }
0x49: {  	_ =	shalt  }
0x4a: {  	_ =	shalt  }
0x4b: {  	_ =	shalt  }
0x4c: {  	_ =	shalt  }
0x4d: {  	_ =	shalt  }
0x4e: {  	_ =	shalt  }
0x4f: {  	_ =	shalt  }
0x50: {  	_ =	shalt  }
0x51: {  	_ =	shalt  }
0x52: {  	_ =	shalt  }
0x53: {  	_ =	shalt  }
0x54: {  	_ =	shalt  }
0x55: {  	_ =	shalt  }
0x56: {  	_ =	shalt  }
0x57: {  	_ =	shalt  }
0x58: {  	_ =	shalt  }
0x59: {  	_ =	shalt  }
0x5a: {  	_ =	shalt  }
0x5b: {  	_ =	shalt  }
0x5c: {  	_ =	shalt  }
0x5d: {  	_ =	shalt  }
0x5e: {  	_ =	shalt  }
0x5f: {  	_ =	shalt  }
0x60: {  	_ =	shalt  }
0x61: {  	_ =	shalt  }
0x62: {  	_ =	shalt  }
0x63: {  	_ =	shalt  }
0x64: {  	_ =	shalt  }
0x65: {  	_ =	shalt  }
0x66: {  	_ =	shalt  }
0x67: {  	_ =	shalt  }
0x68: {  	_ =	shalt  }
0x69: {  	_ =	shalt  }
0x6a: {  	_ =	shalt  }
0x6b: {  	_ =	shalt  }
0x6c: {  	_ =	shalt  }
0x6d: {  	_ =	shalt  }
0x6e: {  	_ =	shalt  }
0x6f: {  	_ =	shalt  }
0x70: {  	_ =	shalt  }
0x71: {  	_ =	shalt  }
0x72: {  	_ =	shalt  }
0x73: {  	_ =	shalt  }
0x74: {  	_ =	shalt  }
0x75: {  	_ =	shalt  }
0x76: {  	_ =	shalt  }
0x77: {  	_ =	shalt  }
0x78: {  	_ =	shalt  }
0x79: {  	_ =	shalt  }
0x7a: {  	_ =	shalt  }
0x7b: {  	_ =	shalt  }
0x7c: {  	_ =	shalt  }
0x7d: {  	_ =	shalt  }
0x7e: {  	_ =	shalt  }
0x7f: {  	_ =	shalt  }
0x80: {  	_ =	shalt  }
0x81: {  	_ =	shalt  }
0x82: {  	_ =	shalt  }
0x83: {  	_ =	shalt  }
0x84: {  	_ =	shalt  }
0x85: {  	_ =	shalt  }
0x86: {  	_ =	shalt  }
0x87: {  	_ =	shalt  }
.Lfunc_end0:
.L_simem_size_0:
called_computation_lowered:
.L_overlay_start_0:
0x88: {  	s2 =	sld [smem:$0x3FD9]  }
0x89: {  	s3 =	sld [smem:$0x3FFE];
	_ =	sdelay $0x1  }
0x8a: {  	s1 =	srdreg.scid  }
0x8b: {  	s0 =	sand.u32 $0x1, s1  }
0x8c: {  	s17 =	sshll.u32 s0, $0xA;
	s2 =	sadd.s32 s3, s2  }
0x8d: {  	s2 =	sadd.s32 s2, s17  }
0x8e: {  	[smem:$0x3FBE] =	sst s2  }
0x8f: {  	_ = 	snop  }
0x90: {  	(tm) =	ssettm $0x1  }
0x91: {  	s18 =	sld [smem:$0x3FFB];
	_ =	sdelay $0x3  }
0x92: {  	_ =	strace s18  }
0x93: {  	s2 =	sld [smem:$0x3FFC];
	_ =	sdelay $0x3  }
0x94: {  	_ =	strace s2  }
0x95: {  	s2 =	sld [smem:$0x3FFD];
	_ =	sdelay $0x3  }
0x96: {  	_ =	strace s2  }
0x97: {  	_ =	strace $0x8FFFFFFF  }
0x98: {  	s19 =	sld [smem:$0x3FDB];
	_ =	sdelay $0x1  }
0x99: {  	s20 =	simm.s32 $_scs_section_size  }
0x9a: {  	s4 =	simm.s32 $_size__tile_overlayer_lowered;
	s5 =	simm.s32 $_tile_overlayer_lowered  }
0x9b: {  	s6 =	simm.s32 $0x1BFF;
	s21 =	sshll.u32 s5, $0x1;
	s3 =	sadd.s32 s20, s19  }
0x9c: {  	s22 =	simm.s32 $0x0;
	s4 =	sshll.u32 s4, $0x1;
	s5 =	sadd.s32 s21, s3  }
0x9d: {  	[timem:s22], [sflag:s6] =	dma.local [hbm:s5], s4  }
0x9e: {  	_ =	swait.ge [sflag:s6], s4  }
0x9f: {  	s4 =	ssub.s32 $0x0, s4;
	[sflag:s6] =	ssyncset.done $0x0  }
0xa0: {  	[sflag:s6] =	ssyncadd.s32 s4;
	_ =	sdelay $0x1  }
0xa1: {  	s23 =	simm.s32 $0x1B8B  }
0xa2: {  	_ =	swait.ge [sflag:s23], $0x1  }
0xa3: {  	[sflag:s23] =	ssyncset.done $0x0  }
0xa4: {  	[sflag:s23] =	ssyncadd.s32 $0xFFFFFFFF  }
0xa5: {  	s4 =	sld [smem:$0x0]  }
0xa6: {  	s5 =	sand.u32 $0xFFFFFFFE, s1  }
0xa7: {  	p0 =	sne.s32 s1, s5  }
0xa8: {  	s5 =	sshll.u32 @p0 s5, $0xE  }
0xa9: {  	s5 =	sadd.s32 @p0 $0x11B8D, s5;
	s6 =	sshll.u32 @p0 s4, $0x11  }
0xaa: {  	s5 =	sor.u32 @p0 s6, s5  }
0xab: {  	[sflag:s5] =	ssyncadd.remote.s32 @p0 $0x1;
	_ =	sdelay $0x1  }
0xac: {  	s5 =	simm.s32 @p0 $0x1B8D  }
0xad: {  	_ =	swait.eq @p0 [sflag:s5], $0x1  }
0xae: {  	[sflag:s5] =	ssyncadd.s32 @p0 $0xFFFFFFFF  }
0xaf: {  	s6 =	sshll.u32 @!p0 s1, $0xE  }
0xb0: {  	s6 =	sor.u32 @!p0 $0x4000, s6;
	s5 =	simm.s32 @!p0 $0x1B8D  }
0xb1: {  	s4 =	sshll.u32 @!p0 s4, $0x11;
	s6 =	sadd.s32 @!p0 $0x11B8D, s6;
	_ =	swait.eq @!p0 [sflag:s5], $0x1  }
0xb2: {  	s4 =	sor.u32 @!p0 s4, s6;
	[sflag:s5] =	ssyncadd.s32 @!p0 $0xFFFFFFFF  }
0xb3: {  	s25 =	simm.s32 $0x1B8E;
	s24 =	sld [smem:$0x3FFE];
	[sflag:s4] =	ssyncadd.remote.s32 @!p0 $0x1  }
0xb4: {  	s26 =	simm.s32 $execute0_lowered;
	[smem:$0x3FD2] =	sst s25  }
0xb5: {  	s5 =	sshll.u32 s26, $0x1;
	_ =	strace $0x8000004F;
	[dreg:$0x1] =	wrdreg $0xFFFFFFFF  }
0xb6: {  	s28 =	simm.s32 $_size_execute0_lowered;
	s3 =	sadd.s32 s3, s5;
	[dreg:$0x0] =	wrdreg $0x0  }
0xb7: {  	s5 =	sshll.u32 s28, $0x1;
	[dreg:$0x2] =	wrdreg s3  }
0xb8: {  	[dreg:$0x3] =	wrdreg s5  }
0xb9: {  	[dreg:$0x4] =	wrdreg $0xC0  }
0xba: {  	_ =	task [dreg:s22], $0x5FFFF  }
0xbb: {  	[dreg:$0x1] =	wrdreg $0xFFFFFFFF  }
0xbc: {  	[dreg:$0x0] =	wrdreg $0x60  }
0xbd: {  	[dreg:$0x2] =	wrdreg s24  }
0xbe: {  	[dreg:$0x3] =	wrdreg $0x9  }
0xbf: {  	_ =	task.clear_ibuf [dreg:s22], $0x4FFFF;
	_ =	strace $0x9000004F  }
0xc0: {  	s29 =	simm.s32 $0x9;
	_ =	strace $0x80000051  }
0xc1: {  	_ =	swait.ge [sflag:s29], $0x1  }
0xc2: {  	[sflag:s29] =	ssyncadd.s32 $0xFFFFFFFF  }
0xc3: {  	_ =	strace $0x90000051  }
0xc4: {  	_ =	sfence  }
0xc5: {  	s30 =	sld [smem:$0x0];
	_ =	sdelay $0x2  }
0xc6: {  	s31 =	sshll.u32 s1, $0xD;
	s1 =	sshrl.u32 s1, $0x2  }
0xc7: {  	s4 =	sand.u32 $0x4000, s31;
	s1 =	sadd.s32 s1, s30  }
0xc8: {  	s0 =	sor.u32 s4, s0;
	s1 =	sshll.u32 s1, $0x11  }
0xc9: {  	s0 =	sor.u32 s1, s0  }
0xca: {  	s0 =	sadd.s32 $0x8F2B, s0  }
0xcb: {  	[sflag:s0] =	ssyncadd.remote.s32 $0x1  }
0xcc: {  	_ =	sfence.sel $0xFFFF  }
0xcd: {  	[dreg:$0x0] =	wrdreg $0xFFFFFFFF;
	(pc) =	sbr.abs _section_cstart, $3  }
0xce: {  	[dreg:$0x1] =	wrdreg $0xFFFFFFFF  }
0xcf: {  	_ =	task.clear_ibuf [dreg:s22], $0x2FFFF;
	_ =	strace $0x9FFFFFFF  }
0xd0: {  	(tm) =	ssettm $0x7FFFFFFF  }
0xd1: {  	_ =	shalt  }
tec
execute0_lowered:
.L_overlay_start_1:
0x0: {  	(tag) =	ssettag $0x1  }
0x1: {  	s4 =	rddreg [dreg:$0x0]  }
0x2: {  	s0 =	rddreg [dreg:$0x1];
	s1 =	simm.s32 $0x0  }
0x3: {  	s5 =	srdreg.scid;
	s2 =	stileid.u32;
	s9 =	simm.s32 $0x880  }
0x4: {  	s10 =	simm.s32 $0x1080;
	s11 =	simm.s32 $0x1880;
	s12 =	simm.s32 $0x2080  }
0x5: {  	s13 =	simm.s32 $0x2880;
	s14 =	simm.s32 $0x3080;
	s15 =	simm.s32 $0x3880  }
0x6: {  	s16 =	simm.s32 $0x4080;
	s17 =	simm.s32 $0x4880;
	s18 =	simm.s32 $0x5080  }
0x7: {  	s19 =	simm.s32 $0x5880;
	s20 =	simm.s32 $0x6080;
	s21 =	simm.s32 $0x6880  }
0x8: {  	s22 =	simm.s32 $0x7080;
	s23 =	simm.s32 $0x7880;
	s24 =	simm.s32 $0x1  }
0x9: {  	s25 =	simm.s32 $0x0;
	[smem:$0x7FF] =	sst s1;
	s3 =	sadd.s32 $0x326800, s4  }
0xa: {  	s5 =	sand.u32 $0x1, s5;
	s6 =	sshll.u32 s2, $0x8;
	s7 =	sshll.u32 s2, $0x10  }
0xb: {  	_ =	strace $0x80000050;
	s8 =	ssub.s32 $0x2, s5;
	s6 =	sadd.s32 s6, s4  }
0xc: {  	s7 =	sadd.s32 s7, s4;
	s31 =	sshll.u32 s5, $0xF;
	s5 =	sshll.u32 s5, $0x7  }
0xd: {  	v2 =	vlaneseq.u32;
	s30 =	sshrl.u32 s8, $0x1;
	s7 =	sadd.s32 s31, s7;
	s6 =	sadd.s32 s5, s6  }
0xe: {  	vm0 =	vmmov $0xffff;
	v1 =	vshrl.u32 v2, $0x3;
	s4 =	ssub.s32 s8, s30;
	s5 =	sadd.s32 $0x337800, s7;
	s6 =	sadd.s32 $0x336800, s6  }
0xf: {  	v0 =	vand.u32 $0x7, v2;
	v2 =	vor.u32 $0x8, v2;
	v1 =	vmul.u32 $0x8, v1;
	s7 =	simm.s32 $0x2;
	s8 =	simm.s32 $0x80;
	s4 =	smax.u32 s4, $0x1  }
.LBB2_1:
0x10: {  	s26 =	smov.u32 s5;
	s28 =	simm.s32 $0x0  }
.LBB2_2:
0x11: {  	s29 =	sadd.s32 s28, s6  }
0x12: {  	[tilespmem:s1], [sflag:$0x2] =	stream.linear.gather [hbm4b:s29+s1], $0x80, $0x38;
	[tilespmem:$0x8080] =	vst v63  }
0x13: {  	_ =	swait.ge [sflag:s7], $0x80  }
0x14: {  	[sflag:s7] =	ssyncset.done $0x0  }
0x15: {  	[sflag:s7] =	ssyncadd.s32 $0xFFFFFF80  }
0x16: {  	v3 =	vld [tilespmem:$0x0];
	_ =	sdelay $0x4  }
0x17: {  	v4 =	vshll.u32 v3, $0x1  }
0x18: {  	v3 =	vand.u32 $0x7, v3;
	v4 =	vand.u32 $0xFFFFFFF0, v4  }
0x19: {  	v3 =	vor.u32 v3, v4  }
0x1a: {  	v4 =	vperm.xlane v3, v0;
	_ =	sdelay $0x1  }
0x1b: {  	v3 =	vperm.xlane v3, v2;
	v4 =	vadd.s32 v1, v4;
	_ =	sdelay $0x1  }
0x1c: {  	v3 =	vadd.s32 v1, v3;
	_ =	sdelay $0x2  }
0x1d: {  	[tilespmem:s8], [sflag:$0x1] =	stream.indirect_vreg.gather [hbm4b:s3+s1], $0x80, v4, vm0, $0xb8;
	[tilespmem:$0x8080] =	vst v63  }
0x1e: {  	_ = 	snop  }
0x1f: {  	[tilespmem:s9], [sflag:$0x1] =	stream.indirect_vreg.gather [hbm4b:s3+s1], $0x80, v3, vm0, $0xb8;
	[tilespmem:$0x8080] =	vst v63  }
0x20: {  	v3 =	vld [tilespmem:$0x10];
	_ =	sdelay $0x4  }
0x21: {  	v57 =	vshll.u32 v3, $0x1  }
0x22: {  	v3 =	vand.u32 $0x7, v3;
	v4 =	vand.u32 $0xFFFFFFF0, v57  }
0x23: {  	v3 =	vor.u32 v3, v4  }
0x24: {  	v4 =	vperm.xlane v3, v0;
	_ =	sdelay $0x1  }
0x25: {  	v3 =	vperm.xlane v3, v2;
	v4 =	vadd.s32 v1, v4;
	_ =	sdelay $0x1  }
0x26: {  	v3 =	vadd.s32 v1, v3;
	_ =	sdelay $0x2  }
0x27: {  	[tilespmem:s10], [sflag:$0x1] =	stream.indirect_vreg.gather [hbm4b:s3+s1], $0x80, v4, vm0, $0xb8;
	[tilespmem:$0x8080] =	vst v63  }
0x28: {  	_ = 	snop  }
0x29: {  	[tilespmem:s11], [sflag:$0x1] =	stream.indirect_vreg.gather [hbm4b:s3+s1], $0x80, v3, vm0, $0xb8;
	[tilespmem:$0x8080] =	vst v63  }
0x2a: {  	v3 =	vld [tilespmem:$0x20];
	_ =	sdelay $0x4  }
0x2b: {  	v58 =	vshll.u32 v3, $0x1  }
0x2c: {  	v3 =	vand.u32 $0x7, v3;
	v4 =	vand.u32 $0xFFFFFFF0, v58  }
0x2d: {  	v3 =	vor.u32 v3, v4  }
0x2e: {  	v4 =	vperm.xlane v3, v0;
	_ =	sdelay $0x1  }
0x2f: {  	v3 =	vperm.xlane v3, v2;
	v4 =	vadd.s32 v1, v4;
	_ =	sdelay $0x1  }
0x30: {  	v3 =	vadd.s32 v1, v3;
	_ =	sdelay $0x2  }
0x31: {  	[tilespmem:s12], [sflag:$0x1] =	stream.indirect_vreg.gather [hbm4b:s3+s1], $0x80, v4, vm0, $0xb8;
	[tilespmem:$0x8080] =	vst v63  }
0x32: {  	_ = 	snop  }
0x33: {  	[tilespmem:s13], [sflag:$0x1] =	stream.indirect_vreg.gather [hbm4b:s3+s1], $0x80, v3, vm0, $0xb8;
	[tilespmem:$0x8080] =	vst v63  }
0x34: {  	v3 =	vld [tilespmem:$0x30];
	_ =	sdelay $0x4  }
0x35: {  	v59 =	vshll.u32 v3, $0x1  }
0x36: {  	v3 =	vand.u32 $0x7, v3;
	v4 =	vand.u32 $0xFFFFFFF0, v59  }
0x37: {  	v3 =	vor.u32 v3, v4  }
0x38: {  	v4 =	vperm.xlane v3, v0;
	_ =	sdelay $0x1  }
0x39: {  	v3 =	vperm.xlane v3, v2;
	v4 =	vadd.s32 v1, v4;
	_ =	sdelay $0x1  }
0x3a: {  	v3 =	vadd.s32 v1, v3;
	_ =	sdelay $0x2  }
0x3b: {  	[tilespmem:s14], [sflag:$0x1] =	stream.indirect_vreg.gather [hbm4b:s3+s1], $0x80, v4, vm0, $0xb8;
	[tilespmem:$0x8080] =	vst v63  }
0x3c: {  	_ = 	snop  }
0x3d: {  	[tilespmem:s15], [sflag:$0x1] =	stream.indirect_vreg.gather [hbm4b:s3+s1], $0x80, v3, vm0, $0xb8;
	[tilespmem:$0x8080] =	vst v63  }
0x3e: {  	v3 =	vld [tilespmem:$0x40];
	_ =	sdelay $0x4  }
0x3f: {  	v60 =	vshll.u32 v3, $0x1  }
0x40: {  	v3 =	vand.u32 $0x7, v3;
	v4 =	vand.u32 $0xFFFFFFF0, v60  }
0x41: {  	v3 =	vor.u32 v3, v4  }
0x42: {  	v4 =	vperm.xlane v3, v0;
	_ =	sdelay $0x1  }
0x43: {  	v3 =	vperm.xlane v3, v2;
	v4 =	vadd.s32 v1, v4;
	_ =	sdelay $0x1  }
0x44: {  	v3 =	vadd.s32 v1, v3;
	_ =	sdelay $0x2  }
0x45: {  	[tilespmem:s16], [sflag:$0x1] =	stream.indirect_vreg.gather [hbm4b:s3+s1], $0x80, v4, vm0, $0xb8;
	[tilespmem:$0x8080] =	vst v63  }
0x46: {  	_ = 	snop  }
0x47: {  	[tilespmem:s17], [sflag:$0x1] =	stream.indirect_vreg.gather [hbm4b:s3+s1], $0x80, v3, vm0, $0xb8;
	[tilespmem:$0x8080] =	vst v63  }
0x48: {  	v3 =	vld [tilespmem:$0x50];
	_ =	sdelay $0x4  }
0x49: {  	v61 =	vshll.u32 v3, $0x1  }
0x4a: {  	v3 =	vand.u32 $0x7, v3;
	v4 =	vand.u32 $0xFFFFFFF0, v61  }
0x4b: {  	v3 =	vor.u32 v3, v4  }
0x4c: {  	v4 =	vperm.xlane v3, v0;
	_ =	sdelay $0x1  }
0x4d: {  	v3 =	vperm.xlane v3, v2;
	v4 =	vadd.s32 v1, v4;
	_ =	sdelay $0x1  }
0x4e: {  	v3 =	vadd.s32 v1, v3;
	_ =	sdelay $0x2  }
0x4f: {  	[tilespmem:s18], [sflag:$0x1] =	stream.indirect_vreg.gather [hbm4b:s3+s1], $0x80, v4, vm0, $0xb8;
	[tilespmem:$0x8080] =	vst v63  }
0x50: {  	_ = 	snop  }
0x51: {  	[tilespmem:s19], [sflag:$0x1] =	stream.indirect_vreg.gather [hbm4b:s3+s1], $0x80, v3, vm0, $0xb8;
	[tilespmem:$0x8080] =	vst v63  }
0x52: {  	v3 =	vld [tilespmem:$0x60];
	_ =	sdelay $0x4  }
0x53: {  	v62 =	vshll.u32 v3, $0x1  }
0x54: {  	v3 =	vand.u32 $0x7, v3;
	v4 =	vand.u32 $0xFFFFFFF0, v62  }
0x55: {  	v3 =	vor.u32 v3, v4  }
0x56: {  	v4 =	vperm.xlane v3, v0;
	_ =	sdelay $0x1  }
0x57: {  	v3 =	vperm.xlane v3, v2;
	v4 =	vadd.s32 v1, v4;
	_ =	sdelay $0x1  }
0x58: {  	v3 =	vadd.s32 v1, v3;
	_ =	sdelay $0x2  }
0x59: {  	[tilespmem:s20], [sflag:$0x1] =	stream.indirect_vreg.gather [hbm4b:s3+s1], $0x80, v4, vm0, $0xb8;
	[tilespmem:$0x8080] =	vst v63  }
0x5a: {  	_ = 	snop  }
0x5b: {  	[tilespmem:s21], [sflag:$0x1] =	stream.indirect_vreg.gather [hbm4b:s3+s1], $0x80, v3, vm0, $0xb8;
	[tilespmem:$0x8080] =	vst v63  }
0x5c: {  	v3 =	vld [tilespmem:$0x70];
	_ =	sdelay $0x4  }
0x5d: {  	v63 =	vshll.u32 v3, $0x1  }
0x5e: {  	v3 =	vand.u32 $0x7, v3;
	v4 =	vand.u32 $0xFFFFFFF0, v63  }
0x5f: {  	v3 =	vor.u32 v3, v4  }
0x60: {  	v4 =	vperm.xlane v3, v0;
	_ =	sdelay $0x1  }
0x61: {  	v3 =	vperm.xlane v3, v2;
	v4 =	vadd.s32 v1, v4;
	_ =	sdelay $0x1  }
0x62: {  	v3 =	vadd.s32 v1, v3;
	_ =	sdelay $0x2  }
0x63: {  	[tilespmem:s22], [sflag:$0x1] =	stream.indirect_vreg.gather [hbm4b:s3+s1], $0x80, v4, vm0, $0xb8;
	[tilespmem:$0x8080] =	vst v63  }
0x64: {  	_ = 	snop  }
0x65: {  	[tilespmem:s23], [sflag:$0x1] =	stream.indirect_vreg.gather [hbm4b:s3+s1], $0x80, v3, vm0, $0xb8;
	[tilespmem:$0x8080] =	vst v63  }
0x66: {  	_ =	swait.ge [sflag:s24], $0x8000  }
0x67: {  	p0 =	sne.s32 s28, $0x70;
	[sflag:s24] =	ssyncset.done $0x0  }
.Ltmp0:
0x68: {  	[sflag:s24] =	ssyncadd.s32 $0xFFFF8000;
	(pc) =	sbr.rel @p0 .LBB2_2-.Ltmp0, $4  }
0x69: {  	[hbm4b:s26+s1] =	stream.linear.scatter [tilespmem:s8], [sflag:$0x2], $0x8000, $0x38;
	[tilespmem:$0x8080] =	vst v63  }
0x6a: {  	_ =	swait.ge [sflag:s7], $0x8000  }
0x6b: {  	[sflag:s7] =	ssyncset.done $0x0  }
0x6c: {  	s28 =	sadd.s32 $0x10, s28;
	s26 =	sadd.s32 $0x1000, s26;
	[sflag:s7] =	ssyncadd.s32 $0xFFFF8000  }
0x6d: {  	s25 =	sadd.s32 $0x1, s25  }
0x6e: {  	p0 =	sne.s32 s25, s4  }
.Ltmp1:
0x6f: {  	_ = 	snop;
	(pc) =	sbr.rel @p0 .LBB2_1-.Ltmp1, $1  }
0x70: {  	_ =	sdelay $0x3  }
0x71: {  	_ =	sfence.sel $0x180000  }
0x72: {  	[bflag:$0x0] =	sbarrier.arrive $0xFFFF  }
0x73: {  	p0 =	sne.s32 s2, $0x0;
	_ =	strace $0x90000050  }
0x74: {  	s0 =	sadd.s32 @!p0 $0x100000, s0;
	[bflag:$0x2] =	sbarrier.arrive $0xFFFF  }
0x75: {  	[sflag:s0] =	ssyncadd.tile.s32 @!p0 $0x1;
	_ =	shalt  }
.Lfunc_end2:
_tile_overlayer_lowered:
.L_overlay_start_2:
0x76: {  	(tag) =	ssettag $0x2  }
0x77: {  	s0 =	rddreg [dreg:$0x0];
	s2 =	stileid.u32  }
0x78: {  	s1 =	rddreg [dreg:$0x1];
	p0 =	sne.s32 s2, $0x0  }
0x79: {  	s3 =	rddreg [dreg:$0x2];
	[bflag:$0x3] =	sbarrier.arrive $0xFFFF;
	s2 =	simm.s32 @!p0 $0x1C02  }
0x7a: {  	[timem:s3], [sflag:s2] =	dma.local @!p0 [hbm:s0], s1  }
0x7b: {  	s0 =	simm.s32 @!p0 $0x2  }
0x7c: {  	_ =	swait.ge @!p0 [sflag:s0], s1  }
0x7d: {  	s1 =	ssub.s32 @!p0 $0x0, s1;
	[sflag:s0] =	ssyncset.done @!p0 $0x0  }
0x7e: {  	[sflag:s0] =	ssyncadd.s32 @!p0 s1  }
0x7f: {  	[bflag:$0x3] =	sbarrier.arrive $0xFFFF  }
0x80: {  	_ =	shalt  }

// kernel: kernel.26.cloned.1.call-start
scs
__scs_entry_jumppad:
0x0: {  	(pc) =	sbr.rel $0x88, $3  }
0x1: {  	(tag) =	ssettag $0x0;
	lr =	simm.s32 $0x1  }
0x2: {  	[smem:$0x3F97] =	sst lr;
	_ =	strace $0xD0000000  }
0x3: {  	_ = 	snop  }
0x4: {  	_ = 	snop  }
0x5: {  	_ = 	snop  }
0x6: {  	_ = 	snop  }
0x7: {  	_ = 	snop  }
__scs_overlays_trampoline_lowered:
0x8: {  	[smem:$0x3FA6] =	sst s0  }
0x9: {  	[smem:$0x3FA7] =	sst s1  }
0xa: {  	[smem:$0x3FA8] =	sst s2  }
0xb: {  	[smem:$0x3FA9] =	sst s3  }
0xc: {  	[smem:$0x3FAA] =	sst s4  }
0xd: {  	[smem:$0x3FAB] =	sst s5  }
0xe: {  	[smem:$0x3FAC] =	sst s6  }
0xf: {  	[smem:$0x3FAD] =	sst s7  }
0x10: {  	[smem:$0x3FAE] =	sst s8  }
0x11: {  	[smem:$0x3FAF] =	sst s9;
	s0 =	simm.s32 @!p0 $0x0  }
0x12: {  	s1 =	sld [smem:$0x3F95];
	s0 =	simm.s32 @p0 $0x1  }
0x13: {  	[smem:$0x3FB0] =	sst s0;
	s0 =	simm.s32 @!p1 $0x0  }
0x14: {  	s2 =	sld [smem:$0x3F94];
	s0 =	simm.s32 @p1 $0x1  }
0x15: {  	[smem:$0x3FB1] =	sst s0;
	s0 =	simm.s32 @!p2 $0x0  }
0x16: {  	s3 =	sld [smem:$0x3FDB];
	s0 =	simm.s32 @p2 $0x1  }
0x17: {  	s4 =	simm.s32 $0x1BF5;
	[smem:$0x3FB3] =	sst s0  }
0x18: {  	s0 =	sld [smem:$0x3F96];
	_ =	swait.ge [sflag:s4], $0x0  }
0x19: {  	s7 =	sld [smem:$0x3F97]  }
0x1a: {  	s8 =	sadd.s32 $0xFFFFE003, lr  }
0x1b: {  	s9 =	sadd.s32 $0xFFFFFEF7, lr;
	s5 =	simm.s32 $0xFFFFFFFF;
	p2 =	slt.u32 s8, $0xFFFFF086  }
0x1c: {  	p1 =	slt.u32 s9, $0xF7A;
	s5 =	simm.s32 @!p2 $0x0  }
0x1d: {  	s5 =	simm.s32 @p1 $0x1;
	p0 =	seq.s32 s7, s2  }
0x1e: {  	s7 =	smul.u32 @!p0 $0xF7A, s2;
	p2 =	seq.s32 @!p0 s5, $0x0  }
0x1f: {  	s9 =	smul.u32 $0xF7A, s1;
	s8 =	simm.s32 @!p0 $0x1BF5;
	p2 =	por !p2, p0  }
0x20: {  	[sflag:s8] =	ssyncset.s32 @!p0 $0xFFFFF086;
	s6 =	sadd.s32 @!p0 s3, s7;
	s7 =	simm.s32 @!p0 $0x108  }
0x21: {  	s3 =	sadd.s32 s3, s9;
	s6 =	sadd.s32 @!p0 $0x88, s6;
	s7 =	simm.s32 @p2 $0x1082  }
0x22: {  	[simem:s7], [sflag:s8] =	dma.local @!p0 [hbm:s6], $0xF7A  }
0x23: {  	s9 =	sor.u32 $0xD0000000, s2;
	s6 =	simm.s32 $0x108;
	_ =	swait.ge @!p0 [sflag:s8], $0x0  }
0x24: {  	s3 =	sadd.s32 $0x88, s3;
	s6 =	simm.s32 @!p1 $0x1082;
	[sflag:s4] =	ssyncset.s32 $0xFFFFF086  }
0x25: {  	[simem:s6], [sflag:s4] =	dma.local [hbm:s3], $0xF7A  }
0x26: {  	[smem:$0x3F97] =	sst s1;
	(tag) =	ssettag s2;
	_ =	strace s9  }
0x27: {  	s1 =	sld [smem:$0x3FA7]  }
0x28: {  	s2 =	sld [smem:$0x3FA8]  }
0x29: {  	s4 =	sld [smem:$0x3FAA]  }
0x2a: {  	p0 =	seq.s32 s5, $0x0;
	s5 =	sld [smem:$0x3FAB]  }
0x2b: {  	s6 =	sld [smem:$0x3FAC]  }
0x2c: {  	s7 =	sld [smem:$0x3FAD]  }
0x2d: {  	s3 =	simm.s32 $0x108;
	s8 =	sld [smem:$0x3FAE]  }
0x2e: {  	s3 =	simm.s32 @!p0 $0x1082;
	s9 =	sld [smem:$0x3FAF]  }
0x2f: {  	lr =	sadd.s32 s0, s3;
	s0 =	sld [smem:$0x3FA6]  }
0x30: {  	s3 =	sld [smem:$0x3FA9]  }
0x31: {  	[smem:$0x3FB2] =	sst s10  }
0x32: {  	s10 =	sld [smem:$0x3FB0];
	_ =	sdelay $0x3  }
0x33: {  	p0 =	seq.s32 s10, $0x1;
	s10 =	sld [smem:$0x3FB2];
	_ =	sdelay $0x3  }
0x34: {  	[smem:$0x3FB2] =	sst s10  }
0x35: {  	s10 =	sld [smem:$0x3FB1];
	_ =	sdelay $0x3  }
0x36: {  	p1 =	seq.s32 s10, $0x1;
	s10 =	sld [smem:$0x3FB2];
	_ =	sdelay $0x3  }
0x37: {  	[smem:$0x3FB2] =	sst s10  }
0x38: {  	s10 =	sld [smem:$0x3FB3]  }
0x39: {  	_ = 	snop;
	(pc) =	sbr.ind lr, $3  }
0x3a: {  	_ = 	snop  }
0x3b: {  	_ = 	snop  }
0x3c: {  	p2 =	seq.s32 s10, $0x1;
	s10 =	sld [smem:$0x3FB2]  }
0x3d: {  	_ =	shalt  }
0x3e: {  	_ =	shalt  }
0x3f: {  	_ =	shalt  }
0x40: {  	_ =	shalt  }
0x41: {  	_ =	shalt  }
0x42: {  	_ =	shalt  }
0x43: {  	_ =	shalt  }
0x44: {  	_ =	shalt  }
0x45: {  	_ =	shalt  }
0x46: {  	_ =	shalt  }
0x47: {  	_ =	shalt  }
0x48: {  	_ =	shalt  }
0x49: {  	_ =	shalt  }
0x4a: {  	_ =	shalt  }
0x4b: {  	_ =	shalt  }
0x4c: {  	_ =	shalt  }
0x4d: {  	_ =	shalt  }
0x4e: {  	_ =	shalt  }
0x4f: {  	_ =	shalt  }
0x50: {  	_ =	shalt  }
0x51: {  	_ =	shalt  }
0x52: {  	_ =	shalt  }
0x53: {  	_ =	shalt  }
0x54: {  	_ =	shalt  }
0x55: {  	_ =	shalt  }
0x56: {  	_ =	shalt  }
0x57: {  	_ =	shalt  }
0x58: {  	_ =	shalt  }
0x59: {  	_ =	shalt  }
0x5a: {  	_ =	shalt  }
0x5b: {  	_ =	shalt  }
0x5c: {  	_ =	shalt  }
0x5d: {  	_ =	shalt  }
0x5e: {  	_ =	shalt  }
0x5f: {  	_ =	shalt  }
0x60: {  	_ =	shalt  }
0x61: {  	_ =	shalt  }
0x62: {  	_ =	shalt  }
0x63: {  	_ =	shalt  }
0x64: {  	_ =	shalt  }
0x65: {  	_ =	shalt  }
0x66: {  	_ =	shalt  }
0x67: {  	_ =	shalt  }
0x68: {  	_ =	shalt  }
0x69: {  	_ =	shalt  }
0x6a: {  	_ =	shalt  }
0x6b: {  	_ =	shalt  }
0x6c: {  	_ =	shalt  }
0x6d: {  	_ =	shalt  }
0x6e: {  	_ =	shalt  }
0x6f: {  	_ =	shalt  }
0x70: {  	_ =	shalt  }
0x71: {  	_ =	shalt  }
0x72: {  	_ =	shalt  }
0x73: {  	_ =	shalt  }
0x74: {  	_ =	shalt  }
0x75: {  	_ =	shalt  }
0x76: {  	_ =	shalt  }
0x77: {  	_ =	shalt  }
0x78: {  	_ =	shalt  }
0x79: {  	_ =	shalt  }
0x7a: {  	_ =	shalt  }
0x7b: {  	_ =	shalt  }
0x7c: {  	_ =	shalt  }
0x7d: {  	_ =	shalt  }
0x7e: {  	_ =	shalt  }
0x7f: {  	_ =	shalt  }
0x80: {  	_ =	shalt  }
0x81: {  	_ =	shalt  }
0x82: {  	_ =	shalt  }
0x83: {  	_ =	shalt  }
0x84: {  	_ =	shalt  }
0x85: {  	_ =	shalt  }
0x86: {  	_ =	shalt  }
0x87: {  	_ =	shalt  }
.Lfunc_end0:
.L_simem_size_0:
called_computation.1_lowered:
.L_overlay_start_0:
0x88: {  	s2 =	sld [smem:$0x3FD9]  }
0x89: {  	s3 =	sld [smem:$0x3FFE];
	_ =	sdelay $0x1  }
0x8a: {  	s1 =	srdreg.scid  }
0x8b: {  	s0 =	sand.u32 $0x1, s1  }
0x8c: {  	s17 =	sshll.u32 s0, $0xA;
	s2 =	sadd.s32 s3, s2  }
0x8d: {  	s2 =	sadd.s32 s2, s17  }
0x8e: {  	[smem:$0x3FBE] =	sst s2  }
0x8f: {  	_ = 	snop  }
0x90: {  	s2 =	sld [smem:$0x3FD0];
	(tm) =	ssettm $0x1  }
0x91: {  	s18 =	sld [smem:$0x3FFB];
	_ =	sdelay $0x3  }
0x92: {  	_ =	strace s18  }
0x93: {  	s3 =	sld [smem:$0x3FFC];
	_ =	sdelay $0x3  }
0x94: {  	_ =	strace s3  }
0x95: {  	s3 =	sld [smem:$0x3FFD];
	_ =	sdelay $0x3  }
0x96: {  	_ =	strace s3  }
0x97: {  	_ =	strace $0x8FFFFFFF  }
0x98: {  	s19 =	sld [smem:$0x3FDB];
	_ =	sdelay $0x1  }
0x99: {  	s4 =	simm.s32 $_scs_section_size  }
0x9a: {  	s5 =	simm.s32 $_size__tile_overlayer_lowered;
	s6 =	simm.s32 $_tile_overlayer_lowered  }
0x9b: {  	s22 =	simm.s32 $0x1BFF;
	s21 =	sshll.u32 s6, $0x1;
	s3 =	sadd.s32 s4, s19  }
0x9c: {  	s7 =	simm.s32 $0x0;
	s20 =	sshll.u32 s5, $0x1;
	s5 =	sadd.s32 s21, s3  }
0x9d: {  	[timem:s7], [sflag:s22] =	dma.local [hbm:s5], s20  }
0x9e: {  	_ =	swait.ge [sflag:s22], s20  }
0x9f: {  	s4 =	ssub.s32 $0x0, s20;
	[sflag:s22] =	ssyncset.done $0x0  }
0xa0: {  	[sflag:s22] =	ssyncadd.s32 s4;
	_ =	sdelay $0x1  }
0xa1: {  	s23 =	simm.s32 $0x1B8B  }
0xa2: {  	_ =	swait.ge [sflag:s23], $0x1  }
0xa3: {  	[sflag:s23] =	ssyncset.done $0x0  }
0xa4: {  	s25 =	simm.s32 $0x1B8E;
	s24 =	sld [smem:$0x3FFE];
	[sflag:s23] =	ssyncadd.s32 $0xFFFFFFFF  }
0xa5: {  	s26 =	simm.s32 $execute0_lowered;
	[smem:$0x3FD2] =	sst s25  }
0xa6: {  	s5 =	sshll.u32 s26, $0x1;
	_ =	strace $0x80000046;
	[dreg:$0x1] =	wrdreg $0xFFFFFFFF  }
0xa7: {  	s28 =	simm.s32 $_size_execute0_lowered;
	s3 =	sadd.s32 s3, s5;
	[dreg:$0x0] =	wrdreg $0x0  }
0xa8: {  	s5 =	sshll.u32 s28, $0x1;
	[dreg:$0x2] =	wrdreg s3  }
0xa9: {  	[dreg:$0x3] =	wrdreg s5  }
0xaa: {  	[dreg:$0x4] =	wrdreg $0xC0  }
0xab: {  	_ =	task [dreg:s7], $0x5FFFF  }
0xac: {  	[dreg:$0x1] =	wrdreg $0xFFFFFFFF  }
0xad: {  	[dreg:$0x0] =	wrdreg $0x60  }
0xae: {  	[dreg:$0x2] =	wrdreg s2  }
0xaf: {  	[dreg:$0x3] =	wrdreg s24  }
0xb0: {  	[dreg:$0x4] =	wrdreg $0xA  }
0xb1: {  	_ =	task.clear_ibuf [dreg:s7], $0x5FFFF;
	_ =	strace $0x90000046  }
0xb2: {  	s29 =	simm.s32 $0xA;
	_ =	strace $0x80000048  }
0xb3: {  	_ =	swait.ge [sflag:s29], $0x1  }
0xb4: {  	[sflag:s29] =	ssyncadd.s32 $0xFFFFFFFF  }
0xb5: {  	_ =	strace $0x90000048  }
0xb6: {  	_ =	sfence  }
0xb7: {  	s30 =	sld [smem:$0x0];
	_ =	sdelay $0x2  }
0xb8: {  	s31 =	sshll.u32 s1, $0xD;
	s1 =	sshrl.u32 s1, $0x2  }
0xb9: {  	s3 =	sand.u32 $0x4000, s31;
	s1 =	sadd.s32 s1, s30  }
0xba: {  	s0 =	sor.u32 s3, s0;
	s1 =	sshll.u32 s1, $0x11  }
0xbb: {  	s0 =	sor.u32 s1, s0  }
0xbc: {  	s0 =	sadd.s32 $0x8F2B, s0  }
0xbd: {  	[sflag:s0] =	ssyncadd.remote.s32 $0x1  }
0xbe: {  	_ =	sfence.sel $0xFFFF  }
0xbf: {  	[dreg:$0x0] =	wrdreg $0xFFFFFFFF;
	(pc) =	sbr.abs _section_cstart, $3  }
0xc0: {  	[dreg:$0x1] =	wrdreg $0xFFFFFFFF  }
0xc1: {  	_ =	task.clear_ibuf [dreg:s7], $0x2FFFF;
	_ =	strace $0x9FFFFFFF  }
0xc2: {  	(tm) =	ssettm $0x7FFFFFFF  }
0xc3: {  	_ =	shalt  }
tec
execute0_lowered:
.L_overlay_start_1:
0x0: {  	(tag) =	ssettag $0x1  }
0x1: {  	s1 =	rddreg [dreg:$0x0]  }
0x2: {  	s4 =	rddreg [dreg:$0x1]  }
0x3: {  	s0 =	rddreg [dreg:$0x2]  }
0x4: {  	s3 =	simm.s32 $0x0;
	s5 =	srdreg.scid;
	s2 =	stileid.u32  }
0x5: {  	s9 =	simm.s32 $0x880;
	s10 =	simm.s32 $0x1080;
	s11 =	simm.s32 $0x1880  }
0x6: {  	s12 =	simm.s32 $0x2080;
	s13 =	simm.s32 $0x2880;
	s14 =	simm.s32 $0x3080  }
0x7: {  	s15 =	simm.s32 $0x3880;
	s16 =	simm.s32 $0x4080;
	s17 =	simm.s32 $0x4880  }
0x8: {  	s18 =	simm.s32 $0x5080;
	s19 =	simm.s32 $0x5880;
	s20 =	simm.s32 $0x6080  }
0x9: {  	s21 =	simm.s32 $0x6880;
	s22 =	simm.s32 $0x7080;
	s23 =	simm.s32 $0x7880  }
0xa: {  	s24 =	simm.s32 $0x1;
	s25 =	simm.s32 $0x0;
	[smem:$0x7FF] =	sst s3  }
0xb: {  	s5 =	sand.u32 $0x1, s5;
	s6 =	sshll.u32 s2, $0x8;
	s7 =	sshll.u32 s2, $0x10  }
0xc: {  	_ =	strace $0x80000047;
	s8 =	ssub.s32 $0x2, s5;
	s6 =	sadd.s32 s6, s4  }
0xd: {  	s7 =	sadd.s32 s7, s4;
	s31 =	sshll.u32 s5, $0xF;
	s5 =	sshll.u32 s5, $0x7  }
0xe: {  	v2 =	vlaneseq.u32;
	s30 =	sshrl.u32 s8, $0x1;
	s7 =	sadd.s32 s31, s7;
	s6 =	sadd.s32 s5, s6  }
0xf: {  	vm0 =	vmmov $0xffff;
	v1 =	vshrl.u32 v2, $0x3;
	s4 =	ssub.s32 s8, s30;
	s5 =	sadd.s32 $0x24800, s7;
	s6 =	sadd.s32 $0x3800, s6  }
0x10: {  	v0 =	vand.u32 $0x7, v2;
	v2 =	vor.u32 $0x8, v2;
	v1 =	vmul.u32 $0x8, v1;
	s7 =	simm.s32 $0x2;
	s8 =	simm.s32 $0x80;
	s4 =	smax.u32 s4, $0x1  }
.LBB2_1:
0x11: {  	s26 =	smov.u32 s5;
	s28 =	simm.s32 $0x0  }
.LBB2_2:
0x12: {  	s29 =	sadd.s32 s28, s6  }
0x13: {  	[tilespmem:s3], [sflag:$0x2] =	stream.linear.gather [hbm4b:s29+s3], $0x80, $0x38;
	[tilespmem:$0x8080] =	vst v63  }
0x14: {  	_ =	swait.ge [sflag:s7], $0x80  }
0x15: {  	[sflag:s7] =	ssyncset.done $0x0  }
0x16: {  	[sflag:s7] =	ssyncadd.s32 $0xFFFFFF80  }
0x17: {  	v3 =	vld [tilespmem:$0x0];
	_ =	sdelay $0x4  }
0x18: {  	v4 =	vshll.u32 v3, $0x1  }
0x19: {  	v3 =	vand.u32 $0x7, v3;
	v4 =	vand.u32 $0xFFFFFFF0, v4  }
0x1a: {  	v3 =	vor.u32 v3, v4  }
0x1b: {  	v4 =	vperm.xlane v3, v0;
	_ =	sdelay $0x1  }
0x1c: {  	v3 =	vperm.xlane v3, v2;
	v4 =	vadd.s32 v1, v4;
	_ =	sdelay $0x1  }
0x1d: {  	v3 =	vadd.s32 v1, v3;
	_ =	sdelay $0x2  }
0x1e: {  	[tilespmem:s8], [sflag:$0x1] =	stream.indirect_vreg.gather [hbm4b:s1+s3], $0x80, v4, vm0, $0xb8;
	[tilespmem:$0x8080] =	vst v63  }
0x1f: {  	_ = 	snop  }
0x20: {  	[tilespmem:s9], [sflag:$0x1] =	stream.indirect_vreg.gather [hbm4b:s1+s3], $0x80, v3, vm0, $0xb8;
	[tilespmem:$0x8080] =	vst v63  }
0x21: {  	v3 =	vld [tilespmem:$0x10];
	_ =	sdelay $0x4  }
0x22: {  	v57 =	vshll.u32 v3, $0x1  }
0x23: {  	v3 =	vand.u32 $0x7, v3;
	v4 =	vand.u32 $0xFFFFFFF0, v57  }
0x24: {  	v3 =	vor.u32 v3, v4  }
0x25: {  	v4 =	vperm.xlane v3, v0;
	_ =	sdelay $0x1  }
0x26: {  	v3 =	vperm.xlane v3, v2;
	v4 =	vadd.s32 v1, v4;
	_ =	sdelay $0x1  }
0x27: {  	v3 =	vadd.s32 v1, v3;
	_ =	sdelay $0x2  }
0x28: {  	[tilespmem:s10], [sflag:$0x1] =	stream.indirect_vreg.gather [hbm4b:s1+s3], $0x80, v4, vm0, $0xb8;
	[tilespmem:$0x8080] =	vst v63  }
0x29: {  	_ = 	snop  }
0x2a: {  	[tilespmem:s11], [sflag:$0x1] =	stream.indirect_vreg.gather [hbm4b:s1+s3], $0x80, v3, vm0, $0xb8;
	[tilespmem:$0x8080] =	vst v63  }
0x2b: {  	v3 =	vld [tilespmem:$0x20];
	_ =	sdelay $0x4  }
0x2c: {  	v58 =	vshll.u32 v3, $0x1  }
0x2d: {  	v3 =	vand.u32 $0x7, v3;
	v4 =	vand.u32 $0xFFFFFFF0, v58  }
0x2e: {  	v3 =	vor.u32 v3, v4  }
0x2f: {  	v4 =	vperm.xlane v3, v0;
	_ =	sdelay $0x1  }
0x30: {  	v3 =	vperm.xlane v3, v2;
	v4 =	vadd.s32 v1, v4;
	_ =	sdelay $0x1  }
0x31: {  	v3 =	vadd.s32 v1, v3;
	_ =	sdelay $0x2  }
0x32: {  	[tilespmem:s12], [sflag:$0x1] =	stream.indirect_vreg.gather [hbm4b:s1+s3], $0x80, v4, vm0, $0xb8;
	[tilespmem:$0x8080] =	vst v63  }
0x33: {  	_ = 	snop  }
0x34: {  	[tilespmem:s13], [sflag:$0x1] =	stream.indirect_vreg.gather [hbm4b:s1+s3], $0x80, v3, vm0, $0xb8;
	[tilespmem:$0x8080] =	vst v63  }
0x35: {  	v3 =	vld [tilespmem:$0x30];
	_ =	sdelay $0x4  }
0x36: {  	v59 =	vshll.u32 v3, $0x1  }
0x37: {  	v3 =	vand.u32 $0x7, v3;
	v4 =	vand.u32 $0xFFFFFFF0, v59  }
0x38: {  	v3 =	vor.u32 v3, v4  }
0x39: {  	v4 =	vperm.xlane v3, v0;
	_ =	sdelay $0x1  }
0x3a: {  	v3 =	vperm.xlane v3, v2;
	v4 =	vadd.s32 v1, v4;
	_ =	sdelay $0x1  }
0x3b: {  	v3 =	vadd.s32 v1, v3;
	_ =	sdelay $0x2  }
0x3c: {  	[tilespmem:s14], [sflag:$0x1] =	stream.indirect_vreg.gather [hbm4b:s1+s3], $0x80, v4, vm0, $0xb8;
	[tilespmem:$0x8080] =	vst v63  }
0x3d: {  	_ = 	snop  }
0x3e: {  	[tilespmem:s15], [sflag:$0x1] =	stream.indirect_vreg.gather [hbm4b:s1+s3], $0x80, v3, vm0, $0xb8;
	[tilespmem:$0x8080] =	vst v63  }
0x3f: {  	v3 =	vld [tilespmem:$0x40];
	_ =	sdelay $0x4  }
0x40: {  	v60 =	vshll.u32 v3, $0x1  }
0x41: {  	v3 =	vand.u32 $0x7, v3;
	v4 =	vand.u32 $0xFFFFFFF0, v60  }
0x42: {  	v3 =	vor.u32 v3, v4  }
0x43: {  	v4 =	vperm.xlane v3, v0;
	_ =	sdelay $0x1  }
0x44: {  	v3 =	vperm.xlane v3, v2;
	v4 =	vadd.s32 v1, v4;
	_ =	sdelay $0x1  }
0x45: {  	v3 =	vadd.s32 v1, v3;
	_ =	sdelay $0x2  }
0x46: {  	[tilespmem:s16], [sflag:$0x1] =	stream.indirect_vreg.gather [hbm4b:s1+s3], $0x80, v4, vm0, $0xb8;
	[tilespmem:$0x8080] =	vst v63  }
0x47: {  	_ = 	snop  }
0x48: {  	[tilespmem:s17], [sflag:$0x1] =	stream.indirect_vreg.gather [hbm4b:s1+s3], $0x80, v3, vm0, $0xb8;
	[tilespmem:$0x8080] =	vst v63  }
0x49: {  	v3 =	vld [tilespmem:$0x50];
	_ =	sdelay $0x4  }
0x4a: {  	v61 =	vshll.u32 v3, $0x1  }
0x4b: {  	v3 =	vand.u32 $0x7, v3;
	v4 =	vand.u32 $0xFFFFFFF0, v61  }
0x4c: {  	v3 =	vor.u32 v3, v4  }
0x4d: {  	v4 =	vperm.xlane v3, v0;
	_ =	sdelay $0x1  }
0x4e: {  	v3 =	vperm.xlane v3, v2;
	v4 =	vadd.s32 v1, v4;
	_ =	sdelay $0x1  }
0x4f: {  	v3 =	vadd.s32 v1, v3;
	_ =	sdelay $0x2  }
0x50: {  	[tilespmem:s18], [sflag:$0x1] =	stream.indirect_vreg.gather [hbm4b:s1+s3], $0x80, v4, vm0, $0xb8;
	[tilespmem:$0x8080] =	vst v63  }
0x51: {  	_ = 	snop  }
0x52: {  	[tilespmem:s19], [sflag:$0x1] =	stream.indirect_vreg.gather [hbm4b:s1+s3], $0x80, v3, vm0, $0xb8;
	[tilespmem:$0x8080] =	vst v63  }
0x53: {  	v3 =	vld [tilespmem:$0x60];
	_ =	sdelay $0x4  }
0x54: {  	v62 =	vshll.u32 v3, $0x1  }
0x55: {  	v3 =	vand.u32 $0x7, v3;
	v4 =	vand.u32 $0xFFFFFFF0, v62  }
0x56: {  	v3 =	vor.u32 v3, v4  }
0x57: {  	v4 =	vperm.xlane v3, v0;
	_ =	sdelay $0x1  }
0x58: {  	v3 =	vperm.xlane v3, v2;
	v4 =	vadd.s32 v1, v4;
	_ =	sdelay $0x1  }
0x59: {  	v3 =	vadd.s32 v1, v3;
	_ =	sdelay $0x2  }
0x5a: {  	[tilespmem:s20], [sflag:$0x1] =	stream.indirect_vreg.gather [hbm4b:s1+s3], $0x80, v4, vm0, $0xb8;
	[tilespmem:$0x8080] =	vst v63  }
0x5b: {  	_ = 	snop  }
0x5c: {  	[tilespmem:s21], [sflag:$0x1] =	stream.indirect_vreg.gather [hbm4b:s1+s3], $0x80, v3, vm0, $0xb8;
	[tilespmem:$0x8080] =	vst v63  }
0x5d: {  	v3 =	vld [tilespmem:$0x70];
	_ =	sdelay $0x4  }
0x5e: {  	v63 =	vshll.u32 v3, $0x1  }
0x5f: {  	v3 =	vand.u32 $0x7, v3;
	v4 =	vand.u32 $0xFFFFFFF0, v63  }
0x60: {  	v3 =	vor.u32 v3, v4  }
0x61: {  	v4 =	vperm.xlane v3, v0;
	_ =	sdelay $0x1  }
0x62: {  	v3 =	vperm.xlane v3, v2;
	v4 =	vadd.s32 v1, v4;
	_ =	sdelay $0x1  }
0x63: {  	v3 =	vadd.s32 v1, v3;
	_ =	sdelay $0x2  }
0x64: {  	[tilespmem:s22], [sflag:$0x1] =	stream.indirect_vreg.gather [hbm4b:s1+s3], $0x80, v4, vm0, $0xb8;
	[tilespmem:$0x8080] =	vst v63  }
0x65: {  	_ = 	snop  }
0x66: {  	[tilespmem:s23], [sflag:$0x1] =	stream.indirect_vreg.gather [hbm4b:s1+s3], $0x80, v3, vm0, $0xb8;
	[tilespmem:$0x8080] =	vst v63  }
0x67: {  	_ =	swait.ge [sflag:s24], $0x8000  }
0x68: {  	p0 =	sne.s32 s28, $0x70;
	[sflag:s24] =	ssyncset.done $0x0  }
.Ltmp0:
0x69: {  	[sflag:s24] =	ssyncadd.s32 $0xFFFF8000;
	(pc) =	sbr.rel @p0 .LBB2_2-.Ltmp0, $4  }
0x6a: {  	[hbm4b:s26+s3] =	stream.linear.scatter [tilespmem:s8], [sflag:$0x2], $0x8000, $0x38;
	[tilespmem:$0x8080] =	vst v63  }
0x6b: {  	_ =	swait.ge [sflag:s7], $0x8000  }
0x6c: {  	[sflag:s7] =	ssyncset.done $0x0  }
0x6d: {  	s28 =	sadd.s32 $0x10, s28;
	s26 =	sadd.s32 $0x1000, s26;
	[sflag:s7] =	ssyncadd.s32 $0xFFFF8000  }
0x6e: {  	s25 =	sadd.s32 $0x1, s25  }
0x6f: {  	p0 =	sne.s32 s25, s4  }
.Ltmp1:
0x70: {  	_ = 	snop;
	(pc) =	sbr.rel @p0 .LBB2_1-.Ltmp1, $1  }
0x71: {  	_ =	sdelay $0x3  }
0x72: {  	_ =	sfence.sel $0x180000  }
0x73: {  	[bflag:$0x0] =	sbarrier.arrive $0xFFFF  }
0x74: {  	p0 =	sne.s32 s2, $0x0;
	_ =	strace $0x90000047  }
0x75: {  	s0 =	sadd.s32 @!p0 $0x100000, s0;
	[bflag:$0x2] =	sbarrier.arrive $0xFFFF  }
0x76: {  	[sflag:s0] =	ssyncadd.tile.s32 @!p0 $0x1;
	_ =	shalt  }
.Lfunc_end2:
_tile_overlayer_lowered:
.L_overlay_start_2:
0x77: {  	(tag) =	ssettag $0x2  }
0x78: {  	s0 =	rddreg [dreg:$0x0];
	s2 =	stileid.u32  }
0x79: {  	s1 =	rddreg [dreg:$0x1];
	p0 =	sne.s32 s2, $0x0  }
0x7a: {  	s3 =	rddreg [dreg:$0x2];
	[bflag:$0x3] =	sbarrier.arrive $0xFFFF;
	s2 =	simm.s32 @!p0 $0x1C02  }
0x7b: {  	[timem:s3], [sflag:s2] =	dma.local @!p0 [hbm:s0], s1  }
0x7c: {  	s0 =	simm.s32 @!p0 $0x2  }
0x7d: {  	_ =	swait.ge @!p0 [sflag:s0], s1  }
0x7e: {  	s1 =	ssub.s32 @!p0 $0x0, s1;
	[sflag:s0] =	ssyncset.done @!p0 $0x0  }
0x7f: {  	[sflag:s0] =	ssyncadd.s32 @!p0 s1  }
0x80: {  	[bflag:$0x3] =	sbarrier.arrive $0xFFFF  }
0x81: {  	_ =	shalt  }

// kernel: kernel.29.cloned.1.call-start
scs
__scs_entry_jumppad:
0x0: {  	(pc) =	sbr.rel $0x88, $3  }
0x1: {  	(tag) =	ssettag $0x0;
	lr =	simm.s32 $0x1  }
0x2: {  	[smem:$0x3F97] =	sst lr;
	_ =	strace $0xD0000000  }
0x3: {  	_ = 	snop  }
0x4: {  	_ = 	snop  }
0x5: {  	_ = 	snop  }
0x6: {  	_ = 	snop  }
0x7: {  	_ = 	snop  }
__scs_overlays_trampoline_lowered:
0x8: {  	[smem:$0x3FA6] =	sst s0  }
0x9: {  	[smem:$0x3FA7] =	sst s1  }
0xa: {  	[smem:$0x3FA8] =	sst s2  }
0xb: {  	[smem:$0x3FA9] =	sst s3  }
0xc: {  	[smem:$0x3FAA] =	sst s4  }
0xd: {  	[smem:$0x3FAB] =	sst s5  }
0xe: {  	[smem:$0x3FAC] =	sst s6  }
0xf: {  	[smem:$0x3FAD] =	sst s7  }
0x10: {  	[smem:$0x3FAE] =	sst s8  }
0x11: {  	[smem:$0x3FAF] =	sst s9;
	s0 =	simm.s32 @!p0 $0x0  }
0x12: {  	s1 =	sld [smem:$0x3F95];
	s0 =	simm.s32 @p0 $0x1  }
0x13: {  	[smem:$0x3FB0] =	sst s0;
	s0 =	simm.s32 @!p1 $0x0  }
0x14: {  	s2 =	sld [smem:$0x3F94];
	s0 =	simm.s32 @p1 $0x1  }
0x15: {  	[smem:$0x3FB1] =	sst s0;
	s0 =	simm.s32 @!p2 $0x0  }
0x16: {  	s3 =	sld [smem:$0x3FDB];
	s0 =	simm.s32 @p2 $0x1  }
0x17: {  	s4 =	simm.s32 $0x1BF5;
	[smem:$0x3FB3] =	sst s0  }
0x18: {  	s0 =	sld [smem:$0x3F96];
	_ =	swait.ge [sflag:s4], $0x0  }
0x19: {  	s7 =	sld [smem:$0x3F97]  }
0x1a: {  	s8 =	sadd.s32 $0xFFFFE003, lr  }
0x1b: {  	s9 =	sadd.s32 $0xFFFFFEF7, lr;
	s5 =	simm.s32 $0xFFFFFFFF;
	p2 =	slt.u32 s8, $0xFFFFF086  }
0x1c: {  	p1 =	slt.u32 s9, $0xF7A;
	s5 =	simm.s32 @!p2 $0x0  }
0x1d: {  	s5 =	simm.s32 @p1 $0x1;
	p0 =	seq.s32 s7, s2  }
0x1e: {  	s7 =	smul.u32 @!p0 $0xF7A, s2;
	p2 =	seq.s32 @!p0 s5, $0x0  }
0x1f: {  	s9 =	smul.u32 $0xF7A, s1;
	s8 =	simm.s32 @!p0 $0x1BF5;
	p2 =	por !p2, p0  }
0x20: {  	[sflag:s8] =	ssyncset.s32 @!p0 $0xFFFFF086;
	s6 =	sadd.s32 @!p0 s3, s7;
	s7 =	simm.s32 @!p0 $0x108  }
0x21: {  	s3 =	sadd.s32 s3, s9;
	s6 =	sadd.s32 @!p0 $0x88, s6;
	s7 =	simm.s32 @p2 $0x1082  }
0x22: {  	[simem:s7], [sflag:s8] =	dma.local @!p0 [hbm:s6], $0xF7A  }
0x23: {  	s9 =	sor.u32 $0xD0000000, s2;
	s6 =	simm.s32 $0x108;
	_ =	swait.ge @!p0 [sflag:s8], $0x0  }
0x24: {  	s3 =	sadd.s32 $0x88, s3;
	s6 =	simm.s32 @!p1 $0x1082;
	[sflag:s4] =	ssyncset.s32 $0xFFFFF086  }
0x25: {  	[simem:s6], [sflag:s4] =	dma.local [hbm:s3], $0xF7A  }
0x26: {  	[smem:$0x3F97] =	sst s1;
	(tag) =	ssettag s2;
	_ =	strace s9  }
0x27: {  	s1 =	sld [smem:$0x3FA7]  }
0x28: {  	s2 =	sld [smem:$0x3FA8]  }
0x29: {  	s4 =	sld [smem:$0x3FAA]  }
0x2a: {  	p0 =	seq.s32 s5, $0x0;
	s5 =	sld [smem:$0x3FAB]  }
0x2b: {  	s6 =	sld [smem:$0x3FAC]  }
0x2c: {  	s7 =	sld [smem:$0x3FAD]  }
0x2d: {  	s3 =	simm.s32 $0x108;
	s8 =	sld [smem:$0x3FAE]  }
0x2e: {  	s3 =	simm.s32 @!p0 $0x1082;
	s9 =	sld [smem:$0x3FAF]  }
0x2f: {  	lr =	sadd.s32 s0, s3;
	s0 =	sld [smem:$0x3FA6]  }
0x30: {  	s3 =	sld [smem:$0x3FA9]  }
0x31: {  	[smem:$0x3FB2] =	sst s10  }
0x32: {  	s10 =	sld [smem:$0x3FB0];
	_ =	sdelay $0x3  }
0x33: {  	p0 =	seq.s32 s10, $0x1;
	s10 =	sld [smem:$0x3FB2];
	_ =	sdelay $0x3  }
0x34: {  	[smem:$0x3FB2] =	sst s10  }
0x35: {  	s10 =	sld [smem:$0x3FB1];
	_ =	sdelay $0x3  }
0x36: {  	p1 =	seq.s32 s10, $0x1;
	s10 =	sld [smem:$0x3FB2];
	_ =	sdelay $0x3  }
0x37: {  	[smem:$0x3FB2] =	sst s10  }
0x38: {  	s10 =	sld [smem:$0x3FB3]  }
0x39: {  	_ = 	snop;
	(pc) =	sbr.ind lr, $3  }
0x3a: {  	_ = 	snop  }
0x3b: {  	_ = 	snop  }
0x3c: {  	p2 =	seq.s32 s10, $0x1;
	s10 =	sld [smem:$0x3FB2]  }
0x3d: {  	_ =	shalt  }
0x3e: {  	_ =	shalt  }
0x3f: {  	_ =	shalt  }
0x40: {  	_ =	shalt  }
0x41: {  	_ =	shalt  }
0x42: {  	_ =	shalt  }
0x43: {  	_ =	shalt  }
0x44: {  	_ =	shalt  }
0x45: {  	_ =	shalt  }
0x46: {  	_ =	shalt  }
0x47: {  	_ =	shalt  }
0x48: {  	_ =	shalt  }
0x49: {  	_ =	shalt  }
0x4a: {  	_ =	shalt  }
0x4b: {  	_ =	shalt  }
0x4c: {  	_ =	shalt  }
0x4d: {  	_ =	shalt  }
0x4e: {  	_ =	shalt  }
0x4f: {  	_ =	shalt  }
0x50: {  	_ =	shalt  }
0x51: {  	_ =	shalt  }
0x52: {  	_ =	shalt  }
0x53: {  	_ =	shalt  }
0x54: {  	_ =	shalt  }
0x55: {  	_ =	shalt  }
0x56: {  	_ =	shalt  }
0x57: {  	_ =	shalt  }
0x58: {  	_ =	shalt  }
0x59: {  	_ =	shalt  }
0x5a: {  	_ =	shalt  }
0x5b: {  	_ =	shalt  }
0x5c: {  	_ =	shalt  }
0x5d: {  	_ =	shalt  }
0x5e: {  	_ =	shalt  }
0x5f: {  	_ =	shalt  }
0x60: {  	_ =	shalt  }
0x61: {  	_ =	shalt  }
0x62: {  	_ =	shalt  }
0x63: {  	_ =	shalt  }
0x64: {  	_ =	shalt  }
0x65: {  	_ =	shalt  }
0x66: {  	_ =	shalt  }
0x67: {  	_ =	shalt  }
0x68: {  	_ =	shalt  }
0x69: {  	_ =	shalt  }
0x6a: {  	_ =	shalt  }
0x6b: {  	_ =	shalt  }
0x6c: {  	_ =	shalt  }
0x6d: {  	_ =	shalt  }
0x6e: {  	_ =	shalt  }
0x6f: {  	_ =	shalt  }
0x70: {  	_ =	shalt  }
0x71: {  	_ =	shalt  }
0x72: {  	_ =	shalt  }
0x73: {  	_ =	shalt  }
0x74: {  	_ =	shalt  }
0x75: {  	_ =	shalt  }
0x76: {  	_ =	shalt  }
0x77: {  	_ =	shalt  }
0x78: {  	_ =	shalt  }
0x79: {  	_ =	shalt  }
0x7a: {  	_ =	shalt  }
0x7b: {  	_ =	shalt  }
0x7c: {  	_ =	shalt  }
0x7d: {  	_ =	shalt  }
0x7e: {  	_ =	shalt  }
0x7f: {  	_ =	shalt  }
0x80: {  	_ =	shalt  }
0x81: {  	_ =	shalt  }
0x82: {  	_ =	shalt  }
0x83: {  	_ =	shalt  }
0x84: {  	_ =	shalt  }
0x85: {  	_ =	shalt  }
0x86: {  	_ =	shalt  }
0x87: {  	_ =	shalt  }
.Lfunc_end0:
.L_simem_size_0:
called_computation.2_lowered:
.L_overlay_start_0:
0x88: {  	s2 =	sld [smem:$0x3FD9]  }
0x89: {  	s3 =	sld [smem:$0x3FFE];
	_ =	sdelay $0x1  }
0x8a: {  	s1 =	srdreg.scid  }
0x8b: {  	s0 =	sand.u32 $0x1, s1  }
0x8c: {  	s17 =	sshll.u32 s0, $0xA;
	s2 =	sadd.s32 s3, s2  }
0x8d: {  	s2 =	sadd.s32 s2, s17  }
0x8e: {  	[smem:$0x3FBE] =	sst s2  }
0x8f: {  	_ = 	snop  }
0x90: {  	(tm) =	ssettm $0x1  }
0x91: {  	s18 =	sld [smem:$0x3FFB];
	_ =	sdelay $0x3  }
0x92: {  	_ =	strace s18  }
0x93: {  	s2 =	sld [smem:$0x3FFC];
	_ =	sdelay $0x3  }
0x94: {  	_ =	strace s2  }
0x95: {  	s2 =	sld [smem:$0x3FFD];
	_ =	sdelay $0x3  }
0x96: {  	_ =	strace s2  }
0x97: {  	_ =	strace $0x8FFFFFFF  }
0x98: {  	s19 =	sld [smem:$0x3FDB];
	_ =	sdelay $0x1  }
0x99: {  	s20 =	simm.s32 $_scs_section_size  }
0x9a: {  	s4 =	simm.s32 $_size__tile_overlayer_lowered;
	s5 =	simm.s32 $_tile_overlayer_lowered  }
0x9b: {  	s6 =	simm.s32 $0x1BFF;
	s21 =	sshll.u32 s5, $0x1;
	s3 =	sadd.s32 s20, s19  }
0x9c: {  	s22 =	simm.s32 $0x0;
	s4 =	sshll.u32 s4, $0x1;
	s5 =	sadd.s32 s21, s3  }
0x9d: {  	[timem:s22], [sflag:s6] =	dma.local [hbm:s5], s4  }
0x9e: {  	_ =	swait.ge [sflag:s6], s4  }
0x9f: {  	s4 =	ssub.s32 $0x0, s4;
	[sflag:s6] =	ssyncset.done $0x0  }
0xa0: {  	[sflag:s6] =	ssyncadd.s32 s4;
	_ =	sdelay $0x1  }
0xa1: {  	s23 =	simm.s32 $0x1B8B  }
0xa2: {  	_ =	swait.ge [sflag:s23], $0x1  }
0xa3: {  	[sflag:s23] =	ssyncset.done $0x0  }
0xa4: {  	[sflag:s23] =	ssyncadd.s32 $0xFFFFFFFF  }
0xa5: {  	s4 =	sld [smem:$0x0]  }
0xa6: {  	s5 =	sand.u32 $0xFFFFFFFE, s1  }
0xa7: {  	p0 =	sne.s32 s1, s5  }
0xa8: {  	s5 =	sshll.u32 @p0 s5, $0xE  }
0xa9: {  	s5 =	sadd.s32 @p0 $0x11B8D, s5;
	s6 =	sshll.u32 @p0 s4, $0x11  }
0xaa: {  	s5 =	sor.u32 @p0 s6, s5  }
0xab: {  	[sflag:s5] =	ssyncadd.remote.s32 @p0 $0x1;
	_ =	sdelay $0x1  }
0xac: {  	s5 =	simm.s32 @p0 $0x1B8D  }
0xad: {  	_ =	swait.eq @p0 [sflag:s5], $0x1  }
0xae: {  	[sflag:s5] =	ssyncadd.s32 @p0 $0xFFFFFFFF  }
0xaf: {  	s6 =	sshll.u32 @!p0 s1, $0xE  }
0xb0: {  	s6 =	sor.u32 @!p0 $0x4000, s6;
	s5 =	simm.s32 @!p0 $0x1B8D  }
0xb1: {  	s4 =	sshll.u32 @!p0 s4, $0x11;
	s6 =	sadd.s32 @!p0 $0x11B8D, s6;
	_ =	swait.eq @!p0 [sflag:s5], $0x1  }
0xb2: {  	s4 =	sor.u32 @!p0 s4, s6;
	[sflag:s5] =	ssyncadd.s32 @!p0 $0xFFFFFFFF  }
0xb3: {  	s25 =	simm.s32 $0x1B8E;
	s24 =	sld [smem:$0x3FFE];
	[sflag:s4] =	ssyncadd.remote.s32 @!p0 $0x1  }
0xb4: {  	s26 =	simm.s32 $execute0_lowered;
	[smem:$0x3FD2] =	sst s25  }
0xb5: {  	s5 =	sshll.u32 s26, $0x1;
	_ =	strace $0x80000049;
	[dreg:$0x1] =	wrdreg $0xFFFFFFFF  }
0xb6: {  	s28 =	simm.s32 $_size_execute0_lowered;
	s3 =	sadd.s32 s3, s5;
	[dreg:$0x0] =	wrdreg $0x0  }
0xb7: {  	s5 =	sshll.u32 s28, $0x1;
	[dreg:$0x2] =	wrdreg s3  }
0xb8: {  	[dreg:$0x3] =	wrdreg s5  }
0xb9: {  	[dreg:$0x4] =	wrdreg $0xC0  }
0xba: {  	_ =	task [dreg:s22], $0x5FFFF  }
0xbb: {  	[dreg:$0x1] =	wrdreg $0xFFFFFFFF  }
0xbc: {  	[dreg:$0x0] =	wrdreg $0x60  }
0xbd: {  	[dreg:$0x2] =	wrdreg s24  }
0xbe: {  	[dreg:$0x3] =	wrdreg $0xB  }
0xbf: {  	_ =	task.clear_ibuf [dreg:s22], $0x4FFFF;
	_ =	strace $0x90000049  }
0xc0: {  	s29 =	simm.s32 $0xB;
	_ =	strace $0x8000004B  }
0xc1: {  	_ =	swait.ge [sflag:s29], $0x1  }
0xc2: {  	[sflag:s29] =	ssyncadd.s32 $0xFFFFFFFF  }
0xc3: {  	_ =	strace $0x9000004B  }
0xc4: {  	_ =	sfence  }
0xc5: {  	s30 =	sld [smem:$0x0];
	_ =	sdelay $0x2  }
0xc6: {  	s31 =	sshll.u32 s1, $0xD;
	s1 =	sshrl.u32 s1, $0x2  }
0xc7: {  	s4 =	sand.u32 $0x4000, s31;
	s1 =	sadd.s32 s1, s30  }
0xc8: {  	s0 =	sor.u32 s4, s0;
	s1 =	sshll.u32 s1, $0x11  }
0xc9: {  	s0 =	sor.u32 s1, s0  }
0xca: {  	s0 =	sadd.s32 $0x8F2B, s0  }
0xcb: {  	[sflag:s0] =	ssyncadd.remote.s32 $0x1  }
0xcc: {  	_ =	sfence.sel $0xFFFF  }
0xcd: {  	[dreg:$0x0] =	wrdreg $0xFFFFFFFF;
	(pc) =	sbr.abs _section_cstart, $3  }
0xce: {  	[dreg:$0x1] =	wrdreg $0xFFFFFFFF  }
0xcf: {  	_ =	task.clear_ibuf [dreg:s22], $0x2FFFF;
	_ =	strace $0x9FFFFFFF  }
0xd0: {  	(tm) =	ssettm $0x7FFFFFFF  }
0xd1: {  	_ =	shalt  }
tec
execute0_lowered:
.L_overlay_start_1:
0x0: {  	(tag) =	ssettag $0x1  }
0x1: {  	s4 =	rddreg [dreg:$0x0]  }
0x2: {  	s0 =	rddreg [dreg:$0x1];
	s1 =	simm.s32 $0x0  }
0x3: {  	s5 =	srdreg.scid;
	s2 =	stileid.u32;
	s9 =	simm.s32 $0x880  }
0x4: {  	s10 =	simm.s32 $0x1080;
	s11 =	simm.s32 $0x1880;
	s12 =	simm.s32 $0x2080  }
0x5: {  	s13 =	simm.s32 $0x2880;
	s14 =	simm.s32 $0x3080;
	s15 =	simm.s32 $0x3880  }
0x6: {  	s16 =	simm.s32 $0x4080;
	s17 =	simm.s32 $0x4880;
	s18 =	simm.s32 $0x5080  }
0x7: {  	s19 =	simm.s32 $0x5880;
	s20 =	simm.s32 $0x6080;
	s21 =	simm.s32 $0x6880  }
0x8: {  	s22 =	simm.s32 $0x7080;
	s23 =	simm.s32 $0x7880;
	s24 =	simm.s32 $0x1  }
0x9: {  	s25 =	simm.s32 $0x0;
	[smem:$0x7FF] =	sst s1;
	s3 =	sadd.s32 $0x4800, s4  }
0xa: {  	s5 =	sand.u32 $0x1, s5;
	s6 =	sshll.u32 s2, $0x8;
	s7 =	sshll.u32 s2, $0x10  }
0xb: {  	_ =	strace $0x8000004A;
	s8 =	ssub.s32 $0x2, s5;
	s6 =	sadd.s32 s6, s4  }
0xc: {  	s7 =	sadd.s32 s7, s4;
	s31 =	sshll.u32 s5, $0xF;
	s5 =	sshll.u32 s5, $0x7  }
0xd: {  	v2 =	vlaneseq.u32;
	s30 =	sshrl.u32 s8, $0x1;
	s7 =	sadd.s32 s31, s7;
	s6 =	sadd.s32 s5, s6  }
0xe: {  	vm0 =	vmmov $0xffff;
	v1 =	vshrl.u32 v2, $0x3;
	s4 =	ssub.s32 s8, s30;
	s5 =	sadd.s32 $0x125800, s7;
	s6 =	sadd.s32 $0x124800, s6  }
0xf: {  	v0 =	vand.u32 $0x7, v2;
	v2 =	vor.u32 $0x8, v2;
	v1 =	vmul.u32 $0x8, v1;
	s7 =	simm.s32 $0x2;
	s8 =	simm.s32 $0x80;
	s4 =	smax.u32 s4, $0x1  }
.LBB2_1:
0x10: {  	s26 =	smov.u32 s5;
	s28 =	simm.s32 $0x0  }
.LBB2_2:
0x11: {  	s29 =	sadd.s32 s28, s6  }
0x12: {  	[tilespmem:s1], [sflag:$0x2] =	stream.linear.gather [hbm4b:s29+s1], $0x80, $0x38;
	[tilespmem:$0x8080] =	vst v63  }
0x13: {  	_ =	swait.ge [sflag:s7], $0x80  }
0x14: {  	[sflag:s7] =	ssyncset.done $0x0  }
0x15: {  	[sflag:s7] =	ssyncadd.s32 $0xFFFFFF80  }
0x16: {  	v3 =	vld [tilespmem:$0x0];
	_ =	sdelay $0x4  }
0x17: {  	v4 =	vshll.u32 v3, $0x1  }
0x18: {  	v3 =	vand.u32 $0x7, v3;
	v4 =	vand.u32 $0xFFFFFFF0, v4  }
0x19: {  	v3 =	vor.u32 v3, v4  }
0x1a: {  	v4 =	vperm.xlane v3, v0;
	_ =	sdelay $0x1  }
0x1b: {  	v3 =	vperm.xlane v3, v2;
	v4 =	vadd.s32 v1, v4;
	_ =	sdelay $0x1  }
0x1c: {  	v3 =	vadd.s32 v1, v3;
	_ =	sdelay $0x2  }
0x1d: {  	[tilespmem:s8], [sflag:$0x1] =	stream.indirect_vreg.gather [hbm4b:s3+s1], $0x80, v4, vm0, $0xb8;
	[tilespmem:$0x8080] =	vst v63  }
0x1e: {  	_ = 	snop  }
0x1f: {  	[tilespmem:s9], [sflag:$0x1] =	stream.indirect_vreg.gather [hbm4b:s3+s1], $0x80, v3, vm0, $0xb8;
	[tilespmem:$0x8080] =	vst v63  }
0x20: {  	v3 =	vld [tilespmem:$0x10];
	_ =	sdelay $0x4  }
0x21: {  	v57 =	vshll.u32 v3, $0x1  }
0x22: {  	v3 =	vand.u32 $0x7, v3;
	v4 =	vand.u32 $0xFFFFFFF0, v57  }
0x23: {  	v3 =	vor.u32 v3, v4  }
0x24: {  	v4 =	vperm.xlane v3, v0;
	_ =	sdelay $0x1  }
0x25: {  	v3 =	vperm.xlane v3, v2;
	v4 =	vadd.s32 v1, v4;
	_ =	sdelay $0x1  }
0x26: {  	v3 =	vadd.s32 v1, v3;
	_ =	sdelay $0x2  }
0x27: {  	[tilespmem:s10], [sflag:$0x1] =	stream.indirect_vreg.gather [hbm4b:s3+s1], $0x80, v4, vm0, $0xb8;
	[tilespmem:$0x8080] =	vst v63  }
0x28: {  	_ = 	snop  }
0x29: {  	[tilespmem:s11], [sflag:$0x1] =	stream.indirect_vreg.gather [hbm4b:s3+s1], $0x80, v3, vm0, $0xb8;
	[tilespmem:$0x8080] =	vst v63  }
0x2a: {  	v3 =	vld [tilespmem:$0x20];
	_ =	sdelay $0x4  }
0x2b: {  	v58 =	vshll.u32 v3, $0x1  }
0x2c: {  	v3 =	vand.u32 $0x7, v3;
	v4 =	vand.u32 $0xFFFFFFF0, v58  }
0x2d: {  	v3 =	vor.u32 v3, v4  }
0x2e: {  	v4 =	vperm.xlane v3, v0;
	_ =	sdelay $0x1  }
0x2f: {  	v3 =	vperm.xlane v3, v2;
	v4 =	vadd.s32 v1, v4;
	_ =	sdelay $0x1  }
0x30: {  	v3 =	vadd.s32 v1, v3;
	_ =	sdelay $0x2  }
0x31: {  	[tilespmem:s12], [sflag:$0x1] =	stream.indirect_vreg.gather [hbm4b:s3+s1], $0x80, v4, vm0, $0xb8;
	[tilespmem:$0x8080] =	vst v63  }
0x32: {  	_ = 	snop  }
0x33: {  	[tilespmem:s13], [sflag:$0x1] =	stream.indirect_vreg.gather [hbm4b:s3+s1], $0x80, v3, vm0, $0xb8;
	[tilespmem:$0x8080] =	vst v63  }
0x34: {  	v3 =	vld [tilespmem:$0x30];
	_ =	sdelay $0x4  }
0x35: {  	v59 =	vshll.u32 v3, $0x1  }
0x36: {  	v3 =	vand.u32 $0x7, v3;
	v4 =	vand.u32 $0xFFFFFFF0, v59  }
0x37: {  	v3 =	vor.u32 v3, v4  }
0x38: {  	v4 =	vperm.xlane v3, v0;
	_ =	sdelay $0x1  }
0x39: {  	v3 =	vperm.xlane v3, v2;
	v4 =	vadd.s32 v1, v4;
	_ =	sdelay $0x1  }
0x3a: {  	v3 =	vadd.s32 v1, v3;
	_ =	sdelay $0x2  }
0x3b: {  	[tilespmem:s14], [sflag:$0x1] =	stream.indirect_vreg.gather [hbm4b:s3+s1], $0x80, v4, vm0, $0xb8;
	[tilespmem:$0x8080] =	vst v63  }
0x3c: {  	_ = 	snop  }
0x3d: {  	[tilespmem:s15], [sflag:$0x1] =	stream.indirect_vreg.gather [hbm4b:s3+s1], $0x80, v3, vm0, $0xb8;
	[tilespmem:$0x8080] =	vst v63  }
0x3e: {  	v3 =	vld [tilespmem:$0x40];
	_ =	sdelay $0x4  }
0x3f: {  	v60 =	vshll.u32 v3, $0x1  }
0x40: {  	v3 =	vand.u32 $0x7, v3;
	v4 =	vand.u32 $0xFFFFFFF0, v60  }
0x41: {  	v3 =	vor.u32 v3, v4  }
0x42: {  	v4 =	vperm.xlane v3, v0;
	_ =	sdelay $0x1  }
0x43: {  	v3 =	vperm.xlane v3, v2;
	v4 =	vadd.s32 v1, v4;
	_ =	sdelay $0x1  }
0x44: {  	v3 =	vadd.s32 v1, v3;
	_ =	sdelay $0x2  }
0x45: {  	[tilespmem:s16], [sflag:$0x1] =	stream.indirect_vreg.gather [hbm4b:s3+s1], $0x80, v4, vm0, $0xb8;
	[tilespmem:$0x8080] =	vst v63  }
0x46: {  	_ = 	snop  }
0x47: {  	[tilespmem:s17], [sflag:$0x1] =	stream.indirect_vreg.gather [hbm4b:s3+s1], $0x80, v3, vm0, $0xb8;
	[tilespmem:$0x8080] =	vst v63  }
0x48: {  	v3 =	vld [tilespmem:$0x50];
	_ =	sdelay $0x4  }
0x49: {  	v61 =	vshll.u32 v3, $0x1  }
0x4a: {  	v3 =	vand.u32 $0x7, v3;
	v4 =	vand.u32 $0xFFFFFFF0, v61  }
0x4b: {  	v3 =	vor.u32 v3, v4  }
0x4c: {  	v4 =	vperm.xlane v3, v0;
	_ =	sdelay $0x1  }
0x4d: {  	v3 =	vperm.xlane v3, v2;
	v4 =	vadd.s32 v1, v4;
	_ =	sdelay $0x1  }
0x4e: {  	v3 =	vadd.s32 v1, v3;
	_ =	sdelay $0x2  }
0x4f: {  	[tilespmem:s18], [sflag:$0x1] =	stream.indirect_vreg.gather [hbm4b:s3+s1], $0x80, v4, vm0, $0xb8;
	[tilespmem:$0x8080] =	vst v63  }
0x50: {  	_ = 	snop  }
0x51: {  	[tilespmem:s19], [sflag:$0x1] =	stream.indirect_vreg.gather [hbm4b:s3+s1], $0x80, v3, vm0, $0xb8;
	[tilespmem:$0x8080] =	vst v63  }
0x52: {  	v3 =	vld [tilespmem:$0x60];
	_ =	sdelay $0x4  }
0x53: {  	v62 =	vshll.u32 v3, $0x1  }
0x54: {  	v3 =	vand.u32 $0x7, v3;
	v4 =	vand.u32 $0xFFFFFFF0, v62  }
0x55: {  	v3 =	vor.u32 v3, v4  }
0x56: {  	v4 =	vperm.xlane v3, v0;
	_ =	sdelay $0x1  }
0x57: {  	v3 =	vperm.xlane v3, v2;
	v4 =	vadd.s32 v1, v4;
	_ =	sdelay $0x1  }
0x58: {  	v3 =	vadd.s32 v1, v3;
	_ =	sdelay $0x2  }
0x59: {  	[tilespmem:s20], [sflag:$0x1] =	stream.indirect_vreg.gather [hbm4b:s3+s1], $0x80, v4, vm0, $0xb8;
	[tilespmem:$0x8080] =	vst v63  }
0x5a: {  	_ = 	snop  }
0x5b: {  	[tilespmem:s21], [sflag:$0x1] =	stream.indirect_vreg.gather [hbm4b:s3+s1], $0x80, v3, vm0, $0xb8;
	[tilespmem:$0x8080] =	vst v63  }
0x5c: {  	v3 =	vld [tilespmem:$0x70];
	_ =	sdelay $0x4  }
0x5d: {  	v63 =	vshll.u32 v3, $0x1  }
0x5e: {  	v3 =	vand.u32 $0x7, v3;
	v4 =	vand.u32 $0xFFFFFFF0, v63  }
0x5f: {  	v3 =	vor.u32 v3, v4  }
0x60: {  	v4 =	vperm.xlane v3, v0;
	_ =	sdelay $0x1  }
0x61: {  	v3 =	vperm.xlane v3, v2;
	v4 =	vadd.s32 v1, v4;
	_ =	sdelay $0x1  }
0x62: {  	v3 =	vadd.s32 v1, v3;
	_ =	sdelay $0x2  }
0x63: {  	[tilespmem:s22], [sflag:$0x1] =	stream.indirect_vreg.gather [hbm4b:s3+s1], $0x80, v4, vm0, $0xb8;
	[tilespmem:$0x8080] =	vst v63  }
0x64: {  	_ = 	snop  }
0x65: {  	[tilespmem:s23], [sflag:$0x1] =	stream.indirect_vreg.gather [hbm4b:s3+s1], $0x80, v3, vm0, $0xb8;
	[tilespmem:$0x8080] =	vst v63  }
0x66: {  	_ =	swait.ge [sflag:s24], $0x8000  }
0x67: {  	p0 =	sne.s32 s28, $0x70;
	[sflag:s24] =	ssyncset.done $0x0  }
.Ltmp0:
0x68: {  	[sflag:s24] =	ssyncadd.s32 $0xFFFF8000;
	(pc) =	sbr.rel @p0 .LBB2_2-.Ltmp0, $4  }
0x69: {  	[hbm4b:s26+s1] =	stream.linear.scatter [tilespmem:s8], [sflag:$0x2], $0x8000, $0x38;
	[tilespmem:$0x8080] =	vst v63  }
0x6a: {  	_ =	swait.ge [sflag:s7], $0x8000  }
0x6b: {  	[sflag:s7] =	ssyncset.done $0x0  }
0x6c: {  	s28 =	sadd.s32 $0x10, s28;
	s26 =	sadd.s32 $0x1000, s26;
	[sflag:s7] =	ssyncadd.s32 $0xFFFF8000  }
0x6d: {  	s25 =	sadd.s32 $0x1, s25  }
0x6e: {  	p0 =	sne.s32 s25, s4  }
.Ltmp1:
0x6f: {  	_ = 	snop;
	(pc) =	sbr.rel @p0 .LBB2_1-.Ltmp1, $1  }
0x70: {  	_ =	sdelay $0x3  }
0x71: {  	_ =	sfence.sel $0x180000  }
0x72: {  	[bflag:$0x0] =	sbarrier.arrive $0xFFFF  }
0x73: {  	p0 =	sne.s32 s2, $0x0;
	_ =	strace $0x9000004A  }
0x74: {  	s0 =	sadd.s32 @!p0 $0x100000, s0;
	[bflag:$0x2] =	sbarrier.arrive $0xFFFF  }
0x75: {  	[sflag:s0] =	ssyncadd.tile.s32 @!p0 $0x1;
	_ =	shalt  }
.Lfunc_end2:
_tile_overlayer_lowered:
.L_overlay_start_2:
0x76: {  	(tag) =	ssettag $0x2  }
0x77: {  	s0 =	rddreg [dreg:$0x0];
	s2 =	stileid.u32  }
0x78: {  	s1 =	rddreg [dreg:$0x1];
	p0 =	sne.s32 s2, $0x0  }
0x79: {  	s3 =	rddreg [dreg:$0x2];
	[bflag:$0x3] =	sbarrier.arrive $0xFFFF;
	s2 =	simm.s32 @!p0 $0x1C02  }
0x7a: {  	[timem:s3], [sflag:s2] =	dma.local @!p0 [hbm:s0], s1  }
0x7b: {  	s0 =	simm.s32 @!p0 $0x2  }
0x7c: {  	_ =	swait.ge @!p0 [sflag:s0], s1  }
0x7d: {  	s1 =	ssub.s32 @!p0 $0x0, s1;
	[sflag:s0] =	ssyncset.done @!p0 $0x0  }
0x7e: {  	[sflag:s0] =	ssyncadd.s32 @!p0 s1  }
0x7f: {  	[bflag:$0x3] =	sbarrier.arrive $0xFFFF  }
0x80: {  	_ =	shalt  }

// kernel: kernel.32.cloned.1.call-start
scs
__scs_entry_jumppad:
0x0: {  	(pc) =	sbr.rel $0x88, $3  }
0x1: {  	(tag) =	ssettag $0x0;
	lr =	simm.s32 $0x1  }
0x2: {  	[smem:$0x3F97] =	sst lr;
	_ =	strace $0xD0000000  }
0x3: {  	_ = 	snop  }
0x4: {  	_ = 	snop  }
0x5: {  	_ = 	snop  }
0x6: {  	_ = 	snop  }
0x7: {  	_ = 	snop  }
__scs_overlays_trampoline_lowered:
0x8: {  	[smem:$0x3FA6] =	sst s0  }
0x9: {  	[smem:$0x3FA7] =	sst s1  }
0xa: {  	[smem:$0x3FA8] =	sst s2  }
0xb: {  	[smem:$0x3FA9] =	sst s3  }
0xc: {  	[smem:$0x3FAA] =	sst s4  }
0xd: {  	[smem:$0x3FAB] =	sst s5  }
0xe: {  	[smem:$0x3FAC] =	sst s6  }
0xf: {  	[smem:$0x3FAD] =	sst s7  }
0x10: {  	[smem:$0x3FAE] =	sst s8  }
0x11: {  	[smem:$0x3FAF] =	sst s9;
	s0 =	simm.s32 @!p0 $0x0  }
0x12: {  	s1 =	sld [smem:$0x3F95];
	s0 =	simm.s32 @p0 $0x1  }
0x13: {  	[smem:$0x3FB0] =	sst s0;
	s0 =	simm.s32 @!p1 $0x0  }
0x14: {  	s2 =	sld [smem:$0x3F94];
	s0 =	simm.s32 @p1 $0x1  }
0x15: {  	[smem:$0x3FB1] =	sst s0;
	s0 =	simm.s32 @!p2 $0x0  }
0x16: {  	s3 =	sld [smem:$0x3FDB];
	s0 =	simm.s32 @p2 $0x1  }
0x17: {  	s4 =	simm.s32 $0x1BF5;
	[smem:$0x3FB3] =	sst s0  }
0x18: {  	s0 =	sld [smem:$0x3F96];
	_ =	swait.ge [sflag:s4], $0x0  }
0x19: {  	s7 =	sld [smem:$0x3F97]  }
0x1a: {  	s8 =	sadd.s32 $0xFFFFE003, lr  }
0x1b: {  	s9 =	sadd.s32 $0xFFFFFEF7, lr;
	s5 =	simm.s32 $0xFFFFFFFF;
	p2 =	slt.u32 s8, $0xFFFFF086  }
0x1c: {  	p1 =	slt.u32 s9, $0xF7A;
	s5 =	simm.s32 @!p2 $0x0  }
0x1d: {  	s5 =	simm.s32 @p1 $0x1;
	p0 =	seq.s32 s7, s2  }
0x1e: {  	s7 =	smul.u32 @!p0 $0xF7A, s2;
	p2 =	seq.s32 @!p0 s5, $0x0  }
0x1f: {  	s9 =	smul.u32 $0xF7A, s1;
	s8 =	simm.s32 @!p0 $0x1BF5;
	p2 =	por !p2, p0  }
0x20: {  	[sflag:s8] =	ssyncset.s32 @!p0 $0xFFFFF086;
	s6 =	sadd.s32 @!p0 s3, s7;
	s7 =	simm.s32 @!p0 $0x108  }
0x21: {  	s3 =	sadd.s32 s3, s9;
	s6 =	sadd.s32 @!p0 $0x88, s6;
	s7 =	simm.s32 @p2 $0x1082  }
0x22: {  	[simem:s7], [sflag:s8] =	dma.local @!p0 [hbm:s6], $0xF7A  }
0x23: {  	s9 =	sor.u32 $0xD0000000, s2;
	s6 =	simm.s32 $0x108;
	_ =	swait.ge @!p0 [sflag:s8], $0x0  }
0x24: {  	s3 =	sadd.s32 $0x88, s3;
	s6 =	simm.s32 @!p1 $0x1082;
	[sflag:s4] =	ssyncset.s32 $0xFFFFF086  }
0x25: {  	[simem:s6], [sflag:s4] =	dma.local [hbm:s3], $0xF7A  }
0x26: {  	[smem:$0x3F97] =	sst s1;
	(tag) =	ssettag s2;
	_ =	strace s9  }
0x27: {  	s1 =	sld [smem:$0x3FA7]  }
0x28: {  	s2 =	sld [smem:$0x3FA8]  }
0x29: {  	s4 =	sld [smem:$0x3FAA]  }
0x2a: {  	p0 =	seq.s32 s5, $0x0;
	s5 =	sld [smem:$0x3FAB]  }
0x2b: {  	s6 =	sld [smem:$0x3FAC]  }
0x2c: {  	s7 =	sld [smem:$0x3FAD]  }
0x2d: {  	s3 =	simm.s32 $0x108;
	s8 =	sld [smem:$0x3FAE]  }
0x2e: {  	s3 =	simm.s32 @!p0 $0x1082;
	s9 =	sld [smem:$0x3FAF]  }
0x2f: {  	lr =	sadd.s32 s0, s3;
	s0 =	sld [smem:$0x3FA6]  }
0x30: {  	s3 =	sld [smem:$0x3FA9]  }
0x31: {  	[smem:$0x3FB2] =	sst s10  }
0x32: {  	s10 =	sld [smem:$0x3FB0];
	_ =	sdelay $0x3  }
0x33: {  	p0 =	seq.s32 s10, $0x1;
	s10 =	sld [smem:$0x3FB2];
	_ =	sdelay $0x3  }
0x34: {  	[smem:$0x3FB2] =	sst s10  }
0x35: {  	s10 =	sld [smem:$0x3FB1];
	_ =	sdelay $0x3  }
0x36: {  	p1 =	seq.s32 s10, $0x1;
	s10 =	sld [smem:$0x3FB2];
	_ =	sdelay $0x3  }
0x37: {  	[smem:$0x3FB2] =	sst s10  }
0x38: {  	s10 =	sld [smem:$0x3FB3]  }
0x39: {  	_ = 	snop;
	(pc) =	sbr.ind lr, $3  }
0x3a: {  	_ = 	snop  }
0x3b: {  	_ = 	snop  }
0x3c: {  	p2 =	seq.s32 s10, $0x1;
	s10 =	sld [smem:$0x3FB2]  }
0x3d: {  	_ =	shalt  }
0x3e: {  	_ =	shalt  }
0x3f: {  	_ =	shalt  }
0x40: {  	_ =	shalt  }
0x41: {  	_ =	shalt  }
0x42: {  	_ =	shalt  }
0x43: {  	_ =	shalt  }
0x44: {  	_ =	shalt  }
0x45: {  	_ =	shalt  }
0x46: {  	_ =	shalt  }
0x47: {  	_ =	shalt  }
0x48: {  	_ =	shalt  }
0x49: {  	_ =	shalt  }
0x4a: {  	_ =	shalt  }
0x4b: {  	_ =	shalt  }
0x4c: {  	_ =	shalt  }
0x4d: {  	_ =	shalt  }
0x4e: {  	_ =	shalt  }
0x4f: {  	_ =	shalt  }
0x50: {  	_ =	shalt  }
0x51: {  	_ =	shalt  }
0x52: {  	_ =	shalt  }
0x53: {  	_ =	shalt  }
0x54: {  	_ =	shalt  }
0x55: {  	_ =	shalt  }
0x56: {  	_ =	shalt  }
0x57: {  	_ =	shalt  }
0x58: {  	_ =	shalt  }
0x59: {  	_ =	shalt  }
0x5a: {  	_ =	shalt  }
0x5b: {  	_ =	shalt  }
0x5c: {  	_ =	shalt  }
0x5d: {  	_ =	shalt  }
0x5e: {  	_ =	shalt  }
0x5f: {  	_ =	shalt  }
0x60: {  	_ =	shalt  }
0x61: {  	_ =	shalt  }
0x62: {  	_ =	shalt  }
0x63: {  	_ =	shalt  }
0x64: {  	_ =	shalt  }
0x65: {  	_ =	shalt  }
0x66: {  	_ =	shalt  }
0x67: {  	_ =	shalt  }
0x68: {  	_ =	shalt  }
0x69: {  	_ =	shalt  }
0x6a: {  	_ =	shalt  }
0x6b: {  	_ =	shalt  }
0x6c: {  	_ =	shalt  }
0x6d: {  	_ =	shalt  }
0x6e: {  	_ =	shalt  }
0x6f: {  	_ =	shalt  }
0x70: {  	_ =	shalt  }
0x71: {  	_ =	shalt  }
0x72: {  	_ =	shalt  }
0x73: {  	_ =	shalt  }
0x74: {  	_ =	shalt  }
0x75: {  	_ =	shalt  }
0x76: {  	_ =	shalt  }
0x77: {  	_ =	shalt  }
0x78: {  	_ =	shalt  }
0x79: {  	_ =	shalt  }
0x7a: {  	_ =	shalt  }
0x7b: {  	_ =	shalt  }
0x7c: {  	_ =	shalt  }
0x7d: {  	_ =	shalt  }
0x7e: {  	_ =	shalt  }
0x7f: {  	_ =	shalt  }
0x80: {  	_ =	shalt  }
0x81: {  	_ =	shalt  }
0x82: {  	_ =	shalt  }
0x83: {  	_ =	shalt  }
0x84: {  	_ =	shalt  }
0x85: {  	_ =	shalt  }
0x86: {  	_ =	shalt  }
0x87: {  	_ =	shalt  }
.Lfunc_end0:
.L_simem_size_0:
called_computation.3_lowered:
.L_overlay_start_0:
0x88: {  	s2 =	sld [smem:$0x3FD9]  }
0x89: {  	s3 =	sld [smem:$0x3FFE];
	_ =	sdelay $0x1  }
0x8a: {  	s1 =	srdreg.scid  }
0x8b: {  	s0 =	sand.u32 $0x1, s1  }
0x8c: {  	s17 =	sshll.u32 s0, $0xA;
	s2 =	sadd.s32 s3, s2  }
0x8d: {  	s2 =	sadd.s32 s2, s17  }
0x8e: {  	[smem:$0x3FBE] =	sst s2  }
0x8f: {  	_ = 	snop  }
0x90: {  	(tm) =	ssettm $0x1  }
0x91: {  	s18 =	sld [smem:$0x3FFB];
	_ =	sdelay $0x3  }
0x92: {  	_ =	strace s18  }
0x93: {  	s2 =	sld [smem:$0x3FFC];
	_ =	sdelay $0x3  }
0x94: {  	_ =	strace s2  }
0x95: {  	s2 =	sld [smem:$0x3FFD];
	_ =	sdelay $0x3  }
0x96: {  	_ =	strace s2  }
0x97: {  	_ =	strace $0x8FFFFFFF  }
0x98: {  	s19 =	sld [smem:$0x3FDB];
	_ =	sdelay $0x1  }
0x99: {  	s20 =	simm.s32 $_scs_section_size  }
0x9a: {  	s4 =	simm.s32 $_size__tile_overlayer_lowered;
	s5 =	simm.s32 $_tile_overlayer_lowered  }
0x9b: {  	s6 =	simm.s32 $0x1BFF;
	s21 =	sshll.u32 s5, $0x1;
	s3 =	sadd.s32 s20, s19  }
0x9c: {  	s22 =	simm.s32 $0x0;
	s4 =	sshll.u32 s4, $0x1;
	s5 =	sadd.s32 s21, s3  }
0x9d: {  	[timem:s22], [sflag:s6] =	dma.local [hbm:s5], s4  }
0x9e: {  	_ =	swait.ge [sflag:s6], s4  }
0x9f: {  	s4 =	ssub.s32 $0x0, s4;
	[sflag:s6] =	ssyncset.done $0x0  }
0xa0: {  	[sflag:s6] =	ssyncadd.s32 s4;
	_ =	sdelay $0x1  }
0xa1: {  	s23 =	simm.s32 $0x1B8B  }
0xa2: {  	_ =	swait.ge [sflag:s23], $0x1  }
0xa3: {  	[sflag:s23] =	ssyncset.done $0x0  }
0xa4: {  	[sflag:s23] =	ssyncadd.s32 $0xFFFFFFFF  }
0xa5: {  	s4 =	sld [smem:$0x0]  }
0xa6: {  	s5 =	sand.u32 $0xFFFFFFFE, s1  }
0xa7: {  	p0 =	sne.s32 s1, s5  }
0xa8: {  	s5 =	sshll.u32 @p0 s5, $0xE  }
0xa9: {  	s5 =	sadd.s32 @p0 $0x11B8D, s5;
	s6 =	sshll.u32 @p0 s4, $0x11  }
0xaa: {  	s5 =	sor.u32 @p0 s6, s5  }
0xab: {  	[sflag:s5] =	ssyncadd.remote.s32 @p0 $0x1;
	_ =	sdelay $0x1  }
0xac: {  	s5 =	simm.s32 @p0 $0x1B8D  }
0xad: {  	_ =	swait.eq @p0 [sflag:s5], $0x1  }
0xae: {  	[sflag:s5] =	ssyncadd.s32 @p0 $0xFFFFFFFF  }
0xaf: {  	s6 =	sshll.u32 @!p0 s1, $0xE  }
0xb0: {  	s6 =	sor.u32 @!p0 $0x4000, s6;
	s5 =	simm.s32 @!p0 $0x1B8D  }
0xb1: {  	s4 =	sshll.u32 @!p0 s4, $0x11;
	s6 =	sadd.s32 @!p0 $0x11B8D, s6;
	_ =	swait.eq @!p0 [sflag:s5], $0x1  }
0xb2: {  	s4 =	sor.u32 @!p0 s4, s6;
	[sflag:s5] =	ssyncadd.s32 @!p0 $0xFFFFFFFF  }
0xb3: {  	s25 =	simm.s32 $0x1B8E;
	s24 =	sld [smem:$0x3FFE];
	[sflag:s4] =	ssyncadd.remote.s32 @!p0 $0x1  }
0xb4: {  	s26 =	simm.s32 $execute0_lowered;
	[smem:$0x3FD2] =	sst s25  }
0xb5: {  	s5 =	sshll.u32 s26, $0x1;
	_ =	strace $0x8000004C;
	[dreg:$0x1] =	wrdreg $0xFFFFFFFF  }
0xb6: {  	s28 =	simm.s32 $_size_execute0_lowered;
	s3 =	sadd.s32 s3, s5;
	[dreg:$0x0] =	wrdreg $0x0  }
0xb7: {  	s5 =	sshll.u32 s28, $0x1;
	[dreg:$0x2] =	wrdreg s3  }
0xb8: {  	[dreg:$0x3] =	wrdreg s5  }
0xb9: {  	[dreg:$0x4] =	wrdreg $0xC0  }
0xba: {  	_ =	task [dreg:s22], $0x5FFFF  }
0xbb: {  	[dreg:$0x1] =	wrdreg $0xFFFFFFFF  }
0xbc: {  	[dreg:$0x0] =	wrdreg $0x60  }
0xbd: {  	[dreg:$0x2] =	wrdreg s24  }
0xbe: {  	[dreg:$0x3] =	wrdreg $0xC  }
0xbf: {  	_ =	task.clear_ibuf [dreg:s22], $0x4FFFF;
	_ =	strace $0x9000004C  }
0xc0: {  	s29 =	simm.s32 $0xC;
	_ =	strace $0x8000004E  }
0xc1: {  	_ =	swait.ge [sflag:s29], $0x1  }
0xc2: {  	[sflag:s29] =	ssyncadd.s32 $0xFFFFFFFF  }
0xc3: {  	_ =	strace $0x9000004E  }
0xc4: {  	_ =	sfence  }
0xc5: {  	s30 =	sld [smem:$0x0];
	_ =	sdelay $0x2  }
0xc6: {  	s31 =	sshll.u32 s1, $0xD;
	s1 =	sshrl.u32 s1, $0x2  }
0xc7: {  	s4 =	sand.u32 $0x4000, s31;
	s1 =	sadd.s32 s1, s30  }
0xc8: {  	s0 =	sor.u32 s4, s0;
	s1 =	sshll.u32 s1, $0x11  }
0xc9: {  	s0 =	sor.u32 s1, s0  }
0xca: {  	s0 =	sadd.s32 $0x8F2B, s0  }
0xcb: {  	[sflag:s0] =	ssyncadd.remote.s32 $0x1  }
0xcc: {  	_ =	sfence.sel $0xFFFF  }
0xcd: {  	[dreg:$0x0] =	wrdreg $0xFFFFFFFF;
	(pc) =	sbr.abs _section_cstart, $3  }
0xce: {  	[dreg:$0x1] =	wrdreg $0xFFFFFFFF  }
0xcf: {  	_ =	task.clear_ibuf [dreg:s22], $0x2FFFF;
	_ =	strace $0x9FFFFFFF  }
0xd0: {  	(tm) =	ssettm $0x7FFFFFFF  }
0xd1: {  	_ =	shalt  }
tec
execute0_lowered:
.L_overlay_start_1:
0x0: {  	(tag) =	ssettag $0x1  }
0x1: {  	s4 =	rddreg [dreg:$0x0]  }
0x2: {  	s0 =	rddreg [dreg:$0x1];
	s1 =	simm.s32 $0x0  }
0x3: {  	s5 =	srdreg.scid;
	s2 =	stileid.u32;
	s9 =	simm.s32 $0x880  }
0x4: {  	s10 =	simm.s32 $0x1080;
	s11 =	simm.s32 $0x1880;
	s12 =	simm.s32 $0x2080  }
0x5: {  	s13 =	simm.s32 $0x2880;
	s14 =	simm.s32 $0x3080;
	s15 =	simm.s32 $0x3880  }
0x6: {  	s16 =	simm.s32 $0x4080;
	s17 =	simm.s32 $0x4880;
	s18 =	simm.s32 $0x5080  }
0x7: {  	s19 =	simm.s32 $0x5880;
	s20 =	simm.s32 $0x6080;
	s21 =	simm.s32 $0x6880  }
0x8: {  	s22 =	simm.s32 $0x7080;
	s23 =	simm.s32 $0x7880;
	s24 =	simm.s32 $0x1  }
0x9: {  	s25 =	simm.s32 $0x0;
	[smem:$0x7FF] =	sst s1;
	s3 =	sadd.s32 $0x14800, s4  }
0xa: {  	s5 =	sand.u32 $0x1, s5;
	s6 =	sshll.u32 s2, $0x8;
	s7 =	sshll.u32 s2, $0x10  }
0xb: {  	_ =	strace $0x8000004D;
	s8 =	ssub.s32 $0x2, s5;
	s6 =	sadd.s32 s6, s4  }
0xc: {  	s7 =	sadd.s32 s7, s4;
	s31 =	sshll.u32 s5, $0xF;
	s5 =	sshll.u32 s5, $0x7  }
0xd: {  	v2 =	vlaneseq.u32;
	s30 =	sshrl.u32 s8, $0x1;
	s7 =	sadd.s32 s31, s7;
	s6 =	sadd.s32 s5, s6  }
0xe: {  	vm0 =	vmmov $0xffff;
	v1 =	vshrl.u32 v2, $0x3;
	s4 =	ssub.s32 s8, s30;
	s5 =	sadd.s32 $0x226800, s7;
	s6 =	sadd.s32 $0x225800, s6  }
0xf: {  	v0 =	vand.u32 $0x7, v2;
	v2 =	vor.u32 $0x8, v2;
	v1 =	vmul.u32 $0x8, v1;
	s7 =	simm.s32 $0x2;
	s8 =	simm.s32 $0x80;
	s4 =	smax.u32 s4, $0x1  }
.LBB2_1:
0x10: {  	s26 =	smov.u32 s5;
	s28 =	simm.s32 $0x0  }
.LBB2_2:
0x11: {  	s29 =	sadd.s32 s28, s6  }
0x12: {  	[tilespmem:s1], [sflag:$0x2] =	stream.linear.gather [hbm4b:s29+s1], $0x80, $0x38;
	[tilespmem:$0x8080] =	vst v63  }
0x13: {  	_ =	swait.ge [sflag:s7], $0x80  }
0x14: {  	[sflag:s7] =	ssyncset.done $0x0  }
0x15: {  	[sflag:s7] =	ssyncadd.s32 $0xFFFFFF80  }
0x16: {  	v3 =	vld [tilespmem:$0x0];
	_ =	sdelay $0x4  }
0x17: {  	v4 =	vshll.u32 v3, $0x1  }
0x18: {  	v3 =	vand.u32 $0x7, v3;
	v4 =	vand.u32 $0xFFFFFFF0, v4  }
0x19: {  	v3 =	vor.u32 v3, v4  }
0x1a: {  	v4 =	vperm.xlane v3, v0;
	_ =	sdelay $0x1  }
0x1b: {  	v3 =	vperm.xlane v3, v2;
	v4 =	vadd.s32 v1, v4;
	_ =	sdelay $0x1  }
0x1c: {  	v3 =	vadd.s32 v1, v3;
	_ =	sdelay $0x2  }
0x1d: {  	[tilespmem:s8], [sflag:$0x1] =	stream.indirect_vreg.gather [hbm4b:s3+s1], $0x80, v4, vm0, $0xb8;
	[tilespmem:$0x8080] =	vst v63  }
0x1e: {  	_ = 	snop  }
0x1f: {  	[tilespmem:s9], [sflag:$0x1] =	stream.indirect_vreg.gather [hbm4b:s3+s1], $0x80, v3, vm0, $0xb8;
	[tilespmem:$0x8080] =	vst v63  }
0x20: {  	v3 =	vld [tilespmem:$0x10];
	_ =	sdelay $0x4  }
0x21: {  	v57 =	vshll.u32 v3, $0x1  }
0x22: {  	v3 =	vand.u32 $0x7, v3;
	v4 =	vand.u32 $0xFFFFFFF0, v57  }
0x23: {  	v3 =	vor.u32 v3, v4  }
0x24: {  	v4 =	vperm.xlane v3, v0;
	_ =	sdelay $0x1  }
0x25: {  	v3 =	vperm.xlane v3, v2;
	v4 =	vadd.s32 v1, v4;
	_ =	sdelay $0x1  }
0x26: {  	v3 =	vadd.s32 v1, v3;
	_ =	sdelay $0x2  }
0x27: {  	[tilespmem:s10], [sflag:$0x1] =	stream.indirect_vreg.gather [hbm4b:s3+s1], $0x80, v4, vm0, $0xb8;
	[tilespmem:$0x8080] =	vst v63  }
0x28: {  	_ = 	snop  }
0x29: {  	[tilespmem:s11], [sflag:$0x1] =	stream.indirect_vreg.gather [hbm4b:s3+s1], $0x80, v3, vm0, $0xb8;
	[tilespmem:$0x8080] =	vst v63  }
0x2a: {  	v3 =	vld [tilespmem:$0x20];
	_ =	sdelay $0x4  }
0x2b: {  	v58 =	vshll.u32 v3, $0x1  }
0x2c: {  	v3 =	vand.u32 $0x7, v3;
	v4 =	vand.u32 $0xFFFFFFF0, v58  }
0x2d: {  	v3 =	vor.u32 v3, v4  }
0x2e: {  	v4 =	vperm.xlane v3, v0;
	_ =	sdelay $0x1  }
0x2f: {  	v3 =	vperm.xlane v3, v2;
	v4 =	vadd.s32 v1, v4;
	_ =	sdelay $0x1  }
0x30: {  	v3 =	vadd.s32 v1, v3;
	_ =	sdelay $0x2  }
0x31: {  	[tilespmem:s12], [sflag:$0x1] =	stream.indirect_vreg.gather [hbm4b:s3+s1], $0x80, v4, vm0, $0xb8;
	[tilespmem:$0x8080] =	vst v63  }
0x32: {  	_ = 	snop  }
0x33: {  	[tilespmem:s13], [sflag:$0x1] =	stream.indirect_vreg.gather [hbm4b:s3+s1], $0x80, v3, vm0, $0xb8;
	[tilespmem:$0x8080] =	vst v63  }
0x34: {  	v3 =	vld [tilespmem:$0x30];
	_ =	sdelay $0x4  }
0x35: {  	v59 =	vshll.u32 v3, $0x1  }
0x36: {  	v3 =	vand.u32 $0x7, v3;
	v4 =	vand.u32 $0xFFFFFFF0, v59  }
0x37: {  	v3 =	vor.u32 v3, v4  }
0x38: {  	v4 =	vperm.xlane v3, v0;
	_ =	sdelay $0x1  }
0x39: {  	v3 =	vperm.xlane v3, v2;
	v4 =	vadd.s32 v1, v4;
	_ =	sdelay $0x1  }
0x3a: {  	v3 =	vadd.s32 v1, v3;
	_ =	sdelay $0x2  }
0x3b: {  	[tilespmem:s14], [sflag:$0x1] =	stream.indirect_vreg.gather [hbm4b:s3+s1], $0x80, v4, vm0, $0xb8;
	[tilespmem:$0x8080] =	vst v63  }
0x3c: {  	_ = 	snop  }
0x3d: {  	[tilespmem:s15], [sflag:$0x1] =	stream.indirect_vreg.gather [hbm4b:s3+s1], $0x80, v3, vm0, $0xb8;
	[tilespmem:$0x8080] =	vst v63  }
0x3e: {  	v3 =	vld [tilespmem:$0x40];
	_ =	sdelay $0x4  }
0x3f: {  	v60 =	vshll.u32 v3, $0x1  }
0x40: {  	v3 =	vand.u32 $0x7, v3;
	v4 =	vand.u32 $0xFFFFFFF0, v60  }
0x41: {  	v3 =	vor.u32 v3, v4  }
0x42: {  	v4 =	vperm.xlane v3, v0;
	_ =	sdelay $0x1  }
0x43: {  	v3 =	vperm.xlane v3, v2;
	v4 =	vadd.s32 v1, v4;
	_ =	sdelay $0x1  }
0x44: {  	v3 =	vadd.s32 v1, v3;
	_ =	sdelay $0x2  }
0x45: {  	[tilespmem:s16], [sflag:$0x1] =	stream.indirect_vreg.gather [hbm4b:s3+s1], $0x80, v4, vm0, $0xb8;
	[tilespmem:$0x8080] =	vst v63  }
0x46: {  	_ = 	snop  }
0x47: {  	[tilespmem:s17], [sflag:$0x1] =	stream.indirect_vreg.gather [hbm4b:s3+s1], $0x80, v3, vm0, $0xb8;
	[tilespmem:$0x8080] =	vst v63  }
0x48: {  	v3 =	vld [tilespmem:$0x50];
	_ =	sdelay $0x4  }
0x49: {  	v61 =	vshll.u32 v3, $0x1  }
0x4a: {  	v3 =	vand.u32 $0x7, v3;
	v4 =	vand.u32 $0xFFFFFFF0, v61  }
0x4b: {  	v3 =	vor.u32 v3, v4  }
0x4c: {  	v4 =	vperm.xlane v3, v0;
	_ =	sdelay $0x1  }
0x4d: {  	v3 =	vperm.xlane v3, v2;
	v4 =	vadd.s32 v1, v4;
	_ =	sdelay $0x1  }
0x4e: {  	v3 =	vadd.s32 v1, v3;
	_ =	sdelay $0x2  }
0x4f: {  	[tilespmem:s18], [sflag:$0x1] =	stream.indirect_vreg.gather [hbm4b:s3+s1], $0x80, v4, vm0, $0xb8;
	[tilespmem:$0x8080] =	vst v63  }
0x50: {  	_ = 	snop  }
0x51: {  	[tilespmem:s19], [sflag:$0x1] =	stream.indirect_vreg.gather [hbm4b:s3+s1], $0x80, v3, vm0, $0xb8;
	[tilespmem:$0x8080] =	vst v63  }
0x52: {  	v3 =	vld [tilespmem:$0x60];
	_ =	sdelay $0x4  }
0x53: {  	v62 =	vshll.u32 v3, $0x1  }
0x54: {  	v3 =	vand.u32 $0x7, v3;
	v4 =	vand.u32 $0xFFFFFFF0, v62  }
0x55: {  	v3 =	vor.u32 v3, v4  }
0x56: {  	v4 =	vperm.xlane v3, v0;
	_ =	sdelay $0x1  }
0x57: {  	v3 =	vperm.xlane v3, v2;
	v4 =	vadd.s32 v1, v4;
	_ =	sdelay $0x1  }
0x58: {  	v3 =	vadd.s32 v1, v3;
	_ =	sdelay $0x2  }
0x59: {  	[tilespmem:s20], [sflag:$0x1] =	stream.indirect_vreg.gather [hbm4b:s3+s1], $0x80, v4, vm0, $0xb8;
	[tilespmem:$0x8080] =	vst v63  }
0x5a: {  	_ = 	snop  }
0x5b: {  	[tilespmem:s21], [sflag:$0x1] =	stream.indirect_vreg.gather [hbm4b:s3+s1], $0x80, v3, vm0, $0xb8;
	[tilespmem:$0x8080] =	vst v63  }
0x5c: {  	v3 =	vld [tilespmem:$0x70];
	_ =	sdelay $0x4  }
0x5d: {  	v63 =	vshll.u32 v3, $0x1  }
0x5e: {  	v3 =	vand.u32 $0x7, v3;
	v4 =	vand.u32 $0xFFFFFFF0, v63  }
0x5f: {  	v3 =	vor.u32 v3, v4  }
0x60: {  	v4 =	vperm.xlane v3, v0;
	_ =	sdelay $0x1  }
0x61: {  	v3 =	vperm.xlane v3, v2;
	v4 =	vadd.s32 v1, v4;
	_ =	sdelay $0x1  }
0x62: {  	v3 =	vadd.s32 v1, v3;
	_ =	sdelay $0x2  }
0x63: {  	[tilespmem:s22], [sflag:$0x1] =	stream.indirect_vreg.gather [hbm4b:s3+s1], $0x80, v4, vm0, $0xb8;
	[tilespmem:$0x8080] =	vst v63  }
0x64: {  	_ = 	snop  }
0x65: {  	[tilespmem:s23], [sflag:$0x1] =	stream.indirect_vreg.gather [hbm4b:s3+s1], $0x80, v3, vm0, $0xb8;
	[tilespmem:$0x8080] =	vst v63  }
0x66: {  	_ =	swait.ge [sflag:s24], $0x8000  }
0x67: {  	p0 =	sne.s32 s28, $0x70;
	[sflag:s24] =	ssyncset.done $0x0  }
.Ltmp0:
0x68: {  	[sflag:s24] =	ssyncadd.s32 $0xFFFF8000;
	(pc) =	sbr.rel @p0 .LBB2_2-.Ltmp0, $4  }
0x69: {  	[hbm4b:s26+s1] =	stream.linear.scatter [tilespmem:s8], [sflag:$0x2], $0x8000, $0x38;
	[tilespmem:$0x8080] =	vst v63  }
0x6a: {  	_ =	swait.ge [sflag:s7], $0x8000  }
0x6b: {  	[sflag:s7] =	ssyncset.done $0x0  }
0x6c: {  	s28 =	sadd.s32 $0x10, s28;
	s26 =	sadd.s32 $0x1000, s26;
	[sflag:s7] =	ssyncadd.s32 $0xFFFF8000  }
0x6d: {  	s25 =	sadd.s32 $0x1, s25  }
0x6e: {  	p0 =	sne.s32 s25, s4  }
.Ltmp1:
0x6f: {  	_ = 	snop;
	(pc) =	sbr.rel @p0 .LBB2_1-.Ltmp1, $1  }
0x70: {  	_ =	sdelay $0x3  }
0x71: {  	_ =	sfence.sel $0x180000  }
0x72: {  	[bflag:$0x0] =	sbarrier.arrive $0xFFFF  }
0x73: {  	p0 =	sne.s32 s2, $0x0;
	_ =	strace $0x9000004D  }
0x74: {  	s0 =	sadd.s32 @!p0 $0x100000, s0;
	[bflag:$0x2] =	sbarrier.arrive $0xFFFF  }
0x75: {  	[sflag:s0] =	ssyncadd.tile.s32 @!p0 $0x1;
	_ =	shalt  }
.Lfunc_end2:
_tile_overlayer_lowered:
.L_overlay_start_2:
0x76: {  	(tag) =	ssettag $0x2  }
0x77: {  	s0 =	rddreg [dreg:$0x0];
	s2 =	stileid.u32  }
0x78: {  	s1 =	rddreg [dreg:$0x1];
	p0 =	sne.s32 s2, $0x0  }
0x79: {  	s3 =	rddreg [dreg:$0x2];
	[bflag:$0x3] =	sbarrier.arrive $0xFFFF;
	s2 =	simm.s32 @!p0 $0x1C02  }
0x7a: {  	[timem:s3], [sflag:s2] =	dma.local @!p0 [hbm:s0], s1  }
0x7b: {  	s0 =	simm.s32 @!p0 $0x2  }
0x7c: {  	_ =	swait.ge @!p0 [sflag:s0], s1  }
0x7d: {  	s1 =	ssub.s32 @!p0 $0x0, s1;
	[sflag:s0] =	ssyncset.done @!p0 $0x0  }
0x7e: {  	[sflag:s0] =	ssyncadd.s32 @!p0 s1  }
0x7f: {  	[bflag:$0x3] =	sbarrier.arrive $0xFFFF  }
0x80: {  	_ =	shalt  }

</sc_bundles>
